<compile_context>
chip_gen: v7x
topology: tpu7x:2x2x1
jax: 0.10.2.dev20260603
libtpu: 0.0.44.dev20260713+nightly
codegen_flags: <defaults>
</compile_context>

<pallas_src>
import functools

import jax
import jax.numpy as jnp
from jax import lax
from jax.experimental import pallas as pl
from jax.experimental.pallas import tpu as pltpu
from jax.experimental.pallas import tpu_sc as plsc

B = 16384
D = 32
H = 128
NC = 2
NS = 16
NW = NC * NS
BPW = B // NW
CH = 128
NCHUNK = BPW // CH
L = 16
NSLAB = 8


def _sc_diag_body(idx_hbm, table_hbm, out_hbm, idx_v, ring, rows, *sems):
    wid = lax.axis_index("s") * NC + lax.axis_index("c")
    base = wid * BPW
    pltpu.sync_copy(idx_hbm.at[wid], idx_v)
    iota = lax.iota(jnp.int32, L)

    def scalar_idx(b):
        chunk = idx_v[0, pl.ds((b // L) * L, L)]
        sel = jnp.where(iota == b % L, chunk, 0)
        return lax.reduce_max(sel, (0,))

    def fire(b, slot):
        v = scalar_idx(b)
        col = pl.multiple_of(
            lax.shift_left(lax.shift_right_logical(v, 7), 7), CH)
        pltpu.async_copy(table_hbm.at[:, pl.ds(col, CH)], ring.at[slot],
                         sems[slot])

    def extract(b, slot):
        pltpu.make_async_copy(table_hbm.at[:, pl.ds(0, CH)], ring.at[slot],
                              sems[slot]).wait()
        v = scalar_idx(b)
        lane = jnp.full((L,), lax.bitwise_and(v, jnp.int32(CH - 1)),
                        jnp.int32)
        for t in range(D // L):
            x = plsc.load_gather(ring.at[slot], [iota + t * L, lane])
            rows[b, pl.ds(t * L, L)] = x

    for r in range(NSLAB):
        fire(r, r)

    def step(o, carry, do_fire=True):
        for r in range(NSLAB):
            b = o * NSLAB + r
            extract(b, r)
            if do_fire:
                fire(b + NSLAB, r)
        return carry

    lax.fori_loop(0, BPW // NSLAB - 1, step, 0)
    step(BPW // NSLAB - 1, 0, do_fire=False)
    pltpu.sync_copy(rows, out_hbm.at[pl.ds(base, BPW)])


@functools.cache
def _sc_diag():
    return pl.kernel(
        _sc_diag_body,
        out_type=jax.ShapeDtypeStruct((B, H), jnp.float32),
        mesh=plsc.VectorSubcoreMesh(core_axis_name="c", subcore_axis_name="s",
                                    num_cores=NC, num_subcores=NS),
        scratch_types=[
            pltpu.VMEM((1, BPW), jnp.int32),
            pltpu.VMEM((NSLAB, D, CH), jnp.float32),
            pltpu.VMEM((BPW, H), jnp.float32),
        ] + [pltpu.SemaphoreType.DMA] * NSLAB,
        compiler_params=pltpu.CompilerParams(use_tc_tiling_on_sc=True,
                                             needs_layout_passes=False),
    )


def _sc_mp_body(idx_m_hbm, idx_p_hbm, Em_hbm, Ep_hbm, dummy_hbm,
                out_m_hbm, out_p_hbm, idx_v, rows_m, rows_p, sem):
    del dummy_hbm
    wid = lax.axis_index("s") * NC + lax.axis_index("c")
    base = wid * BPW
    pltpu.sync_copy(idx_m_hbm.at[wid], idx_v.at[0])
    pltpu.sync_copy(idx_p_hbm.at[wid], idx_v.at[1])
    copies = []
    for table, rows, t in ((Em_hbm, rows_m, 0), (Ep_hbm, rows_p, 1)):
        for j in range(NCHUNK):
            copies.append(pltpu.async_copy(
                table.at[idx_v.at[t, j]],
                rows.at[pl.ds(j * CH, CH)], sem))
    for c in copies:
        c.wait()
    pltpu.sync_copy(rows_m, out_m_hbm.at[pl.ds(base, BPW)])
    pltpu.sync_copy(rows_p, out_p_hbm.at[pl.ds(base, BPW)])


@functools.cache
def _sc_mp():
    return pl.kernel(
        _sc_mp_body,
        out_type=[jax.ShapeDtypeStruct((B, D), jnp.float32)] * 2,
        mesh=plsc.VectorSubcoreMesh(core_axis_name="c", subcore_axis_name="s",
                                    num_cores=NC, num_subcores=NS),
        scratch_types=[
            pltpu.VMEM((2, NCHUNK, CH), jnp.int32),
            pltpu.VMEM((BPW, D), jnp.float32),
            pltpu.VMEM((BPW, D), jnp.float32),
            pltpu.SemaphoreType.DMA,
        ],
        compiler_params=pltpu.CompilerParams(use_tc_tiling_on_sc=False),
    )


BLK = 2048


def _proj_enc_body(enc_ref, wenc_ref, benc_ref, oenc_ref):
    y = jnp.dot(enc_ref[...], wenc_ref[...],
                preferred_element_type=jnp.float32) + benc_ref[...]
    oenc_ref[...] = jnp.maximum(y, 0.0)


def _proj_enc(encounter, wenc_t, benc):
    full = lambda s: pl.BlockSpec(s, lambda i: (0, 0))
    return pl.pallas_call(
        _proj_enc_body,
        grid=(B // BLK,),
        in_specs=[pl.BlockSpec((BLK, 128), lambda i: (i, 0)),
                  full((128, H)), full((1, H))],
        out_specs=pl.BlockSpec((BLK, H), lambda i: (i, 0)),
        out_shape=jax.ShapeDtypeStruct((B, H), jnp.float32),
    )(encounter, wenc_t, benc)


def _proj_body(rd_ref, rm_ref, rp_ref,
               wd_ref, wm_ref, wp_ref,
               bd_ref, bm_ref, bp_ref,
               od_ref, om_ref, op_ref):
    def proj(x, w, b):
        y = jnp.dot(x, w, preferred_element_type=jnp.float32) + b
        return jnp.maximum(y, 0.0)
    od_ref[...] = proj(rd_ref[:, :D], wd_ref[...], bd_ref[...])
    om_ref[...] = proj(rm_ref[...], wm_ref[...], bm_ref[...])
    op_ref[...] = proj(rp_ref[...], wp_ref[...], bp_ref[...])


def _project(rows_d, rows_m, rows_p, wd_t, wm_t, wp_t, bd, bm, bp):
    grid = (B // BLK,)
    row_spec = pl.BlockSpec((BLK, D), lambda i: (i, 0))
    full = lambda s: pl.BlockSpec(s, lambda i: (0, 0))
    return pl.pallas_call(
        _proj_body,
        grid=grid,
        in_specs=[
            pl.BlockSpec((BLK, H), lambda i: (i, 0)),
            row_spec, row_spec,
            full((D, H)), full((D, H)), full((D, H)),
            full((1, H)), full((1, H)), full((1, H)),
        ],
        out_specs=[pl.BlockSpec((BLK, H), lambda i: (i, 0))] * 3,
        out_shape=[jax.ShapeDtypeStruct((B, H), jnp.float32)] * 3,
    )(rows_d, rows_m, rows_p,
      wd_t, wm_t, wp_t, bd, bm, bp)


def kernel(encounter, diagnosis, medication, procedure,
           E_diag, E_med, E_proc,
           W_diag, b_diag, W_med, b_med, W_proc, b_proc,
           W_enc, b_enc):
    idx_d = diagnosis.astype(jnp.int32).reshape(NW, 1, BPW)
    idx_m = medication.astype(jnp.int32).reshape(NW, NCHUNK, CH)
    idx_p = procedure.astype(jnp.int32).reshape(NW, NCHUNK, CH)
    rows_d = _sc_diag()(idx_d, E_diag.T)
    rows_m, rows_p = _sc_mp()(idx_m, idx_p, E_med, E_proc, rows_d)
    out_enc = _proj_enc(encounter, W_enc.T, b_enc.reshape(1, H))
    out_d, out_m, out_p = _project(
        rows_d, rows_m, rows_p,
        W_diag.T, W_med.T, W_proc.T,
        b_diag.reshape(1, H), b_med.reshape(1, H), b_proc.reshape(1, H))
    return (out_enc, out_d, out_m, out_p)

# --- scband reference (transcript-rebuilt; emitter-appended) ---
"""Pipeline reference for scband-typewise-input-projector-67714454388968 (READ-ONLY COPY).

The authoritative reference and input builder live on the scoring server;
editing this copy changes nothing except your own understanding.
"""

import jax, jax.numpy as jnp
import numpy as np

B = 16384
H = 128
D = 32
V_DIAG = 1000000
V_MED = 100000
V_PROC = 100000


def setup_inputs(seed: int = 0) -> dict:
    key = jax.random.key(seed)
    ks = jax.random.split(key, 16)
    inp = {}
    # forward inputs (entries of x_dict)
    inp["encounter"] = jax.random.normal(ks[0], (B, 128), dtype=jnp.float32)
    inp["diagnosis"] = jax.random.randint(ks[1], (B,), 0, V_DIAG)
    inp["medication"] = jax.random.randint(ks[2], (B,), 0, V_MED)
    inp["procedure"] = jax.random.randint(ks[3], (B,), 0, V_PROC)
    # learned parameters
    inp["E_diag"] = jax.random.normal(ks[4], (V_DIAG, D), dtype=jnp.float32) * 0.02
    inp["E_med"] = jax.random.normal(ks[5], (V_MED, D), dtype=jnp.float32) * 0.02
    inp["E_proc"] = jax.random.normal(ks[6], (V_PROC, D), dtype=jnp.float32) * 0.02
    # nn.Linear weights: [out_features, in_features]
    inp["W_diag"] = jax.random.normal(ks[7], (H, D), dtype=jnp.float32) * 0.05
    inp["b_diag"] = jnp.zeros((H,), dtype=jnp.float32)
    inp["W_med"] = jax.random.normal(ks[8], (H, D), dtype=jnp.float32) * 0.05
    inp["b_med"] = jnp.zeros((H,), dtype=jnp.float32)
    inp["W_proc"] = jax.random.normal(ks[9], (H, D), dtype=jnp.float32) * 0.05
    inp["b_proc"] = jnp.zeros((H,), dtype=jnp.float32)
    inp["W_enc"] = jax.random.normal(ks[10], (H, 128), dtype=jnp.float32) * 0.05
    inp["b_enc"] = jnp.zeros((H,), dtype=jnp.float32)
    return inp


def reference(encounter, diagnosis, medication, procedure,
              E_diag, E_med, E_proc,
              W_diag, b_diag, W_med, b_med, W_proc, b_proc,
              W_enc, b_enc):
    # 'encounter' node type goes through Linear only
    out_enc = jax.nn.relu(encounter @ W_enc.T + b_enc)
    # embedding lookup (gather) then 32->128 projection, since emb_dim != hidden_dim
    out_diag = jax.nn.relu(jnp.take(E_diag, diagnosis, axis=0) @ W_diag.T + b_diag)
    out_med = jax.nn.relu(jnp.take(E_med, medication, axis=0) @ W_med.T + b_med)
    out_proc = jax.nn.relu(jnp.take(E_proc, procedure, axis=0) @ W_proc.T + b_proc)
    return (out_enc, out_diag, out_med, out_proc)

if __name__ == "__main__":
    import jax
    _d = setup_inputs()
    print(jax.jit(kernel)(*tuple(_d.values())))

</pallas_src>

<mosaic_0001>
#map = affine_map<(d0, d1) -> (0, 0, 0)>
#map1 = affine_map<(d0, d1) -> (0, 0)>
module attributes {stable_mosaic.version = 14 : i64} {
  func.func @_sc_mp_body(%arg0: i32, %arg1: i32, %arg2: memref<32x4x128xi32, #tpu.memory_space<hbm>>, %arg3: memref<32x4x128xi32, #tpu.memory_space<hbm>>, %arg4: memref<100000x32xf32, #tpu.memory_space<hbm>>, %arg5: memref<100000x32xf32, #tpu.memory_space<hbm>>, %arg6: memref<16384x128xf32, #tpu.memory_space<hbm>>, %arg7: memref<16384x32xf32, #tpu.memory_space<hbm>>, %arg8: memref<16384x32xf32, #tpu.memory_space<hbm>>, %arg9: memref<2x4x128xi32, #tpu.memory_space<vmem>>, %arg10: memref<512x32xf32, #tpu.memory_space<vmem>>, %arg11: memref<512x32xf32, #tpu.memory_space<vmem>>, %arg12: memref<!tpu.dma_semaphore, #tpu.memory_space<semaphore_mem>>) attributes {dimension_semantics = [#tpu.dimension_semantics<core_parallel>, #tpu.dimension_semantics<subcore_parallel>], iteration_bounds = array<i64: 2, 16>, scalar_prefetch = 0 : i64, scratch_operands = 4 : i64, tpu.core_type = #tpu.core_type<sc_vector_subcore>, window_params = [{transform_indices = #map}, {transform_indices = #map}, {transform_indices = #map1}, {transform_indices = #map1}, {transform_indices = #map1}, {transform_indices = #map1}, {transform_indices = #map1}]} {
    %mul3A = arith.constant 2 : i32
    %mul3A_0 = arith.muli %arg1, %mul3A : i32
    %add3A = arith.addi %mul3A_0, %arg0 : i32
    %mul3A_1 = arith.constant 512 : i32
    %mul3A_2 = arith.muli %add3A, %mul3A_1 : i32
    %run_scoped3A = arith.constant 0 : i32
    "tpu.region"() ({
      %run_scoped3A_178 = tpu.sem_alloc : memref<!tpu.dma_semaphore, #tpu.memory_space<semaphore_mem>>
      %dma_start3A_179 = arith.constant 0 : i32
      %dma_start3A_180 = arith.constant 0 : i32
      %dma_start3A_181 = tpu.memref_slice %arg9[%run_scoped3A, %dma_start3A_179, %dma_start3A_180] : memref<2x4x128xi32, #tpu.memory_space<vmem>> -> memref<1x4x128xi32, #tpu.memory_space<vmem>>
      %dma_start3A_182 = tpu.memref_squeeze %dma_start3A_181 : memref<1x4x128xi32, #tpu.memory_space<vmem>> -> memref<4x128xi32, #tpu.memory_space<vmem>>
      %dma_start3A_183 = arith.constant 0 : i32
      %dma_start3A_184 = arith.constant 0 : i32
      %dma_start3A_185 = tpu.memref_slice %arg2[%add3A, %dma_start3A_183, %dma_start3A_184] : memref<32x4x128xi32, #tpu.memory_space<hbm>> -> memref<1x4x128xi32, #tpu.memory_space<hbm>>
      %dma_start3A_186 = tpu.memref_squeeze %dma_start3A_185 : memref<1x4x128xi32, #tpu.memory_space<hbm>> -> memref<4x128xi32, #tpu.memory_space<hbm>>
      %dma_start3A_187 = arith.constant 0 : i32
      %dma_start3A_188 = arith.constant 0 : i32
      %dma_start3A_189 = tpu.memref_slice %arg9[%run_scoped3A, %dma_start3A_187, %dma_start3A_188] : memref<2x4x128xi32, #tpu.memory_space<vmem>> -> memref<1x4x128xi32, #tpu.memory_space<vmem>>
      %dma_start3A_190 = tpu.memref_squeeze %dma_start3A_189 : memref<1x4x128xi32, #tpu.memory_space<vmem>> -> memref<4x128xi32, #tpu.memory_space<vmem>>
      %dma_start3A_191 = arith.constant 0 : i32
      %dma_start3A_192 = arith.constant 0 : i32
      %dma_start3A_193 = tpu.memref_slice %arg2[%add3A, %dma_start3A_191, %dma_start3A_192] : memref<32x4x128xi32, #tpu.memory_space<hbm>> -> memref<1x4x128xi32, #tpu.memory_space<hbm>>
      %dma_start3A_194 = tpu.memref_squeeze %dma_start3A_193 : memref<1x4x128xi32, #tpu.memory_space<hbm>> -> memref<4x128xi32, #tpu.memory_space<hbm>>
      tpu.enqueue_dma source(%dma_start3A_194 : memref<4x128xi32, #tpu.memory_space<hbm>>) target(%dma_start3A_190 : memref<4x128xi32, #tpu.memory_space<vmem>>) target_semaphore(%run_scoped3A_178 : memref<!tpu.dma_semaphore, #tpu.memory_space<semaphore_mem>>)
      %dma_wait3A_195 = arith.constant 0 : i32
      %dma_wait3A_196 = arith.constant 0 : i32
      %dma_wait3A_197 = tpu.memref_slice %arg9[%run_scoped3A, %dma_wait3A_195, %dma_wait3A_196] : memref<2x4x128xi32, #tpu.memory_space<vmem>> -> memref<1x4x128xi32, #tpu.memory_space<vmem>>
      %dma_wait3A_198 = tpu.memref_squeeze %dma_wait3A_197 : memref<1x4x128xi32, #tpu.memory_space<vmem>> -> memref<4x128xi32, #tpu.memory_space<vmem>>
      %dma_wait3A_199 = arith.constant 0 : i32
      %dma_wait3A_200 = arith.constant 0 : i32
      %dma_wait3A_201 = tpu.memref_slice %arg2[%add3A, %dma_wait3A_199, %dma_wait3A_200] : memref<32x4x128xi32, #tpu.memory_space<hbm>> -> memref<1x4x128xi32, #tpu.memory_space<hbm>>
      %dma_wait3A_202 = tpu.memref_squeeze %dma_wait3A_201 : memref<1x4x128xi32, #tpu.memory_space<hbm>> -> memref<4x128xi32, #tpu.memory_space<hbm>>
      %dma_wait3A_203 = arith.constant 0 : i32
      %dma_wait3A_204 = arith.constant 0 : i32
      %dma_wait3A_205 = tpu.memref_slice %arg9[%run_scoped3A, %dma_wait3A_203, %dma_wait3A_204] : memref<2x4x128xi32, #tpu.memory_space<vmem>> -> memref<1x4x128xi32, #tpu.memory_space<vmem>>
      %dma_wait3A_206 = tpu.memref_squeeze %dma_wait3A_205 : memref<1x4x128xi32, #tpu.memory_space<vmem>> -> memref<4x128xi32, #tpu.memory_space<vmem>>
      %dma_wait3A_207 = arith.constant 0 : i32
      %dma_wait3A_208 = arith.constant 0 : i32
      %dma_wait3A_209 = tpu.memref_slice %arg2[%add3A, %dma_wait3A_207, %dma_wait3A_208] : memref<32x4x128xi32, #tpu.memory_space<hbm>> -> memref<1x4x128xi32, #tpu.memory_space<hbm>>
      %dma_wait3A_210 = tpu.memref_squeeze %dma_wait3A_209 : memref<1x4x128xi32, #tpu.memory_space<hbm>> -> memref<4x128xi32, #tpu.memory_space<hbm>>
      tpu.wait_dma2 semaphore(%run_scoped3A_178 : memref<!tpu.dma_semaphore, #tpu.memory_space<semaphore_mem>>) src(%dma_wait3A_210 : memref<4x128xi32, #tpu.memory_space<hbm>>) dst(%dma_wait3A_206 : memref<4x128xi32, #tpu.memory_space<vmem>>)
      tpu.yield
    }) : () -> ()
    %run_scoped3A_3 = arith.constant 1 : i32
    "tpu.region"() ({
      %run_scoped3A_178 = tpu.sem_alloc : memref<!tpu.dma_semaphore, #tpu.memory_space<semaphore_mem>>
      %dma_start3A_179 = arith.constant 0 : i32
      %dma_start3A_180 = arith.constant 0 : i32
      %dma_start3A_181 = tpu.memref_slice %arg9[%run_scoped3A_3, %dma_start3A_179, %dma_start3A_180] : memref<2x4x128xi32, #tpu.memory_space<vmem>> -> memref<1x4x128xi32, #tpu.memory_space<vmem>>
      %dma_start3A_182 = tpu.memref_squeeze %dma_start3A_181 : memref<1x4x128xi32, #tpu.memory_space<vmem>> -> memref<4x128xi32, #tpu.memory_space<vmem>>
      %dma_start3A_183 = arith.constant 0 : i32
      %dma_start3A_184 = arith.constant 0 : i32
      %dma_start3A_185 = tpu.memref_slice %arg3[%add3A, %dma_start3A_183, %dma_start3A_184] : memref<32x4x128xi32, #tpu.memory_space<hbm>> -> memref<1x4x128xi32, #tpu.memory_space<hbm>>
      %dma_start3A_186 = tpu.memref_squeeze %dma_start3A_185 : memref<1x4x128xi32, #tpu.memory_space<hbm>> -> memref<4x128xi32, #tpu.memory_space<hbm>>
      %dma_start3A_187 = arith.constant 0 : i32
      %dma_start3A_188 = arith.constant 0 : i32
      %dma_start3A_189 = tpu.memref_slice %arg9[%run_scoped3A_3, %dma_start3A_187, %dma_start3A_188] : memref<2x4x128xi32, #tpu.memory_space<vmem>> -> memref<1x4x128xi32, #tpu.memory_space<vmem>>
      %dma_start3A_190 = tpu.memref_squeeze %dma_start3A_189 : memref<1x4x128xi32, #tpu.memory_space<vmem>> -> memref<4x128xi32, #tpu.memory_space<vmem>>
      %dma_start3A_191 = arith.constant 0 : i32
      %dma_start3A_192 = arith.constant 0 : i32
      %dma_start3A_193 = tpu.memref_slice %arg3[%add3A, %dma_start3A_191, %dma_start3A_192] : memref<32x4x128xi32, #tpu.memory_space<hbm>> -> memref<1x4x128xi32, #tpu.memory_space<hbm>>
      %dma_start3A_194 = tpu.memref_squeeze %dma_start3A_193 : memref<1x4x128xi32, #tpu.memory_space<hbm>> -> memref<4x128xi32, #tpu.memory_space<hbm>>
      tpu.enqueue_dma source(%dma_start3A_194 : memref<4x128xi32, #tpu.memory_space<hbm>>) target(%dma_start3A_190 : memref<4x128xi32, #tpu.memory_space<vmem>>) target_semaphore(%run_scoped3A_178 : memref<!tpu.dma_semaphore, #tpu.memory_space<semaphore_mem>>)
      %dma_wait3A_195 = arith.constant 0 : i32
      %dma_wait3A_196 = arith.constant 0 : i32
      %dma_wait3A_197 = tpu.memref_slice %arg9[%run_scoped3A_3, %dma_wait3A_195, %dma_wait3A_196] : memref<2x4x128xi32, #tpu.memory_space<vmem>> -> memref<1x4x128xi32, #tpu.memory_space<vmem>>
      %dma_wait3A_198 = tpu.memref_squeeze %dma_wait3A_197 : memref<1x4x128xi32, #tpu.memory_space<vmem>> -> memref<4x128xi32, #tpu.memory_space<vmem>>
      %dma_wait3A_199 = arith.constant 0 : i32
      %dma_wait3A_200 = arith.constant 0 : i32
      %dma_wait3A_201 = tpu.memref_slice %arg3[%add3A, %dma_wait3A_199, %dma_wait3A_200] : memref<32x4x128xi32, #tpu.memory_space<hbm>> -> memref<1x4x128xi32, #tpu.memory_space<hbm>>
      %dma_wait3A_202 = tpu.memref_squeeze %dma_wait3A_201 : memref<1x4x128xi32, #tpu.memory_space<hbm>> -> memref<4x128xi32, #tpu.memory_space<hbm>>
      %dma_wait3A_203 = arith.constant 0 : i32
      %dma_wait3A_204 = arith.constant 0 : i32
      %dma_wait3A_205 = tpu.memref_slice %arg9[%run_scoped3A_3, %dma_wait3A_203, %dma_wait3A_204] : memref<2x4x128xi32, #tpu.memory_space<vmem>> -> memref<1x4x128xi32, #tpu.memory_space<vmem>>
      %dma_wait3A_206 = tpu.memref_squeeze %dma_wait3A_205 : memref<1x4x128xi32, #tpu.memory_space<vmem>> -> memref<4x128xi32, #tpu.memory_space<vmem>>
      %dma_wait3A_207 = arith.constant 0 : i32
      %dma_wait3A_208 = arith.constant 0 : i32
      %dma_wait3A_209 = tpu.memref_slice %arg3[%add3A, %dma_wait3A_207, %dma_wait3A_208] : memref<32x4x128xi32, #tpu.memory_space<hbm>> -> memref<1x4x128xi32, #tpu.memory_space<hbm>>
      %dma_wait3A_210 = tpu.memref_squeeze %dma_wait3A_209 : memref<1x4x128xi32, #tpu.memory_space<hbm>> -> memref<4x128xi32, #tpu.memory_space<hbm>>
      tpu.wait_dma2 semaphore(%run_scoped3A_178 : memref<!tpu.dma_semaphore, #tpu.memory_space<semaphore_mem>>) src(%dma_wait3A_210 : memref<4x128xi32, #tpu.memory_space<hbm>>) dst(%dma_wait3A_206 : memref<4x128xi32, #tpu.memory_space<vmem>>)
      tpu.yield
    }) : () -> ()
    %dma_start3A = arith.constant 0 : i32
    %dma_start3A_4 = arith.constant 0 : i32
    %dma_start3A_5 = arith.constant 0 : i32
    %dma_start3A_6 = arith.constant 0 : i32
    %dma_start3A_7 = tpu.memref_slice %arg10[%dma_start3A_5, %dma_start3A_6] : memref<512x32xf32, #tpu.memory_space<vmem>> -> memref<128x32xf32, #tpu.memory_space<vmem>>
    %dma_start3A_8 = arith.constant 0 : i32
    %dma_start3A_9 = tpu.memref_slice %arg9[%dma_start3A, %dma_start3A_4, %dma_start3A_8] : memref<2x4x128xi32, #tpu.memory_space<vmem>> -> memref<1x1x128xi32, #tpu.memory_space<vmem>>
    %dma_start3A_10 = tpu.memref_squeeze %dma_start3A_9 : memref<1x1x128xi32, #tpu.memory_space<vmem>> -> memref<128xi32, #tpu.memory_space<vmem>>
    %dma_start3A_11 = arith.constant 0 : i32
    %dma_start3A_12 = arith.constant 0 : i32
    %dma_start3A_13 = tpu.memref_slice %arg4[%dma_start3A_11, %dma_start3A_12] : memref<100000x32xf32, #tpu.memory_space<hbm>> -> memref<100000x32xf32, #tpu.memory_space<hbm>>
    tpu.enqueue_indirect_dma source(%dma_start3A_13 : memref<100000x32xf32, #tpu.memory_space<hbm>>) target(%dma_start3A_7 : memref<128x32xf32, #tpu.memory_space<vmem>>) offsets(%dma_start3A_10 : memref<128xi32, #tpu.memory_space<vmem>>) semaphore(%arg12 : memref<!tpu.dma_semaphore, #tpu.memory_space<semaphore_mem>>)
    %dma_start3A_14 = arith.constant 0 : i32
    %dma_start3A_15 = arith.constant 1 : i32
    %dma_start3A_16 = arith.constant 128 : i32
    %dma_start3A_17 = arith.constant 0 : i32
    %dma_start3A_18 = tpu.memref_slice %arg10[%dma_start3A_16, %dma_start3A_17] : memref<512x32xf32, #tpu.memory_space<vmem>> -> memref<128x32xf32, #tpu.memory_space<vmem>>
    %dma_start3A_19 = arith.constant 0 : i32
    %dma_start3A_20 = tpu.memref_slice %arg9[%dma_start3A_14, %dma_start3A_15, %dma_start3A_19] : memref<2x4x128xi32, #tpu.memory_space<vmem>> -> memref<1x1x128xi32, #tpu.memory_space<vmem>>
    %dma_start3A_21 = tpu.memref_squeeze %dma_start3A_20 : memref<1x1x128xi32, #tpu.memory_space<vmem>> -> memref<128xi32, #tpu.memory_space<vmem>>
    %dma_start3A_22 = arith.constant 0 : i32
    %dma_start3A_23 = arith.constant 0 : i32
    %dma_start3A_24 = tpu.memref_slice %arg4[%dma_start3A_22, %dma_start3A_23] : memref<100000x32xf32, #tpu.memory_space<hbm>> -> memref<100000x32xf32, #tpu.memory_space<hbm>>
    tpu.enqueue_indirect_dma source(%dma_start3A_24 : memref<100000x32xf32, #tpu.memory_space<hbm>>) target(%dma_start3A_18 : memref<128x32xf32, #tpu.memory_space<vmem>>) offsets(%dma_start3A_21 : memref<128xi32, #tpu.memory_space<vmem>>) semaphore(%arg12 : memref<!tpu.dma_semaphore, #tpu.memory_space<semaphore_mem>>)
    %dma_start3A_25 = arith.constant 0 : i32
    %dma_start3A_26 = arith.constant 2 : i32
    %dma_start3A_27 = arith.constant 256 : i32
    %dma_start3A_28 = arith.constant 0 : i32
    %dma_start3A_29 = tpu.memref_slice %arg10[%dma_start3A_27, %dma_start3A_28] : memref<512x32xf32, #tpu.memory_space<vmem>> -> memref<128x32xf32, #tpu.memory_space<vmem>>
    %dma_start3A_30 = arith.constant 0 : i32
    %dma_start3A_31 = tpu.memref_slice %arg9[%dma_start3A_25, %dma_start3A_26, %dma_start3A_30] : memref<2x4x128xi32, #tpu.memory_space<vmem>> -> memref<1x1x128xi32, #tpu.memory_space<vmem>>
    %dma_start3A_32 = tpu.memref_squeeze %dma_start3A_31 : memref<1x1x128xi32, #tpu.memory_space<vmem>> -> memref<128xi32, #tpu.memory_space<vmem>>
    %dma_start3A_33 = arith.constant 0 : i32
    %dma_start3A_34 = arith.constant 0 : i32
    %dma_start3A_35 = tpu.memref_slice %arg4[%dma_start3A_33, %dma_start3A_34] : memref<100000x32xf32, #tpu.memory_space<hbm>> -> memref<100000x32xf32, #tpu.memory_space<hbm>>
    tpu.enqueue_indirect_dma source(%dma_start3A_35 : memref<100000x32xf32, #tpu.memory_space<hbm>>) target(%dma_start3A_29 : memref<128x32xf32, #tpu.memory_space<vmem>>) offsets(%dma_start3A_32 : memref<128xi32, #tpu.memory_space<vmem>>) semaphore(%arg12 : memref<!tpu.dma_semaphore, #tpu.memory_space<semaphore_mem>>)
    %dma_start3A_36 = arith.constant 0 : i32
    %dma_start3A_37 = arith.constant 3 : i32
    %dma_start3A_38 = arith.constant 384 : i32
    %dma_start3A_39 = arith.constant 0 : i32
    %dma_start3A_40 = tpu.memref_slice %arg10[%dma_start3A_38, %dma_start3A_39] : memref<512x32xf32, #tpu.memory_space<vmem>> -> memref<128x32xf32, #tpu.memory_space<vmem>>
    %dma_start3A_41 = arith.constant 0 : i32
    %dma_start3A_42 = tpu.memref_slice %arg9[%dma_start3A_36, %dma_start3A_37, %dma_start3A_41] : memref<2x4x128xi32, #tpu.memory_space<vmem>> -> memref<1x1x128xi32, #tpu.memory_space<vmem>>
    %dma_start3A_43 = tpu.memref_squeeze %dma_start3A_42 : memref<1x1x128xi32, #tpu.memory_space<vmem>> -> memref<128xi32, #tpu.memory_space<vmem>>
    %dma_start3A_44 = arith.constant 0 : i32
    %dma_start3A_45 = arith.constant 0 : i32
    %dma_start3A_46 = tpu.memref_slice %arg4[%dma_start3A_44, %dma_start3A_45] : memref<100000x32xf32, #tpu.memory_space<hbm>> -> memref<100000x32xf32, #tpu.memory_space<hbm>>
    tpu.enqueue_indirect_dma source(%dma_start3A_46 : memref<100000x32xf32, #tpu.memory_space<hbm>>) target(%dma_start3A_40 : memref<128x32xf32, #tpu.memory_space<vmem>>) offsets(%dma_start3A_43 : memref<128xi32, #tpu.memory_space<vmem>>) semaphore(%arg12 : memref<!tpu.dma_semaphore, #tpu.memory_space<semaphore_mem>>)
    %dma_start3A_47 = arith.constant 1 : i32
    %dma_start3A_48 = arith.constant 0 : i32
    %dma_start3A_49 = arith.constant 0 : i32
    %dma_start3A_50 = arith.constant 0 : i32
    %dma_start3A_51 = tpu.memref_slice %arg11[%dma_start3A_49, %dma_start3A_50] : memref<512x32xf32, #tpu.memory_space<vmem>> -> memref<128x32xf32, #tpu.memory_space<vmem>>
    %dma_start3A_52 = arith.constant 0 : i32
    %dma_start3A_53 = tpu.memref_slice %arg9[%dma_start3A_47, %dma_start3A_48, %dma_start3A_52] : memref<2x4x128xi32, #tpu.memory_space<vmem>> -> memref<1x1x128xi32, #tpu.memory_space<vmem>>
    %dma_start3A_54 = tpu.memref_squeeze %dma_start3A_53 : memref<1x1x128xi32, #tpu.memory_space<vmem>> -> memref<128xi32, #tpu.memory_space<vmem>>
    %dma_start3A_55 = arith.constant 0 : i32
    %dma_start3A_56 = arith.constant 0 : i32
    %dma_start3A_57 = tpu.memref_slice %arg5[%dma_start3A_55, %dma_start3A_56] : memref<100000x32xf32, #tpu.memory_space<hbm>> -> memref<100000x32xf32, #tpu.memory_space<hbm>>
    tpu.enqueue_indirect_dma source(%dma_start3A_57 : memref<100000x32xf32, #tpu.memory_space<hbm>>) target(%dma_start3A_51 : memref<128x32xf32, #tpu.memory_space<vmem>>) offsets(%dma_start3A_54 : memref<128xi32, #tpu.memory_space<vmem>>) semaphore(%arg12 : memref<!tpu.dma_semaphore, #tpu.memory_space<semaphore_mem>>)
    %dma_start3A_58 = arith.constant 1 : i32
    %dma_start3A_59 = arith.constant 1 : i32
    %dma_start3A_60 = arith.constant 128 : i32
    %dma_start3A_61 = arith.constant 0 : i32
    %dma_start3A_62 = tpu.memref_slice %arg11[%dma_start3A_60, %dma_start3A_61] : memref<512x32xf32, #tpu.memory_space<vmem>> -> memref<128x32xf32, #tpu.memory_space<vmem>>
    %dma_start3A_63 = arith.constant 0 : i32
    %dma_start3A_64 = tpu.memref_slice %arg9[%dma_start3A_58, %dma_start3A_59, %dma_start3A_63] : memref<2x4x128xi32, #tpu.memory_space<vmem>> -> memref<1x1x128xi32, #tpu.memory_space<vmem>>
    %dma_start3A_65 = tpu.memref_squeeze %dma_start3A_64 : memref<1x1x128xi32, #tpu.memory_space<vmem>> -> memref<128xi32, #tpu.memory_space<vmem>>
    %dma_start3A_66 = arith.constant 0 : i32
    %dma_start3A_67 = arith.constant 0 : i32
    %dma_start3A_68 = tpu.memref_slice %arg5[%dma_start3A_66, %dma_start3A_67] : memref<100000x32xf32, #tpu.memory_space<hbm>> -> memref<100000x32xf32, #tpu.memory_space<hbm>>
    tpu.enqueue_indirect_dma source(%dma_start3A_68 : memref<100000x32xf32, #tpu.memory_space<hbm>>) target(%dma_start3A_62 : memref<128x32xf32, #tpu.memory_space<vmem>>) offsets(%dma_start3A_65 : memref<128xi32, #tpu.memory_space<vmem>>) semaphore(%arg12 : memref<!tpu.dma_semaphore, #tpu.memory_space<semaphore_mem>>)
    %dma_start3A_69 = arith.constant 1 : i32
    %dma_start3A_70 = arith.constant 2 : i32
    %dma_start3A_71 = arith.constant 256 : i32
    %dma_start3A_72 = arith.constant 0 : i32
    %dma_start3A_73 = tpu.memref_slice %arg11[%dma_start3A_71, %dma_start3A_72] : memref<512x32xf32, #tpu.memory_space<vmem>> -> memref<128x32xf32, #tpu.memory_space<vmem>>
    %dma_start3A_74 = arith.constant 0 : i32
    %dma_start3A_75 = tpu.memref_slice %arg9[%dma_start3A_69, %dma_start3A_70, %dma_start3A_74] : memref<2x4x128xi32, #tpu.memory_space<vmem>> -> memref<1x1x128xi32, #tpu.memory_space<vmem>>
    %dma_start3A_76 = tpu.memref_squeeze %dma_start3A_75 : memref<1x1x128xi32, #tpu.memory_space<vmem>> -> memref<128xi32, #tpu.memory_space<vmem>>
    %dma_start3A_77 = arith.constant 0 : i32
    %dma_start3A_78 = arith.constant 0 : i32
    %dma_start3A_79 = tpu.memref_slice %arg5[%dma_start3A_77, %dma_start3A_78] : memref<100000x32xf32, #tpu.memory_space<hbm>> -> memref<100000x32xf32, #tpu.memory_space<hbm>>
    tpu.enqueue_indirect_dma source(%dma_start3A_79 : memref<100000x32xf32, #tpu.memory_space<hbm>>) target(%dma_start3A_73 : memref<128x32xf32, #tpu.memory_space<vmem>>) offsets(%dma_start3A_76 : memref<128xi32, #tpu.memory_space<vmem>>) semaphore(%arg12 : memref<!tpu.dma_semaphore, #tpu.memory_space<semaphore_mem>>)
    %dma_start3A_80 = arith.constant 1 : i32
    %dma_start3A_81 = arith.constant 3 : i32
    %dma_start3A_82 = arith.constant 384 : i32
    %dma_start3A_83 = arith.constant 0 : i32
    %dma_start3A_84 = tpu.memref_slice %arg11[%dma_start3A_82, %dma_start3A_83] : memref<512x32xf32, #tpu.memory_space<vmem>> -> memref<128x32xf32, #tpu.memory_space<vmem>>
    %dma_start3A_85 = arith.constant 0 : i32
    %dma_start3A_86 = tpu.memref_slice %arg9[%dma_start3A_80, %dma_start3A_81, %dma_start3A_85] : memref<2x4x128xi32, #tpu.memory_space<vmem>> -> memref<1x1x128xi32, #tpu.memory_space<vmem>>
    %dma_start3A_87 = tpu.memref_squeeze %dma_start3A_86 : memref<1x1x128xi32, #tpu.memory_space<vmem>> -> memref<128xi32, #tpu.memory_space<vmem>>
    %dma_start3A_88 = arith.constant 0 : i32
    %dma_start3A_89 = arith.constant 0 : i32
    %dma_start3A_90 = tpu.memref_slice %arg5[%dma_start3A_88, %dma_start3A_89] : memref<100000x32xf32, #tpu.memory_space<hbm>> -> memref<100000x32xf32, #tpu.memory_space<hbm>>
    tpu.enqueue_indirect_dma source(%dma_start3A_90 : memref<100000x32xf32, #tpu.memory_space<hbm>>) target(%dma_start3A_84 : memref<128x32xf32, #tpu.memory_space<vmem>>) offsets(%dma_start3A_87 : memref<128xi32, #tpu.memory_space<vmem>>) semaphore(%arg12 : memref<!tpu.dma_semaphore, #tpu.memory_space<semaphore_mem>>)
    %dma_wait3A = arith.constant 0 : i32
    %dma_wait3A_91 = arith.constant 0 : i32
    %dma_wait3A_92 = arith.constant 0 : i32
    %dma_wait3A_93 = arith.constant 0 : i32
    %dma_wait3A_94 = tpu.memref_slice %arg10[%dma_wait3A_92, %dma_wait3A_93] : memref<512x32xf32, #tpu.memory_space<vmem>> -> memref<128x32xf32, #tpu.memory_space<vmem>>
    %dma_wait3A_95 = arith.constant 0 : i32
    %dma_wait3A_96 = tpu.memref_slice %arg9[%dma_wait3A, %dma_wait3A_91, %dma_wait3A_95] : memref<2x4x128xi32, #tpu.memory_space<vmem>> -> memref<1x1x128xi32, #tpu.memory_space<vmem>>
    %dma_wait3A_97 = tpu.memref_squeeze %dma_wait3A_96 : memref<1x1x128xi32, #tpu.memory_space<vmem>> -> memref<128xi32, #tpu.memory_space<vmem>>
    %dma_wait3A_98 = arith.constant 0 : i32
    %dma_wait3A_99 = arith.constant 0 : i32
    %dma_wait3A_100 = tpu.memref_slice %arg4[%dma_wait3A_98, %dma_wait3A_99] : memref<100000x32xf32, #tpu.memory_space<hbm>> -> memref<100000x32xf32, #tpu.memory_space<hbm>>
    tpu.wait_indirect_dma semaphore(%arg12 : memref<!tpu.dma_semaphore, #tpu.memory_space<semaphore_mem>>) src(%dma_wait3A_100 : memref<100000x32xf32, #tpu.memory_space<hbm>>) dst(%dma_wait3A_94 : memref<128x32xf32, #tpu.memory_space<vmem>>)
    %dma_wait3A_101 = arith.constant 0 : i32
    %dma_wait3A_102 = arith.constant 1 : i32
    %dma_wait3A_103 = arith.constant 128 : i32
    %dma_wait3A_104 = arith.constant 0 : i32
    %dma_wait3A_105 = tpu.memref_slice %arg10[%dma_wait3A_103, %dma_wait3A_104] : memref<512x32xf32, #tpu.memory_space<vmem>> -> memref<128x32xf32, #tpu.memory_space<vmem>>
    %dma_wait3A_106 = arith.constant 0 : i32
    %dma_wait3A_107 = tpu.memref_slice %arg9[%dma_wait3A_101, %dma_wait3A_102, %dma_wait3A_106] : memref<2x4x128xi32, #tpu.memory_space<vmem>> -> memref<1x1x128xi32, #tpu.memory_space<vmem>>
    %dma_wait3A_108 = tpu.memref_squeeze %dma_wait3A_107 : memref<1x1x128xi32, #tpu.memory_space<vmem>> -> memref<128xi32, #tpu.memory_space<vmem>>
    %dma_wait3A_109 = arith.constant 0 : i32
    %dma_wait3A_110 = arith.constant 0 : i32
    %dma_wait3A_111 = tpu.memref_slice %arg4[%dma_wait3A_109, %dma_wait3A_110] : memref<100000x32xf32, #tpu.memory_space<hbm>> -> memref<100000x32xf32, #tpu.memory_space<hbm>>
    tpu.wait_indirect_dma semaphore(%arg12 : memref<!tpu.dma_semaphore, #tpu.memory_space<semaphore_mem>>) src(%dma_wait3A_111 : memref<100000x32xf32, #tpu.memory_space<hbm>>) dst(%dma_wait3A_105 : memref<128x32xf32, #tpu.memory_space<vmem>>)
    %dma_wait3A_112 = arith.constant 0 : i32
    %dma_wait3A_113 = arith.constant 2 : i32
    %dma_wait3A_114 = arith.constant 256 : i32
    %dma_wait3A_115 = arith.constant 0 : i32
    %dma_wait3A_116 = tpu.memref_slice %arg10[%dma_wait3A_114, %dma_wait3A_115] : memref<512x32xf32, #tpu.memory_space<vmem>> -> memref<128x32xf32, #tpu.memory_space<vmem>>
    %dma_wait3A_117 = arith.constant 0 : i32
    %dma_wait3A_118 = tpu.memref_slice %arg9[%dma_wait3A_112, %dma_wait3A_113, %dma_wait3A_117] : memref<2x4x128xi32, #tpu.memory_space<vmem>> -> memref<1x1x128xi32, #tpu.memory_space<vmem>>
    %dma_wait3A_119 = tpu.memref_squeeze %dma_wait3A_118 : memref<1x1x128xi32, #tpu.memory_space<vmem>> -> memref<128xi32, #tpu.memory_space<vmem>>
    %dma_wait3A_120 = arith.constant 0 : i32
    %dma_wait3A_121 = arith.constant 0 : i32
    %dma_wait3A_122 = tpu.memref_slice %arg4[%dma_wait3A_120, %dma_wait3A_121] : memref<100000x32xf32, #tpu.memory_space<hbm>> -> memref<100000x32xf32, #tpu.memory_space<hbm>>
    tpu.wait_indirect_dma semaphore(%arg12 : memref<!tpu.dma_semaphore, #tpu.memory_space<semaphore_mem>>) src(%dma_wait3A_122 : memref<100000x32xf32, #tpu.memory_space<hbm>>) dst(%dma_wait3A_116 : memref<128x32xf32, #tpu.memory_space<vmem>>)
    %dma_wait3A_123 = arith.constant 0 : i32
    %dma_wait3A_124 = arith.constant 3 : i32
    %dma_wait3A_125 = arith.constant 384 : i32
    %dma_wait3A_126 = arith.constant 0 : i32
    %dma_wait3A_127 = tpu.memref_slice %arg10[%dma_wait3A_125, %dma_wait3A_126] : memref<512x32xf32, #tpu.memory_space<vmem>> -> memref<128x32xf32, #tpu.memory_space<vmem>>
    %dma_wait3A_128 = arith.constant 0 : i32
    %dma_wait3A_129 = tpu.memref_slice %arg9[%dma_wait3A_123, %dma_wait3A_124, %dma_wait3A_128] : memref<2x4x128xi32, #tpu.memory_space<vmem>> -> memref<1x1x128xi32, #tpu.memory_space<vmem>>
    %dma_wait3A_130 = tpu.memref_squeeze %dma_wait3A_129 : memref<1x1x128xi32, #tpu.memory_space<vmem>> -> memref<128xi32, #tpu.memory_space<vmem>>
    %dma_wait3A_131 = arith.constant 0 : i32
    %dma_wait3A_132 = arith.constant 0 : i32
    %dma_wait3A_133 = tpu.memref_slice %arg4[%dma_wait3A_131, %dma_wait3A_132] : memref<100000x32xf32, #tpu.memory_space<hbm>> -> memref<100000x32xf32, #tpu.memory_space<hbm>>
    tpu.wait_indirect_dma semaphore(%arg12 : memref<!tpu.dma_semaphore, #tpu.memory_space<semaphore_mem>>) src(%dma_wait3A_133 : memref<100000x32xf32, #tpu.memory_space<hbm>>) dst(%dma_wait3A_127 : memref<128x32xf32, #tpu.memory_space<vmem>>)
    %dma_wait3A_134 = arith.constant 1 : i32
    %dma_wait3A_135 = arith.constant 0 : i32
    %dma_wait3A_136 = arith.constant 0 : i32
    %dma_wait3A_137 = arith.constant 0 : i32
    %dma_wait3A_138 = tpu.memref_slice %arg11[%dma_wait3A_136, %dma_wait3A_137] : memref<512x32xf32, #tpu.memory_space<vmem>> -> memref<128x32xf32, #tpu.memory_space<vmem>>
    %dma_wait3A_139 = arith.constant 0 : i32
    %dma_wait3A_140 = tpu.memref_slice %arg9[%dma_wait3A_134, %dma_wait3A_135, %dma_wait3A_139] : memref<2x4x128xi32, #tpu.memory_space<vmem>> -> memref<1x1x128xi32, #tpu.memory_space<vmem>>
    %dma_wait3A_141 = tpu.memref_squeeze %dma_wait3A_140 : memref<1x1x128xi32, #tpu.memory_space<vmem>> -> memref<128xi32, #tpu.memory_space<vmem>>
    %dma_wait3A_142 = arith.constant 0 : i32
    %dma_wait3A_143 = arith.constant 0 : i32
    %dma_wait3A_144 = tpu.memref_slice %arg5[%dma_wait3A_142, %dma_wait3A_143] : memref<100000x32xf32, #tpu.memory_space<hbm>> -> memref<100000x32xf32, #tpu.memory_space<hbm>>
    tpu.wait_indirect_dma semaphore(%arg12 : memref<!tpu.dma_semaphore, #tpu.memory_space<semaphore_mem>>) src(%dma_wait3A_144 : memref<100000x32xf32, #tpu.memory_space<hbm>>) dst(%dma_wait3A_138 : memref<128x32xf32, #tpu.memory_space<vmem>>)
    %dma_wait3A_145 = arith.constant 1 : i32
    %dma_wait3A_146 = arith.constant 1 : i32
    %dma_wait3A_147 = arith.constant 128 : i32
    %dma_wait3A_148 = arith.constant 0 : i32
    %dma_wait3A_149 = tpu.memref_slice %arg11[%dma_wait3A_147, %dma_wait3A_148] : memref<512x32xf32, #tpu.memory_space<vmem>> -> memref<128x32xf32, #tpu.memory_space<vmem>>
    %dma_wait3A_150 = arith.constant 0 : i32
    %dma_wait3A_151 = tpu.memref_slice %arg9[%dma_wait3A_145, %dma_wait3A_146, %dma_wait3A_150] : memref<2x4x128xi32, #tpu.memory_space<vmem>> -> memref<1x1x128xi32, #tpu.memory_space<vmem>>
    %dma_wait3A_152 = tpu.memref_squeeze %dma_wait3A_151 : memref<1x1x128xi32, #tpu.memory_space<vmem>> -> memref<128xi32, #tpu.memory_space<vmem>>
    %dma_wait3A_153 = arith.constant 0 : i32
    %dma_wait3A_154 = arith.constant 0 : i32
    %dma_wait3A_155 = tpu.memref_slice %arg5[%dma_wait3A_153, %dma_wait3A_154] : memref<100000x32xf32, #tpu.memory_space<hbm>> -> memref<100000x32xf32, #tpu.memory_space<hbm>>
    tpu.wait_indirect_dma semaphore(%arg12 : memref<!tpu.dma_semaphore, #tpu.memory_space<semaphore_mem>>) src(%dma_wait3A_155 : memref<100000x32xf32, #tpu.memory_space<hbm>>) dst(%dma_wait3A_149 : memref<128x32xf32, #tpu.memory_space<vmem>>)
    %dma_wait3A_156 = arith.constant 1 : i32
    %dma_wait3A_157 = arith.constant 2 : i32
    %dma_wait3A_158 = arith.constant 256 : i32
    %dma_wait3A_159 = arith.constant 0 : i32
    %dma_wait3A_160 = tpu.memref_slice %arg11[%dma_wait3A_158, %dma_wait3A_159] : memref<512x32xf32, #tpu.memory_space<vmem>> -> memref<128x32xf32, #tpu.memory_space<vmem>>
    %dma_wait3A_161 = arith.constant 0 : i32
    %dma_wait3A_162 = tpu.memref_slice %arg9[%dma_wait3A_156, %dma_wait3A_157, %dma_wait3A_161] : memref<2x4x128xi32, #tpu.memory_space<vmem>> -> memref<1x1x128xi32, #tpu.memory_space<vmem>>
    %dma_wait3A_163 = tpu.memref_squeeze %dma_wait3A_162 : memref<1x1x128xi32, #tpu.memory_space<vmem>> -> memref<128xi32, #tpu.memory_space<vmem>>
    %dma_wait3A_164 = arith.constant 0 : i32
    %dma_wait3A_165 = arith.constant 0 : i32
    %dma_wait3A_166 = tpu.memref_slice %arg5[%dma_wait3A_164, %dma_wait3A_165] : memref<100000x32xf32, #tpu.memory_space<hbm>> -> memref<100000x32xf32, #tpu.memory_space<hbm>>
    tpu.wait_indirect_dma semaphore(%arg12 : memref<!tpu.dma_semaphore, #tpu.memory_space<semaphore_mem>>) src(%dma_wait3A_166 : memref<100000x32xf32, #tpu.memory_space<hbm>>) dst(%dma_wait3A_160 : memref<128x32xf32, #tpu.memory_space<vmem>>)
    %dma_wait3A_167 = arith.constant 1 : i32
    %dma_wait3A_168 = arith.constant 3 : i32
    %dma_wait3A_169 = arith.constant 384 : i32
    %dma_wait3A_170 = arith.constant 0 : i32
    %dma_wait3A_171 = tpu.memref_slice %arg11[%dma_wait3A_169, %dma_wait3A_170] : memref<512x32xf32, #tpu.memory_space<vmem>> -> memref<128x32xf32, #tpu.memory_space<vmem>>
    %dma_wait3A_172 = arith.constant 0 : i32
    %dma_wait3A_173 = tpu.memref_slice %arg9[%dma_wait3A_167, %dma_wait3A_168, %dma_wait3A_172] : memref<2x4x128xi32, #tpu.memory_space<vmem>> -> memref<1x1x128xi32, #tpu.memory_space<vmem>>
    %dma_wait3A_174 = tpu.memref_squeeze %dma_wait3A_173 : memref<1x1x128xi32, #tpu.memory_space<vmem>> -> memref<128xi32, #tpu.memory_space<vmem>>
    %dma_wait3A_175 = arith.constant 0 : i32
    %dma_wait3A_176 = arith.constant 0 : i32
    %dma_wait3A_177 = tpu.memref_slice %arg5[%dma_wait3A_175, %dma_wait3A_176] : memref<100000x32xf32, #tpu.memory_space<hbm>> -> memref<100000x32xf32, #tpu.memory_space<hbm>>
    tpu.wait_indirect_dma semaphore(%arg12 : memref<!tpu.dma_semaphore, #tpu.memory_space<semaphore_mem>>) src(%dma_wait3A_177 : memref<100000x32xf32, #tpu.memory_space<hbm>>) dst(%dma_wait3A_171 : memref<128x32xf32, #tpu.memory_space<vmem>>)
    "tpu.region"() ({
      %run_scoped3A_178 = tpu.sem_alloc : memref<!tpu.dma_semaphore, #tpu.memory_space<semaphore_mem>>
      %dma_start3A_179 = arith.constant 0 : i32
      %dma_start3A_180 = tpu.memref_slice %arg7[%mul3A_2, %dma_start3A_179] : memref<16384x32xf32, #tpu.memory_space<hbm>> -> memref<512x32xf32, #tpu.memory_space<hbm>>
      %dma_start3A_181 = arith.constant 0 : i32
      %dma_start3A_182 = tpu.memref_slice %arg7[%mul3A_2, %dma_start3A_181] : memref<16384x32xf32, #tpu.memory_space<hbm>> -> memref<512x32xf32, #tpu.memory_space<hbm>>
      tpu.enqueue_dma source(%arg10 : memref<512x32xf32, #tpu.memory_space<vmem>>) target(%dma_start3A_182 : memref<512x32xf32, #tpu.memory_space<hbm>>) target_semaphore(%run_scoped3A_178 : memref<!tpu.dma_semaphore, #tpu.memory_space<semaphore_mem>>)
      %dma_wait3A_183 = arith.constant 0 : i32
      %dma_wait3A_184 = tpu.memref_slice %arg7[%mul3A_2, %dma_wait3A_183] : memref<16384x32xf32, #tpu.memory_space<hbm>> -> memref<512x32xf32, #tpu.memory_space<hbm>>
      %dma_wait3A_185 = arith.constant 0 : i32
      %dma_wait3A_186 = tpu.memref_slice %arg7[%mul3A_2, %dma_wait3A_185] : memref<16384x32xf32, #tpu.memory_space<hbm>> -> memref<512x32xf32, #tpu.memory_space<hbm>>
      tpu.wait_dma2 semaphore(%run_scoped3A_178 : memref<!tpu.dma_semaphore, #tpu.memory_space<semaphore_mem>>) src(%arg10 : memref<512x32xf32, #tpu.memory_space<vmem>>) dst(%dma_wait3A_186 : memref<512x32xf32, #tpu.memory_space<hbm>>)
      tpu.yield
    }) : () -> ()
    "tpu.region"() ({
      %run_scoped3A_178 = tpu.sem_alloc : memref<!tpu.dma_semaphore, #tpu.memory_space<semaphore_mem>>
      %dma_start3A_179 = arith.constant 0 : i32
      %dma_start3A_180 = tpu.memref_slice %arg8[%mul3A_2, %dma_start3A_179] : memref<16384x32xf32, #tpu.memory_space<hbm>> -> memref<512x32xf32, #tpu.memory_space<hbm>>
      %dma_start3A_181 = arith.constant 0 : i32
      %dma_start3A_182 = tpu.memref_slice %arg8[%mul3A_2, %dma_start3A_181] : memref<16384x32xf32, #tpu.memory_space<hbm>> -> memref<512x32xf32, #tpu.memory_space<hbm>>
      tpu.enqueue_dma source(%arg11 : memref<512x32xf32, #tpu.memory_space<vmem>>) target(%dma_start3A_182 : memref<512x32xf32, #tpu.memory_space<hbm>>) target_semaphore(%run_scoped3A_178 : memref<!tpu.dma_semaphore, #tpu.memory_space<semaphore_mem>>)
      %dma_wait3A_183 = arith.constant 0 : i32
      %dma_wait3A_184 = tpu.memref_slice %arg8[%mul3A_2, %dma_wait3A_183] : memref<16384x32xf32, #tpu.memory_space<hbm>> -> memref<512x32xf32, #tpu.memory_space<hbm>>
      %dma_wait3A_185 = arith.constant 0 : i32
      %dma_wait3A_186 = tpu.memref_slice %arg8[%mul3A_2, %dma_wait3A_185] : memref<16384x32xf32, #tpu.memory_space<hbm>> -> memref<512x32xf32, #tpu.memory_space<hbm>>
      tpu.wait_dma2 semaphore(%run_scoped3A_178 : memref<!tpu.dma_semaphore, #tpu.memory_space<semaphore_mem>>) src(%arg11 : memref<512x32xf32, #tpu.memory_space<vmem>>) dst(%dma_wait3A_186 : memref<512x32xf32, #tpu.memory_space<hbm>>)
      tpu.yield
    }) : () -> ()
    return
  }
}

#map = affine_map<(d0, d1) -> (0, 0, 0)>
#map1 = affine_map<(d0, d1) -> (0, 0)>
module attributes {stable_mosaic.version = 14 : i64} {
  func.func @_sc_diag_body(%arg0: i32, %arg1: i32, %arg2: memref<32x1x512xi32, #tpu.memory_space<hbm>>, %arg3: memref<32x1000000xf32, #tpu.memory_space<hbm>>, %arg4: memref<16384x128xf32, #tpu.memory_space<hbm>>, %arg5: memref<1x512xi32, #tpu.memory_space<vmem>>, %arg6: memref<8x32x128xf32, #tpu.memory_space<vmem>>, %arg7: memref<512x128xf32, #tpu.memory_space<vmem>>, %arg8: memref<!tpu.dma_semaphore, #tpu.memory_space<semaphore_mem>>, %arg9: memref<!tpu.dma_semaphore, #tpu.memory_space<semaphore_mem>>, %arg10: memref<!tpu.dma_semaphore, #tpu.memory_space<semaphore_mem>>, %arg11: memref<!tpu.dma_semaphore, #tpu.memory_space<semaphore_mem>>, %arg12: memref<!tpu.dma_semaphore, #tpu.memory_space<semaphore_mem>>, %arg13: memref<!tpu.dma_semaphore, #tpu.memory_space<semaphore_mem>>, %arg14: memref<!tpu.dma_semaphore, #tpu.memory_space<semaphore_mem>>, %arg15: memref<!tpu.dma_semaphore, #tpu.memory_space<semaphore_mem>>) attributes {dimension_semantics = [#tpu.dimension_semantics<core_parallel>, #tpu.dimension_semantics<subcore_parallel>], iteration_bounds = array<i64: 2, 16>, scalar_prefetch = 0 : i64, scratch_operands = 11 : i64, tpu.core_type = #tpu.core_type<sc_vector_subcore>, window_params = [{transform_indices = #map}, {transform_indices = #map1}, {transform_indices = #map1}]} {
    %mul3A = arith.constant 2 : i32
    %mul3A_0 = arith.muli %arg1, %mul3A : i32
    %add3A = arith.addi %mul3A_0, %arg0 : i32
    %mul3A_1 = arith.constant 512 : i32
    %mul3A_2 = arith.muli %add3A, %mul3A_1 : i32
    "tpu.region"() ({
      %run_scoped3A = tpu.sem_alloc : memref<!tpu.dma_semaphore, #tpu.memory_space<semaphore_mem>>
      %dma_start3A_778 = arith.constant 0 : i32
      %dma_start3A_779 = arith.constant 0 : i32
      %dma_start3A_780 = tpu.memref_slice %arg2[%add3A, %dma_start3A_778, %dma_start3A_779] : memref<32x1x512xi32, #tpu.memory_space<hbm>> -> memref<1x1x512xi32, #tpu.memory_space<hbm>>
      %dma_start3A_781 = tpu.memref_squeeze %dma_start3A_780 : memref<1x1x512xi32, #tpu.memory_space<hbm>> -> memref<1x512xi32, #tpu.memory_space<hbm>>
      %dma_start3A_782 = arith.constant 0 : i32
      %dma_start3A_783 = arith.constant 0 : i32
      %dma_start3A_784 = tpu.memref_slice %arg2[%add3A, %dma_start3A_782, %dma_start3A_783] : memref<32x1x512xi32, #tpu.memory_space<hbm>> -> memref<1x1x512xi32, #tpu.memory_space<hbm>>
      %dma_start3A_785 = tpu.memref_squeeze %dma_start3A_784 : memref<1x1x512xi32, #tpu.memory_space<hbm>> -> memref<1x512xi32, #tpu.memory_space<hbm>>
      tpu.enqueue_dma source(%dma_start3A_785 : memref<1x512xi32, #tpu.memory_space<hbm>>) target(%arg5 : memref<1x512xi32, #tpu.memory_space<vmem>>) target_semaphore(%run_scoped3A : memref<!tpu.dma_semaphore, #tpu.memory_space<semaphore_mem>>)
      %dma_wait3A_786 = arith.constant 0 : i32
      %dma_wait3A_787 = arith.constant 0 : i32
      %dma_wait3A_788 = tpu.memref_slice %arg2[%add3A, %dma_wait3A_786, %dma_wait3A_787] : memref<32x1x512xi32, #tpu.memory_space<hbm>> -> memref<1x1x512xi32, #tpu.memory_space<hbm>>
      %dma_wait3A_789 = tpu.memref_squeeze %dma_wait3A_788 : memref<1x1x512xi32, #tpu.memory_space<hbm>> -> memref<1x512xi32, #tpu.memory_space<hbm>>
      %dma_wait3A_790 = arith.constant 0 : i32
      %dma_wait3A_791 = arith.constant 0 : i32
      %dma_wait3A_792 = tpu.memref_slice %arg2[%add3A, %dma_wait3A_790, %dma_wait3A_791] : memref<32x1x512xi32, #tpu.memory_space<hbm>> -> memref<1x1x512xi32, #tpu.memory_space<hbm>>
      %dma_wait3A_793 = tpu.memref_squeeze %dma_wait3A_792 : memref<1x1x512xi32, #tpu.memory_space<hbm>> -> memref<1x512xi32, #tpu.memory_space<hbm>>
      tpu.wait_dma2 semaphore(%run_scoped3A : memref<!tpu.dma_semaphore, #tpu.memory_space<semaphore_mem>>) src(%dma_wait3A_793 : memref<1x512xi32, #tpu.memory_space<hbm>>) dst(%arg5 : memref<1x512xi32, #tpu.memory_space<vmem>>)
      tpu.yield
    }) : () -> ()
    %iota3A = tpu.iota {dimensions = array<i32: 0>} : vector<16xi32>
    %get3A = arith.constant 0 : i32
    %get3A_3 = arith.index_cast %get3A : i32 to index
    %get3A_4 = arith.constant 0 : index
    %get3A_5 = tpu.vector_load %arg5[%get3A_3, %get3A_4] {strides = array<i32>} : memref<1x512xi32, #tpu.memory_space<vmem>>, vector<16xi32>,
    %eq3A = arith.constant 0 : i32
    %eq3A_6 = vector.broadcast %eq3A : i32 to vector<16xi32>
    %eq3A_7 = arith.cmpi eq, %iota3A, %eq3A_6 : vector<16xi32>
    %jit3A = arith.constant 0 : i32
    %broadcast_in_dim3A = vector.broadcast %jit3A : i32 to vector<16xi32>
    %select_n3A = arith.select %eq3A_7, %get3A_5, %broadcast_in_dim3A : vector<16xi1>, vector<16xi32>
    %reduce_max3A = arith.constant true
    %reduce_max3A_8 = vector.broadcast %reduce_max3A : i1 to vector<16xi1>
    %reduce_max3A_9 = arith.constant -2147483648 : i32
    %reduce_max3A_10 = vector.broadcast %reduce_max3A_9 : i32 to vector<16xi32>
    %reduce_max3A_11 = arith.xori %select_n3A, %reduce_max3A_10 : vector<16xi32>
    %reduce_max3A_12 = tpu.scan <max>, %reduce_max3A_11 masked %reduce_max3A_8 : vector<16xi32>, vector<16xi1> -> vector<16xi32>
    %reduce_max3A_13 = arith.xori %reduce_max3A_12, %reduce_max3A_10 : vector<16xi32>
    %reduce_max3A_14 = vector.extract %reduce_max3A_13[15] : i32 from vector<16xi32>
    %shift_right_logical3A = arith.constant 7 : i32
    %shift_right_logical3A_15 = arith.shrui %reduce_max3A_14, %shift_right_logical3A : i32
    %shift_left3A = arith.constant 7 : i32
    %shift_left3A_16 = arith.shli %shift_right_logical3A_15, %shift_left3A : i32
    %multiple_of3A = tpu.assume_multiple %shift_left3A_16, 128 : i32
    %dma_start3A = arith.constant 0 : i32
    %dma_start3A_17 = arith.constant 0 : i32
    %dma_start3A_18 = arith.constant 0 : i32
    %dma_start3A_19 = tpu.memref_slice %arg6[%dma_start3A, %dma_start3A_17, %dma_start3A_18] : memref<8x32x128xf32, #tpu.memory_space<vmem>> -> memref<1x32x128xf32, #tpu.memory_space<vmem>>
    %dma_start3A_20 = tpu.memref_squeeze %dma_start3A_19 : memref<1x32x128xf32, #tpu.memory_space<vmem>> -> memref<32x128xf32, #tpu.memory_space<vmem>>
    %dma_start3A_21 = arith.constant 0 : i32
    %dma_start3A_22 = tpu.memref_slice %arg3[%dma_start3A_21, %multiple_of3A] : memref<32x1000000xf32, #tpu.memory_space<hbm>> -> memref<32x128xf32, #tpu.memory_space<hbm>>
    %dma_start3A_23 = arith.constant 0 : i32
    %dma_start3A_24 = arith.constant 0 : i32
    %dma_start3A_25 = tpu.memref_slice %arg6[%dma_start3A, %dma_start3A_23, %dma_start3A_24] : memref<8x32x128xf32, #tpu.memory_space<vmem>> -> memref<1x32x128xf32, #tpu.memory_space<vmem>>
    %dma_start3A_26 = tpu.memref_squeeze %dma_start3A_25 : memref<1x32x128xf32, #tpu.memory_space<vmem>> -> memref<32x128xf32, #tpu.memory_space<vmem>>
    %dma_start3A_27 = arith.constant 0 : i32
    %dma_start3A_28 = tpu.memref_slice %arg3[%dma_start3A_27, %multiple_of3A] : memref<32x1000000xf32, #tpu.memory_space<hbm>> -> memref<32x128xf32, #tpu.memory_space<hbm>>
    tpu.enqueue_dma source(%dma_start3A_28 : memref<32x128xf32, #tpu.memory_space<hbm>>) target(%dma_start3A_26 : memref<32x128xf32, #tpu.memory_space<vmem>>) target_semaphore(%arg8 : memref<!tpu.dma_semaphore, #tpu.memory_space<semaphore_mem>>)
    %get3A_29 = arith.constant 0 : i32
    %get3A_30 = arith.index_cast %get3A_29 : i32 to index
    %get3A_31 = arith.constant 0 : index
    %get3A_32 = tpu.vector_load %arg5[%get3A_30, %get3A_31] {strides = array<i32>} : memref<1x512xi32, #tpu.memory_space<vmem>>, vector<16xi32>,
    %eq3A_33 = arith.constant 1 : i32
    %eq3A_34 = vector.broadcast %eq3A_33 : i32 to vector<16xi32>
    %eq3A_35 = arith.cmpi eq, %iota3A, %eq3A_34 : vector<16xi32>
    %jit3A_36 = arith.constant 0 : i32
    %broadcast_in_dim3A_37 = vector.broadcast %jit3A_36 : i32 to vector<16xi32>
    %select_n3A_38 = arith.select %eq3A_35, %get3A_32, %broadcast_in_dim3A_37 : vector<16xi1>, vector<16xi32>
    %reduce_max3A_39 = arith.constant true
    %reduce_max3A_40 = vector.broadcast %reduce_max3A_39 : i1 to vector<16xi1>
    %reduce_max3A_41 = arith.constant -2147483648 : i32
    %reduce_max3A_42 = vector.broadcast %reduce_max3A_41 : i32 to vector<16xi32>
    %reduce_max3A_43 = arith.xori %select_n3A_38, %reduce_max3A_42 : vector<16xi32>
    %reduce_max3A_44 = tpu.scan <max>, %reduce_max3A_43 masked %reduce_max3A_40 : vector<16xi32>, vector<16xi1> -> vector<16xi32>
    %reduce_max3A_45 = arith.xori %reduce_max3A_44, %reduce_max3A_42 : vector<16xi32>
    %reduce_max3A_46 = vector.extract %reduce_max3A_45[15] : i32 from vector<16xi32>
    %shift_right_logical3A_47 = arith.constant 7 : i32
    %shift_right_logical3A_48 = arith.shrui %reduce_max3A_46, %shift_right_logical3A_47 : i32
    %shift_left3A_49 = arith.constant 7 : i32
    %shift_left3A_50 = arith.shli %shift_right_logical3A_48, %shift_left3A_49 : i32
    %multiple_of3A_51 = tpu.assume_multiple %shift_left3A_50, 128 : i32
    %dma_start3A_52 = arith.constant 1 : i32
    %dma_start3A_53 = arith.constant 0 : i32
    %dma_start3A_54 = arith.constant 0 : i32
    %dma_start3A_55 = tpu.memref_slice %arg6[%dma_start3A_52, %dma_start3A_53, %dma_start3A_54] : memref<8x32x128xf32, #tpu.memory_space<vmem>> -> memref<1x32x128xf32, #tpu.memory_space<vmem>>
    %dma_start3A_56 = tpu.memref_squeeze %dma_start3A_55 : memref<1x32x128xf32, #tpu.memory_space<vmem>> -> memref<32x128xf32, #tpu.memory_space<vmem>>
    %dma_start3A_57 = arith.constant 0 : i32
    %dma_start3A_58 = tpu.memref_slice %arg3[%dma_start3A_57, %multiple_of3A_51] : memref<32x1000000xf32, #tpu.memory_space<hbm>> -> memref<32x128xf32, #tpu.memory_space<hbm>>
    %dma_start3A_59 = arith.constant 0 : i32
    %dma_start3A_60 = arith.constant 0 : i32
    %dma_start3A_61 = tpu.memref_slice %arg6[%dma_start3A_52, %dma_start3A_59, %dma_start3A_60] : memref<8x32x128xf32, #tpu.memory_space<vmem>> -> memref<1x32x128xf32, #tpu.memory_space<vmem>>
    %dma_start3A_62 = tpu.memref_squeeze %dma_start3A_61 : memref<1x32x128xf32, #tpu.memory_space<vmem>> -> memref<32x128xf32, #tpu.memory_space<vmem>>
    %dma_start3A_63 = arith.constant 0 : i32
    %dma_start3A_64 = tpu.memref_slice %arg3[%dma_start3A_63, %multiple_of3A_51] : memref<32x1000000xf32, #tpu.memory_space<hbm>> -> memref<32x128xf32, #tpu.memory_space<hbm>>
    tpu.enqueue_dma source(%dma_start3A_64 : memref<32x128xf32, #tpu.memory_space<hbm>>) target(%dma_start3A_62 : memref<32x128xf32, #tpu.memory_space<vmem>>) target_semaphore(%arg9 : memref<!tpu.dma_semaphore, #tpu.memory_space<semaphore_mem>>)
    %get3A_65 = arith.constant 0 : i32
    %get3A_66 = arith.index_cast %get3A_65 : i32 to index
    %get3A_67 = arith.constant 0 : index
    %get3A_68 = tpu.vector_load %arg5[%get3A_66, %get3A_67] {strides = array<i32>} : memref<1x512xi32, #tpu.memory_space<vmem>>, vector<16xi32>,
    %eq3A_69 = arith.constant 2 : i32
    %eq3A_70 = vector.broadcast %eq3A_69 : i32 to vector<16xi32>
    %eq3A_71 = arith.cmpi eq, %iota3A, %eq3A_70 : vector<16xi32>
    %jit3A_72 = arith.constant 0 : i32
    %broadcast_in_dim3A_73 = vector.broadcast %jit3A_72 : i32 to vector<16xi32>
    %select_n3A_74 = arith.select %eq3A_71, %get3A_68, %broadcast_in_dim3A_73 : vector<16xi1>, vector<16xi32>
    %reduce_max3A_75 = arith.constant true
    %reduce_max3A_76 = vector.broadcast %reduce_max3A_75 : i1 to vector<16xi1>
    %reduce_max3A_77 = arith.constant -2147483648 : i32
    %reduce_max3A_78 = vector.broadcast %reduce_max3A_77 : i32 to vector<16xi32>
    %reduce_max3A_79 = arith.xori %select_n3A_74, %reduce_max3A_78 : vector<16xi32>
    %reduce_max3A_80 = tpu.scan <max>, %reduce_max3A_79 masked %reduce_max3A_76 : vector<16xi32>, vector<16xi1> -> vector<16xi32>
    %reduce_max3A_81 = arith.xori %reduce_max3A_80, %reduce_max3A_78 : vector<16xi32>
    %reduce_max3A_82 = vector.extract %reduce_max3A_81[15] : i32 from vector<16xi32>
    %shift_right_logical3A_83 = arith.constant 7 : i32
    %shift_right_logical3A_84 = arith.shrui %reduce_max3A_82, %shift_right_logical3A_83 : i32
    %shift_left3A_85 = arith.constant 7 : i32
    %shift_left3A_86 = arith.shli %shift_right_logical3A_84, %shift_left3A_85 : i32
    %multiple_of3A_87 = tpu.assume_multiple %shift_left3A_86, 128 : i32
    %dma_start3A_88 = arith.constant 2 : i32
    %dma_start3A_89 = arith.constant 0 : i32
    %dma_start3A_90 = arith.constant 0 : i32
    %dma_start3A_91 = tpu.memref_slice %arg6[%dma_start3A_88, %dma_start3A_89, %dma_start3A_90] : memref<8x32x128xf32, #tpu.memory_space<vmem>> -> memref<1x32x128xf32, #tpu.memory_space<vmem>>
    %dma_start3A_92 = tpu.memref_squeeze %dma_start3A_91 : memref<1x32x128xf32, #tpu.memory_space<vmem>> -> memref<32x128xf32, #tpu.memory_space<vmem>>
    %dma_start3A_93 = arith.constant 0 : i32
    %dma_start3A_94 = tpu.memref_slice %arg3[%dma_start3A_93, %multiple_of3A_87] : memref<32x1000000xf32, #tpu.memory_space<hbm>> -> memref<32x128xf32, #tpu.memory_space<hbm>>
    %dma_start3A_95 = arith.constant 0 : i32
    %dma_start3A_96 = arith.constant 0 : i32
    %dma_start3A_97 = tpu.memref_slice %arg6[%dma_start3A_88, %dma_start3A_95, %dma_start3A_96] : memref<8x32x128xf32, #tpu.memory_space<vmem>> -> memref<1x32x128xf32, #tpu.memory_space<vmem>>
    %dma_start3A_98 = tpu.memref_squeeze %dma_start3A_97 : memref<1x32x128xf32, #tpu.memory_space<vmem>> -> memref<32x128xf32, #tpu.memory_space<vmem>>
    %dma_start3A_99 = arith.constant 0 : i32
    %dma_start3A_100 = tpu.memref_slice %arg3[%dma_start3A_99, %multiple_of3A_87] : memref<32x1000000xf32, #tpu.memory_space<hbm>> -> memref<32x128xf32, #tpu.memory_space<hbm>>
    tpu.enqueue_dma source(%dma_start3A_100 : memref<32x128xf32, #tpu.memory_space<hbm>>) target(%dma_start3A_98 : memref<32x128xf32, #tpu.memory_space<vmem>>) target_semaphore(%arg10 : memref<!tpu.dma_semaphore, #tpu.memory_space<semaphore_mem>>)
    %get3A_101 = arith.constant 0 : i32
    %get3A_102 = arith.index_cast %get3A_101 : i32 to index
    %get3A_103 = arith.constant 0 : index
    %get3A_104 = tpu.vector_load %arg5[%get3A_102, %get3A_103] {strides = array<i32>} : memref<1x512xi32, #tpu.memory_space<vmem>>, vector<16xi32>,
    %eq3A_105 = arith.constant 3 : i32
    %eq3A_106 = vector.broadcast %eq3A_105 : i32 to vector<16xi32>
    %eq3A_107 = arith.cmpi eq, %iota3A, %eq3A_106 : vector<16xi32>
    %jit3A_108 = arith.constant 0 : i32
    %broadcast_in_dim3A_109 = vector.broadcast %jit3A_108 : i32 to vector<16xi32>
    %select_n3A_110 = arith.select %eq3A_107, %get3A_104, %broadcast_in_dim3A_109 : vector<16xi1>, vector<16xi32>
    %reduce_max3A_111 = arith.constant true
    %reduce_max3A_112 = vector.broadcast %reduce_max3A_111 : i1 to vector<16xi1>
    %reduce_max3A_113 = arith.constant -2147483648 : i32
    %reduce_max3A_114 = vector.broadcast %reduce_max3A_113 : i32 to vector<16xi32>
    %reduce_max3A_115 = arith.xori %select_n3A_110, %reduce_max3A_114 : vector<16xi32>
    %reduce_max3A_116 = tpu.scan <max>, %reduce_max3A_115 masked %reduce_max3A_112 : vector<16xi32>, vector<16xi1> -> vector<16xi32>
    %reduce_max3A_117 = arith.xori %reduce_max3A_116, %reduce_max3A_114 : vector<16xi32>
    %reduce_max3A_118 = vector.extract %reduce_max3A_117[15] : i32 from vector<16xi32>
    %shift_right_logical3A_119 = arith.constant 7 : i32
    %shift_right_logical3A_120 = arith.shrui %reduce_max3A_118, %shift_right_logical3A_119 : i32
    %shift_left3A_121 = arith.constant 7 : i32
    %shift_left3A_122 = arith.shli %shift_right_logical3A_120, %shift_left3A_121 : i32
    %multiple_of3A_123 = tpu.assume_multiple %shift_left3A_122, 128 : i32
    %dma_start3A_124 = arith.constant 3 : i32
    %dma_start3A_125 = arith.constant 0 : i32
    %dma_start3A_126 = arith.constant 0 : i32
    %dma_start3A_127 = tpu.memref_slice %arg6[%dma_start3A_124, %dma_start3A_125, %dma_start3A_126] : memref<8x32x128xf32, #tpu.memory_space<vmem>> -> memref<1x32x128xf32, #tpu.memory_space<vmem>>
    %dma_start3A_128 = tpu.memref_squeeze %dma_start3A_127 : memref<1x32x128xf32, #tpu.memory_space<vmem>> -> memref<32x128xf32, #tpu.memory_space<vmem>>
    %dma_start3A_129 = arith.constant 0 : i32
    %dma_start3A_130 = tpu.memref_slice %arg3[%dma_start3A_129, %multiple_of3A_123] : memref<32x1000000xf32, #tpu.memory_space<hbm>> -> memref<32x128xf32, #tpu.memory_space<hbm>>
    %dma_start3A_131 = arith.constant 0 : i32
    %dma_start3A_132 = arith.constant 0 : i32
    %dma_start3A_133 = tpu.memref_slice %arg6[%dma_start3A_124, %dma_start3A_131, %dma_start3A_132] : memref<8x32x128xf32, #tpu.memory_space<vmem>> -> memref<1x32x128xf32, #tpu.memory_space<vmem>>
    %dma_start3A_134 = tpu.memref_squeeze %dma_start3A_133 : memref<1x32x128xf32, #tpu.memory_space<vmem>> -> memref<32x128xf32, #tpu.memory_space<vmem>>
    %dma_start3A_135 = arith.constant 0 : i32
    %dma_start3A_136 = tpu.memref_slice %arg3[%dma_start3A_135, %multiple_of3A_123] : memref<32x1000000xf32, #tpu.memory_space<hbm>> -> memref<32x128xf32, #tpu.memory_space<hbm>>
    tpu.enqueue_dma source(%dma_start3A_136 : memref<32x128xf32, #tpu.memory_space<hbm>>) target(%dma_start3A_134 : memref<32x128xf32, #tpu.memory_space<vmem>>) target_semaphore(%arg11 : memref<!tpu.dma_semaphore, #tpu.memory_space<semaphore_mem>>)
    %get3A_137 = arith.constant 0 : i32
    %get3A_138 = arith.index_cast %get3A_137 : i32 to index
    %get3A_139 = arith.constant 0 : index
    %get3A_140 = tpu.vector_load %arg5[%get3A_138, %get3A_139] {strides = array<i32>} : memref<1x512xi32, #tpu.memory_space<vmem>>, vector<16xi32>,
    %eq3A_141 = arith.constant 4 : i32
    %eq3A_142 = vector.broadcast %eq3A_141 : i32 to vector<16xi32>
    %eq3A_143 = arith.cmpi eq, %iota3A, %eq3A_142 : vector<16xi32>
    %jit3A_144 = arith.constant 0 : i32
    %broadcast_in_dim3A_145 = vector.broadcast %jit3A_144 : i32 to vector<16xi32>
    %select_n3A_146 = arith.select %eq3A_143, %get3A_140, %broadcast_in_dim3A_145 : vector<16xi1>, vector<16xi32>
    %reduce_max3A_147 = arith.constant true
    %reduce_max3A_148 = vector.broadcast %reduce_max3A_147 : i1 to vector<16xi1>
    %reduce_max3A_149 = arith.constant -2147483648 : i32
    %reduce_max3A_150 = vector.broadcast %reduce_max3A_149 : i32 to vector<16xi32>
    %reduce_max3A_151 = arith.xori %select_n3A_146, %reduce_max3A_150 : vector<16xi32>
    %reduce_max3A_152 = tpu.scan <max>, %reduce_max3A_151 masked %reduce_max3A_148 : vector<16xi32>, vector<16xi1> -> vector<16xi32>
    %reduce_max3A_153 = arith.xori %reduce_max3A_152, %reduce_max3A_150 : vector<16xi32>
    %reduce_max3A_154 = vector.extract %reduce_max3A_153[15] : i32 from vector<16xi32>
    %shift_right_logical3A_155 = arith.constant 7 : i32
    %shift_right_logical3A_156 = arith.shrui %reduce_max3A_154, %shift_right_logical3A_155 : i32
    %shift_left3A_157 = arith.constant 7 : i32
    %shift_left3A_158 = arith.shli %shift_right_logical3A_156, %shift_left3A_157 : i32
    %multiple_of3A_159 = tpu.assume_multiple %shift_left3A_158, 128 : i32
    %dma_start3A_160 = arith.constant 4 : i32
    %dma_start3A_161 = arith.constant 0 : i32
    %dma_start3A_162 = arith.constant 0 : i32
    %dma_start3A_163 = tpu.memref_slice %arg6[%dma_start3A_160, %dma_start3A_161, %dma_start3A_162] : memref<8x32x128xf32, #tpu.memory_space<vmem>> -> memref<1x32x128xf32, #tpu.memory_space<vmem>>
    %dma_start3A_164 = tpu.memref_squeeze %dma_start3A_163 : memref<1x32x128xf32, #tpu.memory_space<vmem>> -> memref<32x128xf32, #tpu.memory_space<vmem>>
    %dma_start3A_165 = arith.constant 0 : i32
    %dma_start3A_166 = tpu.memref_slice %arg3[%dma_start3A_165, %multiple_of3A_159] : memref<32x1000000xf32, #tpu.memory_space<hbm>> -> memref<32x128xf32, #tpu.memory_space<hbm>>
    %dma_start3A_167 = arith.constant 0 : i32
    %dma_start3A_168 = arith.constant 0 : i32
    %dma_start3A_169 = tpu.memref_slice %arg6[%dma_start3A_160, %dma_start3A_167, %dma_start3A_168] : memref<8x32x128xf32, #tpu.memory_space<vmem>> -> memref<1x32x128xf32, #tpu.memory_space<vmem>>
    %dma_start3A_170 = tpu.memref_squeeze %dma_start3A_169 : memref<1x32x128xf32, #tpu.memory_space<vmem>> -> memref<32x128xf32, #tpu.memory_space<vmem>>
    %dma_start3A_171 = arith.constant 0 : i32
    %dma_start3A_172 = tpu.memref_slice %arg3[%dma_start3A_171, %multiple_of3A_159] : memref<32x1000000xf32, #tpu.memory_space<hbm>> -> memref<32x128xf32, #tpu.memory_space<hbm>>
    tpu.enqueue_dma source(%dma_start3A_172 : memref<32x128xf32, #tpu.memory_space<hbm>>) target(%dma_start3A_170 : memref<32x128xf32, #tpu.memory_space<vmem>>) target_semaphore(%arg12 : memref<!tpu.dma_semaphore, #tpu.memory_space<semaphore_mem>>)
    %get3A_173 = arith.constant 0 : i32
    %get3A_174 = arith.index_cast %get3A_173 : i32 to index
    %get3A_175 = arith.constant 0 : index
    %get3A_176 = tpu.vector_load %arg5[%get3A_174, %get3A_175] {strides = array<i32>} : memref<1x512xi32, #tpu.memory_space<vmem>>, vector<16xi32>,
    %eq3A_177 = arith.constant 5 : i32
    %eq3A_178 = vector.broadcast %eq3A_177 : i32 to vector<16xi32>
    %eq3A_179 = arith.cmpi eq, %iota3A, %eq3A_178 : vector<16xi32>
    %jit3A_180 = arith.constant 0 : i32
    %broadcast_in_dim3A_181 = vector.broadcast %jit3A_180 : i32 to vector<16xi32>
    %select_n3A_182 = arith.select %eq3A_179, %get3A_176, %broadcast_in_dim3A_181 : vector<16xi1>, vector<16xi32>
    %reduce_max3A_183 = arith.constant true
    %reduce_max3A_184 = vector.broadcast %reduce_max3A_183 : i1 to vector<16xi1>
    %reduce_max3A_185 = arith.constant -2147483648 : i32
    %reduce_max3A_186 = vector.broadcast %reduce_max3A_185 : i32 to vector<16xi32>
    %reduce_max3A_187 = arith.xori %select_n3A_182, %reduce_max3A_186 : vector<16xi32>
    %reduce_max3A_188 = tpu.scan <max>, %reduce_max3A_187 masked %reduce_max3A_184 : vector<16xi32>, vector<16xi1> -> vector<16xi32>
    %reduce_max3A_189 = arith.xori %reduce_max3A_188, %reduce_max3A_186 : vector<16xi32>
    %reduce_max3A_190 = vector.extract %reduce_max3A_189[15] : i32 from vector<16xi32>
    %shift_right_logical3A_191 = arith.constant 7 : i32
    %shift_right_logical3A_192 = arith.shrui %reduce_max3A_190, %shift_right_logical3A_191 : i32
    %shift_left3A_193 = arith.constant 7 : i32
    %shift_left3A_194 = arith.shli %shift_right_logical3A_192, %shift_left3A_193 : i32
    %multiple_of3A_195 = tpu.assume_multiple %shift_left3A_194, 128 : i32
    %dma_start3A_196 = arith.constant 5 : i32
    %dma_start3A_197 = arith.constant 0 : i32
    %dma_start3A_198 = arith.constant 0 : i32
    %dma_start3A_199 = tpu.memref_slice %arg6[%dma_start3A_196, %dma_start3A_197, %dma_start3A_198] : memref<8x32x128xf32, #tpu.memory_space<vmem>> -> memref<1x32x128xf32, #tpu.memory_space<vmem>>
    %dma_start3A_200 = tpu.memref_squeeze %dma_start3A_199 : memref<1x32x128xf32, #tpu.memory_space<vmem>> -> memref<32x128xf32, #tpu.memory_space<vmem>>
    %dma_start3A_201 = arith.constant 0 : i32
    %dma_start3A_202 = tpu.memref_slice %arg3[%dma_start3A_201, %multiple_of3A_195] : memref<32x1000000xf32, #tpu.memory_space<hbm>> -> memref<32x128xf32, #tpu.memory_space<hbm>>
    %dma_start3A_203 = arith.constant 0 : i32
    %dma_start3A_204 = arith.constant 0 : i32
    %dma_start3A_205 = tpu.memref_slice %arg6[%dma_start3A_196, %dma_start3A_203, %dma_start3A_204] : memref<8x32x128xf32, #tpu.memory_space<vmem>> -> memref<1x32x128xf32, #tpu.memory_space<vmem>>
    %dma_start3A_206 = tpu.memref_squeeze %dma_start3A_205 : memref<1x32x128xf32, #tpu.memory_space<vmem>> -> memref<32x128xf32, #tpu.memory_space<vmem>>
    %dma_start3A_207 = arith.constant 0 : i32
    %dma_start3A_208 = tpu.memref_slice %arg3[%dma_start3A_207, %multiple_of3A_195] : memref<32x1000000xf32, #tpu.memory_space<hbm>> -> memref<32x128xf32, #tpu.memory_space<hbm>>
    tpu.enqueue_dma source(%dma_start3A_208 : memref<32x128xf32, #tpu.memory_space<hbm>>) target(%dma_start3A_206 : memref<32x128xf32, #tpu.memory_space<vmem>>) target_semaphore(%arg13 : memref<!tpu.dma_semaphore, #tpu.memory_space<semaphore_mem>>)
    %get3A_209 = arith.constant 0 : i32
    %get3A_210 = arith.index_cast %get3A_209 : i32 to index
    %get3A_211 = arith.constant 0 : index
    %get3A_212 = tpu.vector_load %arg5[%get3A_210, %get3A_211] {strides = array<i32>} : memref<1x512xi32, #tpu.memory_space<vmem>>, vector<16xi32>,
    %eq3A_213 = arith.constant 6 : i32
    %eq3A_214 = vector.broadcast %eq3A_213 : i32 to vector<16xi32>
    %eq3A_215 = arith.cmpi eq, %iota3A, %eq3A_214 : vector<16xi32>
    %jit3A_216 = arith.constant 0 : i32
    %broadcast_in_dim3A_217 = vector.broadcast %jit3A_216 : i32 to vector<16xi32>
    %select_n3A_218 = arith.select %eq3A_215, %get3A_212, %broadcast_in_dim3A_217 : vector<16xi1>, vector<16xi32>
    %reduce_max3A_219 = arith.constant true
    %reduce_max3A_220 = vector.broadcast %reduce_max3A_219 : i1 to vector<16xi1>
    %reduce_max3A_221 = arith.constant -2147483648 : i32
    %reduce_max3A_222 = vector.broadcast %reduce_max3A_221 : i32 to vector<16xi32>
    %reduce_max3A_223 = arith.xori %select_n3A_218, %reduce_max3A_222 : vector<16xi32>
    %reduce_max3A_224 = tpu.scan <max>, %reduce_max3A_223 masked %reduce_max3A_220 : vector<16xi32>, vector<16xi1> -> vector<16xi32>
    %reduce_max3A_225 = arith.xori %reduce_max3A_224, %reduce_max3A_222 : vector<16xi32>
    %reduce_max3A_226 = vector.extract %reduce_max3A_225[15] : i32 from vector<16xi32>
    %shift_right_logical3A_227 = arith.constant 7 : i32
    %shift_right_logical3A_228 = arith.shrui %reduce_max3A_226, %shift_right_logical3A_227 : i32
    %shift_left3A_229 = arith.constant 7 : i32
    %shift_left3A_230 = arith.shli %shift_right_logical3A_228, %shift_left3A_229 : i32
    %multiple_of3A_231 = tpu.assume_multiple %shift_left3A_230, 128 : i32
    %dma_start3A_232 = arith.constant 6 : i32
    %dma_start3A_233 = arith.constant 0 : i32
    %dma_start3A_234 = arith.constant 0 : i32
    %dma_start3A_235 = tpu.memref_slice %arg6[%dma_start3A_232, %dma_start3A_233, %dma_start3A_234] : memref<8x32x128xf32, #tpu.memory_space<vmem>> -> memref<1x32x128xf32, #tpu.memory_space<vmem>>
    %dma_start3A_236 = tpu.memref_squeeze %dma_start3A_235 : memref<1x32x128xf32, #tpu.memory_space<vmem>> -> memref<32x128xf32, #tpu.memory_space<vmem>>
    %dma_start3A_237 = arith.constant 0 : i32
    %dma_start3A_238 = tpu.memref_slice %arg3[%dma_start3A_237, %multiple_of3A_231] : memref<32x1000000xf32, #tpu.memory_space<hbm>> -> memref<32x128xf32, #tpu.memory_space<hbm>>
    %dma_start3A_239 = arith.constant 0 : i32
    %dma_start3A_240 = arith.constant 0 : i32
    %dma_start3A_241 = tpu.memref_slice %arg6[%dma_start3A_232, %dma_start3A_239, %dma_start3A_240] : memref<8x32x128xf32, #tpu.memory_space<vmem>> -> memref<1x32x128xf32, #tpu.memory_space<vmem>>
    %dma_start3A_242 = tpu.memref_squeeze %dma_start3A_241 : memref<1x32x128xf32, #tpu.memory_space<vmem>> -> memref<32x128xf32, #tpu.memory_space<vmem>>
    %dma_start3A_243 = arith.constant 0 : i32
    %dma_start3A_244 = tpu.memref_slice %arg3[%dma_start3A_243, %multiple_of3A_231] : memref<32x1000000xf32, #tpu.memory_space<hbm>> -> memref<32x128xf32, #tpu.memory_space<hbm>>
    tpu.enqueue_dma source(%dma_start3A_244 : memref<32x128xf32, #tpu.memory_space<hbm>>) target(%dma_start3A_242 : memref<32x128xf32, #tpu.memory_space<vmem>>) target_semaphore(%arg14 : memref<!tpu.dma_semaphore, #tpu.memory_space<semaphore_mem>>)
    %get3A_245 = arith.constant 0 : i32
    %get3A_246 = arith.index_cast %get3A_245 : i32 to index
    %get3A_247 = arith.constant 0 : index
    %get3A_248 = tpu.vector_load %arg5[%get3A_246, %get3A_247] {strides = array<i32>} : memref<1x512xi32, #tpu.memory_space<vmem>>, vector<16xi32>,
    %eq3A_249 = arith.constant 7 : i32
    %eq3A_250 = vector.broadcast %eq3A_249 : i32 to vector<16xi32>
    %eq3A_251 = arith.cmpi eq, %iota3A, %eq3A_250 : vector<16xi32>
    %jit3A_252 = arith.constant 0 : i32
    %broadcast_in_dim3A_253 = vector.broadcast %jit3A_252 : i32 to vector<16xi32>
    %select_n3A_254 = arith.select %eq3A_251, %get3A_248, %broadcast_in_dim3A_253 : vector<16xi1>, vector<16xi32>
    %reduce_max3A_255 = arith.constant true
    %reduce_max3A_256 = vector.broadcast %reduce_max3A_255 : i1 to vector<16xi1>
    %reduce_max3A_257 = arith.constant -2147483648 : i32
    %reduce_max3A_258 = vector.broadcast %reduce_max3A_257 : i32 to vector<16xi32>
    %reduce_max3A_259 = arith.xori %select_n3A_254, %reduce_max3A_258 : vector<16xi32>
    %reduce_max3A_260 = tpu.scan <max>, %reduce_max3A_259 masked %reduce_max3A_256 : vector<16xi32>, vector<16xi1> -> vector<16xi32>
    %reduce_max3A_261 = arith.xori %reduce_max3A_260, %reduce_max3A_258 : vector<16xi32>
    %reduce_max3A_262 = vector.extract %reduce_max3A_261[15] : i32 from vector<16xi32>
    %shift_right_logical3A_263 = arith.constant 7 : i32
    %shift_right_logical3A_264 = arith.shrui %reduce_max3A_262, %shift_right_logical3A_263 : i32
    %shift_left3A_265 = arith.constant 7 : i32
    %shift_left3A_266 = arith.shli %shift_right_logical3A_264, %shift_left3A_265 : i32
    %multiple_of3A_267 = tpu.assume_multiple %shift_left3A_266, 128 : i32
    %dma_start3A_268 = arith.constant 7 : i32
    %dma_start3A_269 = arith.constant 0 : i32
    %dma_start3A_270 = arith.constant 0 : i32
    %dma_start3A_271 = tpu.memref_slice %arg6[%dma_start3A_268, %dma_start3A_269, %dma_start3A_270] : memref<8x32x128xf32, #tpu.memory_space<vmem>> -> memref<1x32x128xf32, #tpu.memory_space<vmem>>
    %dma_start3A_272 = tpu.memref_squeeze %dma_start3A_271 : memref<1x32x128xf32, #tpu.memory_space<vmem>> -> memref<32x128xf32, #tpu.memory_space<vmem>>
    %dma_start3A_273 = arith.constant 0 : i32
    %dma_start3A_274 = tpu.memref_slice %arg3[%dma_start3A_273, %multiple_of3A_267] : memref<32x1000000xf32, #tpu.memory_space<hbm>> -> memref<32x128xf32, #tpu.memory_space<hbm>>
    %dma_start3A_275 = arith.constant 0 : i32
    %dma_start3A_276 = arith.constant 0 : i32
    %dma_start3A_277 = tpu.memref_slice %arg6[%dma_start3A_268, %dma_start3A_275, %dma_start3A_276] : memref<8x32x128xf32, #tpu.memory_space<vmem>> -> memref<1x32x128xf32, #tpu.memory_space<vmem>>
    %dma_start3A_278 = tpu.memref_squeeze %dma_start3A_277 : memref<1x32x128xf32, #tpu.memory_space<vmem>> -> memref<32x128xf32, #tpu.memory_space<vmem>>
    %dma_start3A_279 = arith.constant 0 : i32
    %dma_start3A_280 = tpu.memref_slice %arg3[%dma_start3A_279, %multiple_of3A_267] : memref<32x1000000xf32, #tpu.memory_space<hbm>> -> memref<32x128xf32, #tpu.memory_space<hbm>>
    tpu.enqueue_dma source(%dma_start3A_280 : memref<32x128xf32, #tpu.memory_space<hbm>>) target(%dma_start3A_278 : memref<32x128xf32, #tpu.memory_space<vmem>>) target_semaphore(%arg15 : memref<!tpu.dma_semaphore, #tpu.memory_space<semaphore_mem>>)
    %scan3A = arith.constant 0 : i32
    %scan3A_281 = arith.constant 0 : i32
    %scan3A_282 = arith.constant 63 : i32
    %scan3A_283 = arith.addi %scan3A_281, %scan3A_282 : i32
    %scan3A_284 = arith.constant 1 : i32
    scf.for %scan3A_778 = %scan3A_281 to %scan3A_283 step %scan3A_284  : i32 {
      %mul3A_779 = arith.constant 8 : i32
      %mul3A_780 = arith.muli %scan3A_778, %mul3A_779 : i32
      %add3A_781 = arith.constant 0 : i32
      %add3A_782 = arith.addi %mul3A_780, %add3A_781 : i32
      %dma_wait3A_783 = arith.constant 0 : i32
      %dma_wait3A_784 = arith.constant 0 : i32
      %dma_wait3A_785 = arith.constant 0 : i32
      %dma_wait3A_786 = tpu.memref_slice %arg6[%dma_wait3A_783, %dma_wait3A_784, %dma_wait3A_785] : memref<8x32x128xf32, #tpu.memory_space<vmem>> -> memref<1x32x128xf32, #tpu.memory_space<vmem>>
      %dma_wait3A_787 = tpu.memref_squeeze %dma_wait3A_786 : memref<1x32x128xf32, #tpu.memory_space<vmem>> -> memref<32x128xf32, #tpu.memory_space<vmem>>
      %dma_wait3A_788 = arith.constant 0 : i32
      %dma_wait3A_789 = arith.constant 0 : i32
      %dma_wait3A_790 = tpu.memref_slice %arg3[%dma_wait3A_788, %dma_wait3A_789] : memref<32x1000000xf32, #tpu.memory_space<hbm>> -> memref<32x128xf32, #tpu.memory_space<hbm>>
      %dma_wait3A_791 = arith.constant 0 : i32
      %dma_wait3A_792 = arith.constant 0 : i32
      %dma_wait3A_793 = tpu.memref_slice %arg6[%dma_wait3A_783, %dma_wait3A_791, %dma_wait3A_792] : memref<8x32x128xf32, #tpu.memory_space<vmem>> -> memref<1x32x128xf32, #tpu.memory_space<vmem>>
      %dma_wait3A_794 = tpu.memref_squeeze %dma_wait3A_793 : memref<1x32x128xf32, #tpu.memory_space<vmem>> -> memref<32x128xf32, #tpu.memory_space<vmem>>
      %dma_wait3A_795 = arith.constant 0 : i32
      %dma_wait3A_796 = arith.constant 0 : i32
      %dma_wait3A_797 = tpu.memref_slice %arg3[%dma_wait3A_795, %dma_wait3A_796] : memref<32x1000000xf32, #tpu.memory_space<hbm>> -> memref<32x128xf32, #tpu.memory_space<hbm>>
      tpu.wait_dma2 semaphore(%arg8 : memref<!tpu.dma_semaphore, #tpu.memory_space<semaphore_mem>>) src(%dma_wait3A_797 : memref<32x128xf32, #tpu.memory_space<hbm>>) dst(%dma_wait3A_794 : memref<32x128xf32, #tpu.memory_space<vmem>>)
      %jit3A_798 = arith.constant 16 : i32
      %div3A = arith.divsi %add3A_782, %jit3A_798 : i32
      %sign3A = arith.constant 0 : i32
      %sign3A_799 = arith.cmpi sgt, %add3A_782, %sign3A : i32
      %sign3A_800 = arith.extui %sign3A_799 : i1 to i32
      %sign3A_801 = arith.constant 0 : i32
      %sign3A_802 = arith.cmpi slt, %add3A_782, %sign3A_801 : i32
      %sign3A_803 = arith.extui %sign3A_802 : i1 to i32
      %sign3A_804 = arith.subi %sign3A_800, %sign3A_803 : i32
      %sign3A_805 = arith.constant 0 : i32
      %sign3A_806 = arith.cmpi sgt, %jit3A_798, %sign3A_805 : i32
      %sign3A_807 = arith.extui %sign3A_806 : i1 to i32
      %sign3A_808 = arith.constant 0 : i32
      %sign3A_809 = arith.cmpi slt, %jit3A_798, %sign3A_808 : i32
      %sign3A_810 = arith.extui %sign3A_809 : i1 to i32
      %sign3A_811 = arith.subi %sign3A_807, %sign3A_810 : i32
      %ne3A = arith.cmpi ne, %sign3A_804, %sign3A_811 : i32
      %rem3A = arith.remsi %add3A_782, %jit3A_798 : i32
      %ne3A_812 = arith.constant 0 : i32
      %ne3A_813 = arith.cmpi ne, %rem3A, %ne3A_812 : i32
      %and3A_814 = arith.andi %ne3A, %ne3A_813 : i1
      %sub3A = arith.constant 1 : i32
      %sub3A_815 = arith.subi %div3A, %sub3A : i32
      %select_n3A_816 = arith.select %and3A_814, %sub3A_815, %div3A : i32
      %mul3A_817 = arith.constant 16 : i32
      %mul3A_818 = arith.muli %select_n3A_816, %mul3A_817 : i32
      %get3A_819 = arith.constant 0 : i32
      %get3A_820 = arith.index_cast %get3A_819 : i32 to index
      %get3A_821 = arith.index_cast %mul3A_818 : i32 to index
      %get3A_822 = tpu.vector_load %arg5[%get3A_820, %get3A_821] {strides = array<i32>} : memref<1x512xi32, #tpu.memory_space<vmem>>, vector<16xi32>,
      %jit3A_823 = arith.constant 16 : i32
      %eq3A_824 = arith.constant 0 : i32
      %eq3A_825 = arith.cmpi eq, %jit3A_823, %eq3A_824 : i32
      %jit3A_826 = arith.constant 1 : i32
      %select_n3A_827 = arith.select %eq3A_825, %jit3A_826, %jit3A_823 : i32
      %rem3A_828 = arith.remsi %add3A_782, %select_n3A_827 : i32
      %ne3A_829 = arith.constant 0 : i32
      %ne3A_830 = arith.cmpi ne, %rem3A_828, %ne3A_829 : i32
      %lt3A = arith.constant 0 : i32
      %lt3A_831 = arith.cmpi slt, %rem3A_828, %lt3A : i32
      %lt3A_832 = arith.constant 0 : i32
      %lt3A_833 = arith.cmpi slt, %select_n3A_827, %lt3A_832 : i32
      %ne3A_834 = arith.xori %lt3A_831, %lt3A_833 : i1
      %and3A_835 = arith.andi %ne3A_834, %ne3A_830 : i1
      %add3A_836 = arith.addi %rem3A_828, %select_n3A_827 : i32
      %select_n3A_837 = arith.select %and3A_835, %add3A_836, %rem3A_828 : i32
      %eq3A_838 = vector.broadcast %select_n3A_837 : i32 to vector<16xi32>
      %eq3A_839 = arith.cmpi eq, %iota3A, %eq3A_838 : vector<16xi32>
      %jit3A_840 = arith.constant 0 : i32
      %broadcast_in_dim3A_841 = vector.broadcast %jit3A_840 : i32 to vector<16xi32>
      %select_n3A_842 = arith.select %eq3A_839, %get3A_822, %broadcast_in_dim3A_841 : vector<16xi1>, vector<16xi32>
      %reduce_max3A_843 = arith.constant true
      %reduce_max3A_844 = vector.broadcast %reduce_max3A_843 : i1 to vector<16xi1>
      %reduce_max3A_845 = arith.constant -2147483648 : i32
      %reduce_max3A_846 = vector.broadcast %reduce_max3A_845 : i32 to vector<16xi32>
      %reduce_max3A_847 = arith.xori %select_n3A_842, %reduce_max3A_846 : vector<16xi32>
      %reduce_max3A_848 = tpu.scan <max>, %reduce_max3A_847 masked %reduce_max3A_844 : vector<16xi32>, vector<16xi1> -> vector<16xi32>
      %reduce_max3A_849 = arith.xori %reduce_max3A_848, %reduce_max3A_846 : vector<16xi32>
      %reduce_max3A_850 = vector.extract %reduce_max3A_849[15] : i32 from vector<16xi32>
      %and3A_851 = arith.constant 127 : i32
      %and3A_852 = arith.andi %reduce_max3A_850, %and3A_851 : i32
      %broadcast_in_dim3A_853 = vector.broadcast %and3A_852 : i32 to vector<16xi32>
      %add3A_854 = arith.constant 0 : i32
      %add3A_855 = vector.broadcast %add3A_854 : i32 to vector<16xi32>
      %add3A_856 = arith.addi %iota3A, %add3A_855 : vector<16xi32>
      %gather3A_857 = arith.constant 0 : i32
      %gather3A_858 = arith.constant 0 : i32
      %gather3A_859 = arith.constant 0 : i32
      %gather3A_860 = tpu.memref_slice %arg6[%gather3A_857, %gather3A_858, %gather3A_859] : memref<8x32x128xf32, #tpu.memory_space<vmem>> -> memref<1x32x128xf32, #tpu.memory_space<vmem>>
      %gather3A_861 = tpu.memref_squeeze %gather3A_860 : memref<1x32x128xf32, #tpu.memory_space<vmem>> -> memref<32x128xf32, #tpu.memory_space<vmem>>
      %gather3A_862 = tpu.vector_load_idx %gather3A_861[%add3A_856, %broadcast_in_dim3A_853] : memref<32x128xf32, #tpu.memory_space<vmem>>[vector<16xi32>, vector<16xi32>], vector<16xf32>,
      %swap3A_863 = arith.index_cast %add3A_782 : i32 to index
      %swap3A_864 = arith.constant 0 : index
      %swap3A_865 = tpu.vector_load %arg7[%swap3A_863, %swap3A_864] {strides = array<i32>} : memref<512x128xf32, #tpu.memory_space<vmem>>, vector<16xf32>,
      tpu.vector_store %arg7[%swap3A_863, %swap3A_864], %gather3A_862 {strides = array<i32>} : memref<512x128xf32, #tpu.memory_space<vmem>>, vector<16xf32>,
      %add3A_866 = arith.constant 16 : i32
      %add3A_867 = vector.broadcast %add3A_866 : i32 to vector<16xi32>
      %add3A_868 = arith.addi %iota3A, %add3A_867 : vector<16xi32>
      %gather3A_869 = arith.constant 0 : i32
      %gather3A_870 = arith.constant 0 : i32
      %gather3A_871 = arith.constant 0 : i32
      %gather3A_872 = tpu.memref_slice %arg6[%gather3A_869, %gather3A_870, %gather3A_871] : memref<8x32x128xf32, #tpu.memory_space<vmem>> -> memref<1x32x128xf32, #tpu.memory_space<vmem>>
      %gather3A_873 = tpu.memref_squeeze %gather3A_872 : memref<1x32x128xf32, #tpu.memory_space<vmem>> -> memref<32x128xf32, #tpu.memory_space<vmem>>
      %gather3A_874 = tpu.vector_load_idx %gather3A_873[%add3A_868, %broadcast_in_dim3A_853] : memref<32x128xf32, #tpu.memory_space<vmem>>[vector<16xi32>, vector<16xi32>], vector<16xf32>,
      %swap3A_875 = arith.index_cast %add3A_782 : i32 to index
      %swap3A_876 = arith.constant 16 : index
      %swap3A_877 = tpu.vector_load %arg7[%swap3A_875, %swap3A_876] {strides = array<i32>} : memref<512x128xf32, #tpu.memory_space<vmem>>, vector<16xf32>,
      tpu.vector_store %arg7[%swap3A_875, %swap3A_876], %gather3A_874 {strides = array<i32>} : memref<512x128xf32, #tpu.memory_space<vmem>>, vector<16xf32>,
      %add3A_878 = arith.constant 8 : i32
      %add3A_879 = arith.addi %add3A_782, %add3A_878 : i32
      %jit3A_880 = arith.constant 16 : i32
      %div3A_881 = arith.divsi %add3A_879, %jit3A_880 : i32
      %sign3A_882 = arith.constant 0 : i32
      %sign3A_883 = arith.cmpi sgt, %add3A_879, %sign3A_882 : i32
      %sign3A_884 = arith.extui %sign3A_883 : i1 to i32
      %sign3A_885 = arith.constant 0 : i32
      %sign3A_886 = arith.cmpi slt, %add3A_879, %sign3A_885 : i32
      %sign3A_887 = arith.extui %sign3A_886 : i1 to i32
      %sign3A_888 = arith.subi %sign3A_884, %sign3A_887 : i32
      %sign3A_889 = arith.constant 0 : i32
      %sign3A_890 = arith.cmpi sgt, %jit3A_880, %sign3A_889 : i32
      %sign3A_891 = arith.extui %sign3A_890 : i1 to i32
      %sign3A_892 = arith.constant 0 : i32
      %sign3A_893 = arith.cmpi slt, %jit3A_880, %sign3A_892 : i32
      %sign3A_894 = arith.extui %sign3A_893 : i1 to i32
      %sign3A_895 = arith.subi %sign3A_891, %sign3A_894 : i32
      %ne3A_896 = arith.cmpi ne, %sign3A_888, %sign3A_895 : i32
      %rem3A_897 = arith.remsi %add3A_879, %jit3A_880 : i32
      %ne3A_898 = arith.constant 0 : i32
      %ne3A_899 = arith.cmpi ne, %rem3A_897, %ne3A_898 : i32
      %and3A_900 = arith.andi %ne3A_896, %ne3A_899 : i1
      %sub3A_901 = arith.constant 1 : i32
      %sub3A_902 = arith.subi %div3A_881, %sub3A_901 : i32
      %select_n3A_903 = arith.select %and3A_900, %sub3A_902, %div3A_881 : i32
      %mul3A_904 = arith.constant 16 : i32
      %mul3A_905 = arith.muli %select_n3A_903, %mul3A_904 : i32
      %get3A_906 = arith.constant 0 : i32
      %get3A_907 = arith.index_cast %get3A_906 : i32 to index
      %get3A_908 = arith.index_cast %mul3A_905 : i32 to index
      %get3A_909 = tpu.vector_load %arg5[%get3A_907, %get3A_908] {strides = array<i32>} : memref<1x512xi32, #tpu.memory_space<vmem>>, vector<16xi32>,
      %jit3A_910 = arith.constant 16 : i32
      %eq3A_911 = arith.constant 0 : i32
      %eq3A_912 = arith.cmpi eq, %jit3A_910, %eq3A_911 : i32
      %jit3A_913 = arith.constant 1 : i32
      %select_n3A_914 = arith.select %eq3A_912, %jit3A_913, %jit3A_910 : i32
      %rem3A_915 = arith.remsi %add3A_879, %select_n3A_914 : i32
      %ne3A_916 = arith.constant 0 : i32
      %ne3A_917 = arith.cmpi ne, %rem3A_915, %ne3A_916 : i32
      %lt3A_918 = arith.constant 0 : i32
      %lt3A_919 = arith.cmpi slt, %rem3A_915, %lt3A_918 : i32
      %lt3A_920 = arith.constant 0 : i32
      %lt3A_921 = arith.cmpi slt, %select_n3A_914, %lt3A_920 : i32
      %ne3A_922 = arith.xori %lt3A_919, %lt3A_921 : i1
      %and3A_923 = arith.andi %ne3A_922, %ne3A_917 : i1
      %add3A_924 = arith.addi %rem3A_915, %select_n3A_914 : i32
      %select_n3A_925 = arith.select %and3A_923, %add3A_924, %rem3A_915 : i32
      %eq3A_926 = vector.broadcast %select_n3A_925 : i32 to vector<16xi32>
      %eq3A_927 = arith.cmpi eq, %iota3A, %eq3A_926 : vector<16xi32>
      %jit3A_928 = arith.constant 0 : i32
      %broadcast_in_dim3A_929 = vector.broadcast %jit3A_928 : i32 to vector<16xi32>
      %select_n3A_930 = arith.select %eq3A_927, %get3A_909, %broadcast_in_dim3A_929 : vector<16xi1>, vector<16xi32>
      %reduce_max3A_931 = arith.constant true
      %reduce_max3A_932 = vector.broadcast %reduce_max3A_931 : i1 to vector<16xi1>
      %reduce_max3A_933 = arith.constant -2147483648 : i32
      %reduce_max3A_934 = vector.broadcast %reduce_max3A_933 : i32 to vector<16xi32>
      %reduce_max3A_935 = arith.xori %select_n3A_930, %reduce_max3A_934 : vector<16xi32>
      %reduce_max3A_936 = tpu.scan <max>, %reduce_max3A_935 masked %reduce_max3A_932 : vector<16xi32>, vector<16xi1> -> vector<16xi32>
      %reduce_max3A_937 = arith.xori %reduce_max3A_936, %reduce_max3A_934 : vector<16xi32>
      %reduce_max3A_938 = vector.extract %reduce_max3A_937[15] : i32 from vector<16xi32>
      %shift_right_logical3A_939 = arith.constant 7 : i32
      %shift_right_logical3A_940 = arith.shrui %reduce_max3A_938, %shift_right_logical3A_939 : i32
      %shift_left3A_941 = arith.constant 7 : i32
      %shift_left3A_942 = arith.shli %shift_right_logical3A_940, %shift_left3A_941 : i32
      %multiple_of3A_943 = tpu.assume_multiple %shift_left3A_942, 128 : i32
      %dma_start3A_944 = arith.constant 0 : i32
      %dma_start3A_945 = arith.constant 0 : i32
      %dma_start3A_946 = arith.constant 0 : i32
      %dma_start3A_947 = tpu.memref_slice %arg6[%dma_start3A_944, %dma_start3A_945, %dma_start3A_946] : memref<8x32x128xf32, #tpu.memory_space<vmem>> -> memref<1x32x128xf32, #tpu.memory_space<vmem>>
      %dma_start3A_948 = tpu.memref_squeeze %dma_start3A_947 : memref<1x32x128xf32, #tpu.memory_space<vmem>> -> memref<32x128xf32, #tpu.memory_space<vmem>>
      %dma_start3A_949 = arith.constant 0 : i32
      %dma_start3A_950 = tpu.memref_slice %arg3[%dma_start3A_949, %multiple_of3A_943] : memref<32x1000000xf32, #tpu.memory_space<hbm>> -> memref<32x128xf32, #tpu.memory_space<hbm>>
      %dma_start3A_951 = arith.constant 0 : i32
      %dma_start3A_952 = arith.constant 0 : i32
      %dma_start3A_953 = tpu.memref_slice %arg6[%dma_start3A_944, %dma_start3A_951, %dma_start3A_952] : memref<8x32x128xf32, #tpu.memory_space<vmem>> -> memref<1x32x128xf32, #tpu.memory_space<vmem>>
      %dma_start3A_954 = tpu.memref_squeeze %dma_start3A_953 : memref<1x32x128xf32, #tpu.memory_space<vmem>> -> memref<32x128xf32, #tpu.memory_space<vmem>>
      %dma_start3A_955 = arith.constant 0 : i32
      %dma_start3A_956 = tpu.memref_slice %arg3[%dma_start3A_955, %multiple_of3A_943] : memref<32x1000000xf32, #tpu.memory_space<hbm>> -> memref<32x128xf32, #tpu.memory_space<hbm>>
      tpu.enqueue_dma source(%dma_start3A_956 : memref<32x128xf32, #tpu.memory_space<hbm>>) target(%dma_start3A_954 : memref<32x128xf32, #tpu.memory_space<vmem>>) target_semaphore(%arg8 : memref<!tpu.dma_semaphore, #tpu.memory_space<semaphore_mem>>)
      %mul3A_957 = arith.constant 8 : i32
      %mul3A_958 = arith.muli %scan3A_778, %mul3A_957 : i32
      %add3A_959 = arith.constant 1 : i32
      %add3A_960 = arith.addi %mul3A_958, %add3A_959 : i32
      %dma_wait3A_961 = arith.constant 1 : i32
      %dma_wait3A_962 = arith.constant 0 : i32
      %dma_wait3A_963 = arith.constant 0 : i32
      %dma_wait3A_964 = tpu.memref_slice %arg6[%dma_wait3A_961, %dma_wait3A_962, %dma_wait3A_963] : memref<8x32x128xf32, #tpu.memory_space<vmem>> -> memref<1x32x128xf32, #tpu.memory_space<vmem>>
      %dma_wait3A_965 = tpu.memref_squeeze %dma_wait3A_964 : memref<1x32x128xf32, #tpu.memory_space<vmem>> -> memref<32x128xf32, #tpu.memory_space<vmem>>
      %dma_wait3A_966 = arith.constant 0 : i32
      %dma_wait3A_967 = arith.constant 0 : i32
      %dma_wait3A_968 = tpu.memref_slice %arg3[%dma_wait3A_966, %dma_wait3A_967] : memref<32x1000000xf32, #tpu.memory_space<hbm>> -> memref<32x128xf32, #tpu.memory_space<hbm>>
      %dma_wait3A_969 = arith.constant 0 : i32
      %dma_wait3A_970 = arith.constant 0 : i32
      %dma_wait3A_971 = tpu.memref_slice %arg6[%dma_wait3A_961, %dma_wait3A_969, %dma_wait3A_970] : memref<8x32x128xf32, #tpu.memory_space<vmem>> -> memref<1x32x128xf32, #tpu.memory_space<vmem>>
      %dma_wait3A_972 = tpu.memref_squeeze %dma_wait3A_971 : memref<1x32x128xf32, #tpu.memory_space<vmem>> -> memref<32x128xf32, #tpu.memory_space<vmem>>
      %dma_wait3A_973 = arith.constant 0 : i32
      %dma_wait3A_974 = arith.constant 0 : i32
      %dma_wait3A_975 = tpu.memref_slice %arg3[%dma_wait3A_973, %dma_wait3A_974] : memref<32x1000000xf32, #tpu.memory_space<hbm>> -> memref<32x128xf32, #tpu.memory_space<hbm>>
      tpu.wait_dma2 semaphore(%arg9 : memref<!tpu.dma_semaphore, #tpu.memory_space<semaphore_mem>>) src(%dma_wait3A_975 : memref<32x128xf32, #tpu.memory_space<hbm>>) dst(%dma_wait3A_972 : memref<32x128xf32, #tpu.memory_space<vmem>>)
      %jit3A_976 = arith.constant 16 : i32
      %div3A_977 = arith.divsi %add3A_960, %jit3A_976 : i32
      %sign3A_978 = arith.constant 0 : i32
      %sign3A_979 = arith.cmpi sgt, %add3A_960, %sign3A_978 : i32
      %sign3A_980 = arith.extui %sign3A_979 : i1 to i32
      %sign3A_981 = arith.constant 0 : i32
      %sign3A_982 = arith.cmpi slt, %add3A_960, %sign3A_981 : i32
      %sign3A_983 = arith.extui %sign3A_982 : i1 to i32
      %sign3A_984 = arith.subi %sign3A_980, %sign3A_983 : i32
      %sign3A_985 = arith.constant 0 : i32
      %sign3A_986 = arith.cmpi sgt, %jit3A_976, %sign3A_985 : i32
      %sign3A_987 = arith.extui %sign3A_986 : i1 to i32
      %sign3A_988 = arith.constant 0 : i32
      %sign3A_989 = arith.cmpi slt, %jit3A_976, %sign3A_988 : i32
      %sign3A_990 = arith.extui %sign3A_989 : i1 to i32
      %sign3A_991 = arith.subi %sign3A_987, %sign3A_990 : i32
      %ne3A_992 = arith.cmpi ne, %sign3A_984, %sign3A_991 : i32
      %rem3A_993 = arith.remsi %add3A_960, %jit3A_976 : i32
      %ne3A_994 = arith.constant 0 : i32
      %ne3A_995 = arith.cmpi ne, %rem3A_993, %ne3A_994 : i32
      %and3A_996 = arith.andi %ne3A_992, %ne3A_995 : i1
      %sub3A_997 = arith.constant 1 : i32
      %sub3A_998 = arith.subi %div3A_977, %sub3A_997 : i32
      %select_n3A_999 = arith.select %and3A_996, %sub3A_998, %div3A_977 : i32
      %mul3A_1000 = arith.constant 16 : i32
      %mul3A_1001 = arith.muli %select_n3A_999, %mul3A_1000 : i32
      %get3A_1002 = arith.constant 0 : i32
      %get3A_1003 = arith.index_cast %get3A_1002 : i32 to index
      %get3A_1004 = arith.index_cast %mul3A_1001 : i32 to index
      %get3A_1005 = tpu.vector_load %arg5[%get3A_1003, %get3A_1004] {strides = array<i32>} : memref<1x512xi32, #tpu.memory_space<vmem>>, vector<16xi32>,
      %jit3A_1006 = arith.constant 16 : i32
      %eq3A_1007 = arith.constant 0 : i32
      %eq3A_1008 = arith.cmpi eq, %jit3A_1006, %eq3A_1007 : i32
      %jit3A_1009 = arith.constant 1 : i32
      %select_n3A_1010 = arith.select %eq3A_1008, %jit3A_1009, %jit3A_1006 : i32
      %rem3A_1011 = arith.remsi %add3A_960, %select_n3A_1010 : i32
      %ne3A_1012 = arith.constant 0 : i32
      %ne3A_1013 = arith.cmpi ne, %rem3A_1011, %ne3A_1012 : i32
      %lt3A_1014 = arith.constant 0 : i32
      %lt3A_1015 = arith.cmpi slt, %rem3A_1011, %lt3A_1014 : i32
      %lt3A_1016 = arith.constant 0 : i32
      %lt3A_1017 = arith.cmpi slt, %select_n3A_1010, %lt3A_1016 : i32
      %ne3A_1018 = arith.xori %lt3A_1015, %lt3A_1017 : i1
      %and3A_1019 = arith.andi %ne3A_1018, %ne3A_1013 : i1
      %add3A_1020 = arith.addi %rem3A_1011, %select_n3A_1010 : i32
      %select_n3A_1021 = arith.select %and3A_1019, %add3A_1020, %rem3A_1011 : i32
      %eq3A_1022 = vector.broadcast %select_n3A_1021 : i32 to vector<16xi32>
      %eq3A_1023 = arith.cmpi eq, %iota3A, %eq3A_1022 : vector<16xi32>
      %jit3A_1024 = arith.constant 0 : i32
      %broadcast_in_dim3A_1025 = vector.broadcast %jit3A_1024 : i32 to vector<16xi32>
      %select_n3A_1026 = arith.select %eq3A_1023, %get3A_1005, %broadcast_in_dim3A_1025 : vector<16xi1>, vector<16xi32>
      %reduce_max3A_1027 = arith.constant true
      %reduce_max3A_1028 = vector.broadcast %reduce_max3A_1027 : i1 to vector<16xi1>
      %reduce_max3A_1029 = arith.constant -2147483648 : i32
      %reduce_max3A_1030 = vector.broadcast %reduce_max3A_1029 : i32 to vector<16xi32>
      %reduce_max3A_1031 = arith.xori %select_n3A_1026, %reduce_max3A_1030 : vector<16xi32>
      %reduce_max3A_1032 = tpu.scan <max>, %reduce_max3A_1031 masked %reduce_max3A_1028 : vector<16xi32>, vector<16xi1> -> vector<16xi32>
      %reduce_max3A_1033 = arith.xori %reduce_max3A_1032, %reduce_max3A_1030 : vector<16xi32>
      %reduce_max3A_1034 = vector.extract %reduce_max3A_1033[15] : i32 from vector<16xi32>
      %and3A_1035 = arith.constant 127 : i32
      %and3A_1036 = arith.andi %reduce_max3A_1034, %and3A_1035 : i32
      %broadcast_in_dim3A_1037 = vector.broadcast %and3A_1036 : i32 to vector<16xi32>
      %add3A_1038 = arith.constant 0 : i32
      %add3A_1039 = vector.broadcast %add3A_1038 : i32 to vector<16xi32>
      %add3A_1040 = arith.addi %iota3A, %add3A_1039 : vector<16xi32>
      %gather3A_1041 = arith.constant 1 : i32
      %gather3A_1042 = arith.constant 0 : i32
      %gather3A_1043 = arith.constant 0 : i32
      %gather3A_1044 = tpu.memref_slice %arg6[%gather3A_1041, %gather3A_1042, %gather3A_1043] : memref<8x32x128xf32, #tpu.memory_space<vmem>> -> memref<1x32x128xf32, #tpu.memory_space<vmem>>
      %gather3A_1045 = tpu.memref_squeeze %gather3A_1044 : memref<1x32x128xf32, #tpu.memory_space<vmem>> -> memref<32x128xf32, #tpu.memory_space<vmem>>
      %gather3A_1046 = tpu.vector_load_idx %gather3A_1045[%add3A_1040, %broadcast_in_dim3A_1037] : memref<32x128xf32, #tpu.memory_space<vmem>>[vector<16xi32>, vector<16xi32>], vector<16xf32>,
      %swap3A_1047 = arith.index_cast %add3A_960 : i32 to index
      %swap3A_1048 = arith.constant 0 : index
      %swap3A_1049 = tpu.vector_load %arg7[%swap3A_1047, %swap3A_1048] {strides = array<i32>} : memref<512x128xf32, #tpu.memory_space<vmem>>, vector<16xf32>,
      tpu.vector_store %arg7[%swap3A_1047, %swap3A_1048], %gather3A_1046 {strides = array<i32>} : memref<512x128xf32, #tpu.memory_space<vmem>>, vector<16xf32>,
      %add3A_1050 = arith.constant 16 : i32
      %add3A_1051 = vector.broadcast %add3A_1050 : i32 to vector<16xi32>
      %add3A_1052 = arith.addi %iota3A, %add3A_1051 : vector<16xi32>
      %gather3A_1053 = arith.constant 1 : i32
      %gather3A_1054 = arith.constant 0 : i32
      %gather3A_1055 = arith.constant 0 : i32
      %gather3A_1056 = tpu.memref_slice %arg6[%gather3A_1053, %gather3A_1054, %gather3A_1055] : memref<8x32x128xf32, #tpu.memory_space<vmem>> -> memref<1x32x128xf32, #tpu.memory_space<vmem>>
      %gather3A_1057 = tpu.memref_squeeze %gather3A_1056 : memref<1x32x128xf32, #tpu.memory_space<vmem>> -> memref<32x128xf32, #tpu.memory_space<vmem>>
      %gather3A_1058 = tpu.vector_load_idx %gather3A_1057[%add3A_1052, %broadcast_in_dim3A_1037] : memref<32x128xf32, #tpu.memory_space<vmem>>[vector<16xi32>, vector<16xi32>], vector<16xf32>,
      %swap3A_1059 = arith.index_cast %add3A_960 : i32 to index
      %swap3A_1060 = arith.constant 16 : index
      %swap3A_1061 = tpu.vector_load %arg7[%swap3A_1059, %swap3A_1060] {strides = array<i32>} : memref<512x128xf32, #tpu.memory_space<vmem>>, vector<16xf32>,
      tpu.vector_store %arg7[%swap3A_1059, %swap3A_1060], %gather3A_1058 {strides = array<i32>} : memref<512x128xf32, #tpu.memory_space<vmem>>, vector<16xf32>,
      %add3A_1062 = arith.constant 8 : i32
      %add3A_1063 = arith.addi %add3A_960, %add3A_1062 : i32
      %jit3A_1064 = arith.constant 16 : i32
      %div3A_1065 = arith.divsi %add3A_1063, %jit3A_1064 : i32
      %sign3A_1066 = arith.constant 0 : i32
      %sign3A_1067 = arith.cmpi sgt, %add3A_1063, %sign3A_1066 : i32
      %sign3A_1068 = arith.extui %sign3A_1067 : i1 to i32
      %sign3A_1069 = arith.constant 0 : i32
      %sign3A_1070 = arith.cmpi slt, %add3A_1063, %sign3A_1069 : i32
      %sign3A_1071 = arith.extui %sign3A_1070 : i1 to i32
      %sign3A_1072 = arith.subi %sign3A_1068, %sign3A_1071 : i32
      %sign3A_1073 = arith.constant 0 : i32
      %sign3A_1074 = arith.cmpi sgt, %jit3A_1064, %sign3A_1073 : i32
      %sign3A_1075 = arith.extui %sign3A_1074 : i1 to i32
      %sign3A_1076 = arith.constant 0 : i32
      %sign3A_1077 = arith.cmpi slt, %jit3A_1064, %sign3A_1076 : i32
      %sign3A_1078 = arith.extui %sign3A_1077 : i1 to i32
      %sign3A_1079 = arith.subi %sign3A_1075, %sign3A_1078 : i32
      %ne3A_1080 = arith.cmpi ne, %sign3A_1072, %sign3A_1079 : i32
      %rem3A_1081 = arith.remsi %add3A_1063, %jit3A_1064 : i32
      %ne3A_1082 = arith.constant 0 : i32
      %ne3A_1083 = arith.cmpi ne, %rem3A_1081, %ne3A_1082 : i32
      %and3A_1084 = arith.andi %ne3A_1080, %ne3A_1083 : i1
      %sub3A_1085 = arith.constant 1 : i32
      %sub3A_1086 = arith.subi %div3A_1065, %sub3A_1085 : i32
      %select_n3A_1087 = arith.select %and3A_1084, %sub3A_1086, %div3A_1065 : i32
      %mul3A_1088 = arith.constant 16 : i32
      %mul3A_1089 = arith.muli %select_n3A_1087, %mul3A_1088 : i32
      %get3A_1090 = arith.constant 0 : i32
      %get3A_1091 = arith.index_cast %get3A_1090 : i32 to index
      %get3A_1092 = arith.index_cast %mul3A_1089 : i32 to index
      %get3A_1093 = tpu.vector_load %arg5[%get3A_1091, %get3A_1092] {strides = array<i32>} : memref<1x512xi32, #tpu.memory_space<vmem>>, vector<16xi32>,
      %jit3A_1094 = arith.constant 16 : i32
      %eq3A_1095 = arith.constant 0 : i32
      %eq3A_1096 = arith.cmpi eq, %jit3A_1094, %eq3A_1095 : i32
      %jit3A_1097 = arith.constant 1 : i32
      %select_n3A_1098 = arith.select %eq3A_1096, %jit3A_1097, %jit3A_1094 : i32
      %rem3A_1099 = arith.remsi %add3A_1063, %select_n3A_1098 : i32
      %ne3A_1100 = arith.constant 0 : i32
      %ne3A_1101 = arith.cmpi ne, %rem3A_1099, %ne3A_1100 : i32
      %lt3A_1102 = arith.constant 0 : i32
      %lt3A_1103 = arith.cmpi slt, %rem3A_1099, %lt3A_1102 : i32
      %lt3A_1104 = arith.constant 0 : i32
      %lt3A_1105 = arith.cmpi slt, %select_n3A_1098, %lt3A_1104 : i32
      %ne3A_1106 = arith.xori %lt3A_1103, %lt3A_1105 : i1
      %and3A_1107 = arith.andi %ne3A_1106, %ne3A_1101 : i1
      %add3A_1108 = arith.addi %rem3A_1099, %select_n3A_1098 : i32
      %select_n3A_1109 = arith.select %and3A_1107, %add3A_1108, %rem3A_1099 : i32
      %eq3A_1110 = vector.broadcast %select_n3A_1109 : i32 to vector<16xi32>
      %eq3A_1111 = arith.cmpi eq, %iota3A, %eq3A_1110 : vector<16xi32>
      %jit3A_1112 = arith.constant 0 : i32
      %broadcast_in_dim3A_1113 = vector.broadcast %jit3A_1112 : i32 to vector<16xi32>
      %select_n3A_1114 = arith.select %eq3A_1111, %get3A_1093, %broadcast_in_dim3A_1113 : vector<16xi1>, vector<16xi32>
      %reduce_max3A_1115 = arith.constant true
      %reduce_max3A_1116 = vector.broadcast %reduce_max3A_1115 : i1 to vector<16xi1>
      %reduce_max3A_1117 = arith.constant -2147483648 : i32
      %reduce_max3A_1118 = vector.broadcast %reduce_max3A_1117 : i32 to vector<16xi32>
      %reduce_max3A_1119 = arith.xori %select_n3A_1114, %reduce_max3A_1118 : vector<16xi32>
      %reduce_max3A_1120 = tpu.scan <max>, %reduce_max3A_1119 masked %reduce_max3A_1116 : vector<16xi32>, vector<16xi1> -> vector<16xi32>
      %reduce_max3A_1121 = arith.xori %reduce_max3A_1120, %reduce_max3A_1118 : vector<16xi32>
      %reduce_max3A_1122 = vector.extract %reduce_max3A_1121[15] : i32 from vector<16xi32>
      %shift_right_logical3A_1123 = arith.constant 7 : i32
      %shift_right_logical3A_1124 = arith.shrui %reduce_max3A_1122, %shift_right_logical3A_1123 : i32
      %shift_left3A_1125 = arith.constant 7 : i32
      %shift_left3A_1126 = arith.shli %shift_right_logical3A_1124, %shift_left3A_1125 : i32
      %multiple_of3A_1127 = tpu.assume_multiple %shift_left3A_1126, 128 : i32
      %dma_start3A_1128 = arith.constant 1 : i32
      %dma_start3A_1129 = arith.constant 0 : i32
      %dma_start3A_1130 = arith.constant 0 : i32
      %dma_start3A_1131 = tpu.memref_slice %arg6[%dma_start3A_1128, %dma_start3A_1129, %dma_start3A_1130] : memref<8x32x128xf32, #tpu.memory_space<vmem>> -> memref<1x32x128xf32, #tpu.memory_space<vmem>>
      %dma_start3A_1132 = tpu.memref_squeeze %dma_start3A_1131 : memref<1x32x128xf32, #tpu.memory_space<vmem>> -> memref<32x128xf32, #tpu.memory_space<vmem>>
      %dma_start3A_1133 = arith.constant 0 : i32
      %dma_start3A_1134 = tpu.memref_slice %arg3[%dma_start3A_1133, %multiple_of3A_1127] : memref<32x1000000xf32, #tpu.memory_space<hbm>> -> memref<32x128xf32, #tpu.memory_space<hbm>>
      %dma_start3A_1135 = arith.constant 0 : i32
      %dma_start3A_1136 = arith.constant 0 : i32
      %dma_start3A_1137 = tpu.memref_slice %arg6[%dma_start3A_1128, %dma_start3A_1135, %dma_start3A_1136] : memref<8x32x128xf32, #tpu.memory_space<vmem>> -> memref<1x32x128xf32, #tpu.memory_space<vmem>>
      %dma_start3A_1138 = tpu.memref_squeeze %dma_start3A_1137 : memref<1x32x128xf32, #tpu.memory_space<vmem>> -> memref<32x128xf32, #tpu.memory_space<vmem>>
      %dma_start3A_1139 = arith.constant 0 : i32
      %dma_start3A_1140 = tpu.memref_slice %arg3[%dma_start3A_1139, %multiple_of3A_1127] : memref<32x1000000xf32, #tpu.memory_space<hbm>> -> memref<32x128xf32, #tpu.memory_space<hbm>>
      tpu.enqueue_dma source(%dma_start3A_1140 : memref<32x128xf32, #tpu.memory_space<hbm>>) target(%dma_start3A_1138 : memref<32x128xf32, #tpu.memory_space<vmem>>) target_semaphore(%arg9 : memref<!tpu.dma_semaphore, #tpu.memory_space<semaphore_mem>>)
      %mul3A_1141 = arith.constant 8 : i32
      %mul3A_1142 = arith.muli %scan3A_778, %mul3A_1141 : i32
      %add3A_1143 = arith.constant 2 : i32
      %add3A_1144 = arith.addi %mul3A_1142, %add3A_1143 : i32
      %dma_wait3A_1145 = arith.constant 2 : i32
      %dma_wait3A_1146 = arith.constant 0 : i32
      %dma_wait3A_1147 = arith.constant 0 : i32
      %dma_wait3A_1148 = tpu.memref_slice %arg6[%dma_wait3A_1145, %dma_wait3A_1146, %dma_wait3A_1147] : memref<8x32x128xf32, #tpu.memory_space<vmem>> -> memref<1x32x128xf32, #tpu.memory_space<vmem>>
      %dma_wait3A_1149 = tpu.memref_squeeze %dma_wait3A_1148 : memref<1x32x128xf32, #tpu.memory_space<vmem>> -> memref<32x128xf32, #tpu.memory_space<vmem>>
      %dma_wait3A_1150 = arith.constant 0 : i32
      %dma_wait3A_1151 = arith.constant 0 : i32
      %dma_wait3A_1152 = tpu.memref_slice %arg3[%dma_wait3A_1150, %dma_wait3A_1151] : memref<32x1000000xf32, #tpu.memory_space<hbm>> -> memref<32x128xf32, #tpu.memory_space<hbm>>
      %dma_wait3A_1153 = arith.constant 0 : i32
      %dma_wait3A_1154 = arith.constant 0 : i32
      %dma_wait3A_1155 = tpu.memref_slice %arg6[%dma_wait3A_1145, %dma_wait3A_1153, %dma_wait3A_1154] : memref<8x32x128xf32, #tpu.memory_space<vmem>> -> memref<1x32x128xf32, #tpu.memory_space<vmem>>
      %dma_wait3A_1156 = tpu.memref_squeeze %dma_wait3A_1155 : memref<1x32x128xf32, #tpu.memory_space<vmem>> -> memref<32x128xf32, #tpu.memory_space<vmem>>
      %dma_wait3A_1157 = arith.constant 0 : i32
      %dma_wait3A_1158 = arith.constant 0 : i32
      %dma_wait3A_1159 = tpu.memref_slice %arg3[%dma_wait3A_1157, %dma_wait3A_1158] : memref<32x1000000xf32, #tpu.memory_space<hbm>> -> memref<32x128xf32, #tpu.memory_space<hbm>>
      tpu.wait_dma2 semaphore(%arg10 : memref<!tpu.dma_semaphore, #tpu.memory_space<semaphore_mem>>) src(%dma_wait3A_1159 : memref<32x128xf32, #tpu.memory_space<hbm>>) dst(%dma_wait3A_1156 : memref<32x128xf32, #tpu.memory_space<vmem>>)
      %jit3A_1160 = arith.constant 16 : i32
      %div3A_1161 = arith.divsi %add3A_1144, %jit3A_1160 : i32
      %sign3A_1162 = arith.constant 0 : i32
      %sign3A_1163 = arith.cmpi sgt, %add3A_1144, %sign3A_1162 : i32
      %sign3A_1164 = arith.extui %sign3A_1163 : i1 to i32
      %sign3A_1165 = arith.constant 0 : i32
      %sign3A_1166 = arith.cmpi slt, %add3A_1144, %sign3A_1165 : i32
      %sign3A_1167 = arith.extui %sign3A_1166 : i1 to i32
      %sign3A_1168 = arith.subi %sign3A_1164, %sign3A_1167 : i32
      %sign3A_1169 = arith.constant 0 : i32
      %sign3A_1170 = arith.cmpi sgt, %jit3A_1160, %sign3A_1169 : i32
      %sign3A_1171 = arith.extui %sign3A_1170 : i1 to i32
      %sign3A_1172 = arith.constant 0 : i32
      %sign3A_1173 = arith.cmpi slt, %jit3A_1160, %sign3A_1172 : i32
      %sign3A_1174 = arith.extui %sign3A_1173 : i1 to i32
      %sign3A_1175 = arith.subi %sign3A_1171, %sign3A_1174 : i32
      %ne3A_1176 = arith.cmpi ne, %sign3A_1168, %sign3A_1175 : i32
      %rem3A_1177 = arith.remsi %add3A_1144, %jit3A_1160 : i32
      %ne3A_1178 = arith.constant 0 : i32
      %ne3A_1179 = arith.cmpi ne, %rem3A_1177, %ne3A_1178 : i32
      %and3A_1180 = arith.andi %ne3A_1176, %ne3A_1179 : i1
      %sub3A_1181 = arith.constant 1 : i32
      %sub3A_1182 = arith.subi %div3A_1161, %sub3A_1181 : i32
      %select_n3A_1183 = arith.select %and3A_1180, %sub3A_1182, %div3A_1161 : i32
      %mul3A_1184 = arith.constant 16 : i32
      %mul3A_1185 = arith.muli %select_n3A_1183, %mul3A_1184 : i32
      %get3A_1186 = arith.constant 0 : i32
      %get3A_1187 = arith.index_cast %get3A_1186 : i32 to index
      %get3A_1188 = arith.index_cast %mul3A_1185 : i32 to index
      %get3A_1189 = tpu.vector_load %arg5[%get3A_1187, %get3A_1188] {strides = array<i32>} : memref<1x512xi32, #tpu.memory_space<vmem>>, vector<16xi32>,
      %jit3A_1190 = arith.constant 16 : i32
      %eq3A_1191 = arith.constant 0 : i32
      %eq3A_1192 = arith.cmpi eq, %jit3A_1190, %eq3A_1191 : i32
      %jit3A_1193 = arith.constant 1 : i32
      %select_n3A_1194 = arith.select %eq3A_1192, %jit3A_1193, %jit3A_1190 : i32
      %rem3A_1195 = arith.remsi %add3A_1144, %select_n3A_1194 : i32
      %ne3A_1196 = arith.constant 0 : i32
      %ne3A_1197 = arith.cmpi ne, %rem3A_1195, %ne3A_1196 : i32
      %lt3A_1198 = arith.constant 0 : i32
      %lt3A_1199 = arith.cmpi slt, %rem3A_1195, %lt3A_1198 : i32
      %lt3A_1200 = arith.constant 0 : i32
      %lt3A_1201 = arith.cmpi slt, %select_n3A_1194, %lt3A_1200 : i32
      %ne3A_1202 = arith.xori %lt3A_1199, %lt3A_1201 : i1
      %and3A_1203 = arith.andi %ne3A_1202, %ne3A_1197 : i1
      %add3A_1204 = arith.addi %rem3A_1195, %select_n3A_1194 : i32
      %select_n3A_1205 = arith.select %and3A_1203, %add3A_1204, %rem3A_1195 : i32
      %eq3A_1206 = vector.broadcast %select_n3A_1205 : i32 to vector<16xi32>
      %eq3A_1207 = arith.cmpi eq, %iota3A, %eq3A_1206 : vector<16xi32>
      %jit3A_1208 = arith.constant 0 : i32
      %broadcast_in_dim3A_1209 = vector.broadcast %jit3A_1208 : i32 to vector<16xi32>
      %select_n3A_1210 = arith.select %eq3A_1207, %get3A_1189, %broadcast_in_dim3A_1209 : vector<16xi1>, vector<16xi32>
      %reduce_max3A_1211 = arith.constant true
      %reduce_max3A_1212 = vector.broadcast %reduce_max3A_1211 : i1 to vector<16xi1>
      %reduce_max3A_1213 = arith.constant -2147483648 : i32
      %reduce_max3A_1214 = vector.broadcast %reduce_max3A_1213 : i32 to vector<16xi32>
      %reduce_max3A_1215 = arith.xori %select_n3A_1210, %reduce_max3A_1214 : vector<16xi32>
      %reduce_max3A_1216 = tpu.scan <max>, %reduce_max3A_1215 masked %reduce_max3A_1212 : vector<16xi32>, vector<16xi1> -> vector<16xi32>
      %reduce_max3A_1217 = arith.xori %reduce_max3A_1216, %reduce_max3A_1214 : vector<16xi32>
      %reduce_max3A_1218 = vector.extract %reduce_max3A_1217[15] : i32 from vector<16xi32>
      %and3A_1219 = arith.constant 127 : i32
      %and3A_1220 = arith.andi %reduce_max3A_1218, %and3A_1219 : i32
      %broadcast_in_dim3A_1221 = vector.broadcast %and3A_1220 : i32 to vector<16xi32>
      %add3A_1222 = arith.constant 0 : i32
      %add3A_1223 = vector.broadcast %add3A_1222 : i32 to vector<16xi32>
      %add3A_1224 = arith.addi %iota3A, %add3A_1223 : vector<16xi32>
      %gather3A_1225 = arith.constant 2 : i32
      %gather3A_1226 = arith.constant 0 : i32
      %gather3A_1227 = arith.constant 0 : i32
      %gather3A_1228 = tpu.memref_slice %arg6[%gather3A_1225, %gather3A_1226, %gather3A_1227] : memref<8x32x128xf32, #tpu.memory_space<vmem>> -> memref<1x32x128xf32, #tpu.memory_space<vmem>>
      %gather3A_1229 = tpu.memref_squeeze %gather3A_1228 : memref<1x32x128xf32, #tpu.memory_space<vmem>> -> memref<32x128xf32, #tpu.memory_space<vmem>>
      %gather3A_1230 = tpu.vector_load_idx %gather3A_1229[%add3A_1224, %broadcast_in_dim3A_1221] : memref<32x128xf32, #tpu.memory_space<vmem>>[vector<16xi32>, vector<16xi32>], vector<16xf32>,
      %swap3A_1231 = arith.index_cast %add3A_1144 : i32 to index
      %swap3A_1232 = arith.constant 0 : index
      %swap3A_1233 = tpu.vector_load %arg7[%swap3A_1231, %swap3A_1232] {strides = array<i32>} : memref<512x128xf32, #tpu.memory_space<vmem>>, vector<16xf32>,
      tpu.vector_store %arg7[%swap3A_1231, %swap3A_1232], %gather3A_1230 {strides = array<i32>} : memref<512x128xf32, #tpu.memory_space<vmem>>, vector<16xf32>,
      %add3A_1234 = arith.constant 16 : i32
      %add3A_1235 = vector.broadcast %add3A_1234 : i32 to vector<16xi32>
      %add3A_1236 = arith.addi %iota3A, %add3A_1235 : vector<16xi32>
      %gather3A_1237 = arith.constant 2 : i32
      %gather3A_1238 = arith.constant 0 : i32
      %gather3A_1239 = arith.constant 0 : i32
      %gather3A_1240 = tpu.memref_slice %arg6[%gather3A_1237, %gather3A_1238, %gather3A_1239] : memref<8x32x128xf32, #tpu.memory_space<vmem>> -> memref<1x32x128xf32, #tpu.memory_space<vmem>>
      %gather3A_1241 = tpu.memref_squeeze %gather3A_1240 : memref<1x32x128xf32, #tpu.memory_space<vmem>> -> memref<32x128xf32, #tpu.memory_space<vmem>>
      %gather3A_1242 = tpu.vector_load_idx %gather3A_1241[%add3A_1236, %broadcast_in_dim3A_1221] : memref<32x128xf32, #tpu.memory_space<vmem>>[vector<16xi32>, vector<16xi32>], vector<16xf32>,
      %swap3A_1243 = arith.index_cast %add3A_1144 : i32 to index
      %swap3A_1244 = arith.constant 16 : index
      %swap3A_1245 = tpu.vector_load %arg7[%swap3A_1243, %swap3A_1244] {strides = array<i32>} : memref<512x128xf32, #tpu.memory_space<vmem>>, vector<16xf32>,
      tpu.vector_store %arg7[%swap3A_1243, %swap3A_1244], %gather3A_1242 {strides = array<i32>} : memref<512x128xf32, #tpu.memory_space<vmem>>, vector<16xf32>,
      %add3A_1246 = arith.constant 8 : i32
      %add3A_1247 = arith.addi %add3A_1144, %add3A_1246 : i32
      %jit3A_1248 = arith.constant 16 : i32
      %div3A_1249 = arith.divsi %add3A_1247, %jit3A_1248 : i32
      %sign3A_1250 = arith.constant 0 : i32
      %sign3A_1251 = arith.cmpi sgt, %add3A_1247, %sign3A_1250 : i32
      %sign3A_1252 = arith.extui %sign3A_1251 : i1 to i32
      %sign3A_1253 = arith.constant 0 : i32
      %sign3A_1254 = arith.cmpi slt, %add3A_1247, %sign3A_1253 : i32
      %sign3A_1255 = arith.extui %sign3A_1254 : i1 to i32
      %sign3A_1256 = arith.subi %sign3A_1252, %sign3A_1255 : i32
      %sign3A_1257 = arith.constant 0 : i32
      %sign3A_1258 = arith.cmpi sgt, %jit3A_1248, %sign3A_1257 : i32
      %sign3A_1259 = arith.extui %sign3A_1258 : i1 to i32
      %sign3A_1260 = arith.constant 0 : i32
      %sign3A_1261 = arith.cmpi slt, %jit3A_1248, %sign3A_1260 : i32
      %sign3A_1262 = arith.extui %sign3A_1261 : i1 to i32
      %sign3A_1263 = arith.subi %sign3A_1259, %sign3A_1262 : i32
      %ne3A_1264 = arith.cmpi ne, %sign3A_1256, %sign3A_1263 : i32
      %rem3A_1265 = arith.remsi %add3A_1247, %jit3A_1248 : i32
      %ne3A_1266 = arith.constant 0 : i32
      %ne3A_1267 = arith.cmpi ne, %rem3A_1265, %ne3A_1266 : i32
      %and3A_1268 = arith.andi %ne3A_1264, %ne3A_1267 : i1
      %sub3A_1269 = arith.constant 1 : i32
      %sub3A_1270 = arith.subi %div3A_1249, %sub3A_1269 : i32
      %select_n3A_1271 = arith.select %and3A_1268, %sub3A_1270, %div3A_1249 : i32
      %mul3A_1272 = arith.constant 16 : i32
      %mul3A_1273 = arith.muli %select_n3A_1271, %mul3A_1272 : i32
      %get3A_1274 = arith.constant 0 : i32
      %get3A_1275 = arith.index_cast %get3A_1274 : i32 to index
      %get3A_1276 = arith.index_cast %mul3A_1273 : i32 to index
      %get3A_1277 = tpu.vector_load %arg5[%get3A_1275, %get3A_1276] {strides = array<i32>} : memref<1x512xi32, #tpu.memory_space<vmem>>, vector<16xi32>,
      %jit3A_1278 = arith.constant 16 : i32
      %eq3A_1279 = arith.constant 0 : i32
      %eq3A_1280 = arith.cmpi eq, %jit3A_1278, %eq3A_1279 : i32
      %jit3A_1281 = arith.constant 1 : i32
      %select_n3A_1282 = arith.select %eq3A_1280, %jit3A_1281, %jit3A_1278 : i32
      %rem3A_1283 = arith.remsi %add3A_1247, %select_n3A_1282 : i32
      %ne3A_1284 = arith.constant 0 : i32
      %ne3A_1285 = arith.cmpi ne, %rem3A_1283, %ne3A_1284 : i32
      %lt3A_1286 = arith.constant 0 : i32
      %lt3A_1287 = arith.cmpi slt, %rem3A_1283, %lt3A_1286 : i32
      %lt3A_1288 = arith.constant 0 : i32
      %lt3A_1289 = arith.cmpi slt, %select_n3A_1282, %lt3A_1288 : i32
      %ne3A_1290 = arith.xori %lt3A_1287, %lt3A_1289 : i1
      %and3A_1291 = arith.andi %ne3A_1290, %ne3A_1285 : i1
      %add3A_1292 = arith.addi %rem3A_1283, %select_n3A_1282 : i32
      %select_n3A_1293 = arith.select %and3A_1291, %add3A_1292, %rem3A_1283 : i32
      %eq3A_1294 = vector.broadcast %select_n3A_1293 : i32 to vector<16xi32>
      %eq3A_1295 = arith.cmpi eq, %iota3A, %eq3A_1294 : vector<16xi32>
      %jit3A_1296 = arith.constant 0 : i32
      %broadcast_in_dim3A_1297 = vector.broadcast %jit3A_1296 : i32 to vector<16xi32>
      %select_n3A_1298 = arith.select %eq3A_1295, %get3A_1277, %broadcast_in_dim3A_1297 : vector<16xi1>, vector<16xi32>
      %reduce_max3A_1299 = arith.constant true
      %reduce_max3A_1300 = vector.broadcast %reduce_max3A_1299 : i1 to vector<16xi1>
      %reduce_max3A_1301 = arith.constant -2147483648 : i32
      %reduce_max3A_1302 = vector.broadcast %reduce_max3A_1301 : i32 to vector<16xi32>
      %reduce_max3A_1303 = arith.xori %select_n3A_1298, %reduce_max3A_1302 : vector<16xi32>
      %reduce_max3A_1304 = tpu.scan <max>, %reduce_max3A_1303 masked %reduce_max3A_1300 : vector<16xi32>, vector<16xi1> -> vector<16xi32>
      %reduce_max3A_1305 = arith.xori %reduce_max3A_1304, %reduce_max3A_1302 : vector<16xi32>
      %reduce_max3A_1306 = vector.extract %reduce_max3A_1305[15] : i32 from vector<16xi32>
      %shift_right_logical3A_1307 = arith.constant 7 : i32
      %shift_right_logical3A_1308 = arith.shrui %reduce_max3A_1306, %shift_right_logical3A_1307 : i32
      %shift_left3A_1309 = arith.constant 7 : i32
      %shift_left3A_1310 = arith.shli %shift_right_logical3A_1308, %shift_left3A_1309 : i32
      %multiple_of3A_1311 = tpu.assume_multiple %shift_left3A_1310, 128 : i32
      %dma_start3A_1312 = arith.constant 2 : i32
      %dma_start3A_1313 = arith.constant 0 : i32
      %dma_start3A_1314 = arith.constant 0 : i32
      %dma_start3A_1315 = tpu.memref_slice %arg6[%dma_start3A_1312, %dma_start3A_1313, %dma_start3A_1314] : memref<8x32x128xf32, #tpu.memory_space<vmem>> -> memref<1x32x128xf32, #tpu.memory_space<vmem>>
      %dma_start3A_1316 = tpu.memref_squeeze %dma_start3A_1315 : memref<1x32x128xf32, #tpu.memory_space<vmem>> -> memref<32x128xf32, #tpu.memory_space<vmem>>
      %dma_start3A_1317 = arith.constant 0 : i32
      %dma_start3A_1318 = tpu.memref_slice %arg3[%dma_start3A_1317, %multiple_of3A_1311] : memref<32x1000000xf32, #tpu.memory_space<hbm>> -> memref<32x128xf32, #tpu.memory_space<hbm>>
      %dma_start3A_1319 = arith.constant 0 : i32
      %dma_start3A_1320 = arith.constant 0 : i32
      %dma_start3A_1321 = tpu.memref_slice %arg6[%dma_start3A_1312, %dma_start3A_1319, %dma_start3A_1320] : memref<8x32x128xf32, #tpu.memory_space<vmem>> -> memref<1x32x128xf32, #tpu.memory_space<vmem>>
      %dma_start3A_1322 = tpu.memref_squeeze %dma_start3A_1321 : memref<1x32x128xf32, #tpu.memory_space<vmem>> -> memref<32x128xf32, #tpu.memory_space<vmem>>
      %dma_start3A_1323 = arith.constant 0 : i32
      %dma_start3A_1324 = tpu.memref_slice %arg3[%dma_start3A_1323, %multiple_of3A_1311] : memref<32x1000000xf32, #tpu.memory_space<hbm>> -> memref<32x128xf32, #tpu.memory_space<hbm>>
      tpu.enqueue_dma source(%dma_start3A_1324 : memref<32x128xf32, #tpu.memory_space<hbm>>) target(%dma_start3A_1322 : memref<32x128xf32, #tpu.memory_space<vmem>>) target_semaphore(%arg10 : memref<!tpu.dma_semaphore, #tpu.memory_space<semaphore_mem>>)
      %mul3A_1325 = arith.constant 8 : i32
      %mul3A_1326 = arith.muli %scan3A_778, %mul3A_1325 : i32
      %add3A_1327 = arith.constant 3 : i32
      %add3A_1328 = arith.addi %mul3A_1326, %add3A_1327 : i32
      %dma_wait3A_1329 = arith.constant 3 : i32
      %dma_wait3A_1330 = arith.constant 0 : i32
      %dma_wait3A_1331 = arith.constant 0 : i32
      %dma_wait3A_1332 = tpu.memref_slice %arg6[%dma_wait3A_1329, %dma_wait3A_1330, %dma_wait3A_1331] : memref<8x32x128xf32, #tpu.memory_space<vmem>> -> memref<1x32x128xf32, #tpu.memory_space<vmem>>
      %dma_wait3A_1333 = tpu.memref_squeeze %dma_wait3A_1332 : memref<1x32x128xf32, #tpu.memory_space<vmem>> -> memref<32x128xf32, #tpu.memory_space<vmem>>
      %dma_wait3A_1334 = arith.constant 0 : i32
      %dma_wait3A_1335 = arith.constant 0 : i32
      %dma_wait3A_1336 = tpu.memref_slice %arg3[%dma_wait3A_1334, %dma_wait3A_1335] : memref<32x1000000xf32, #tpu.memory_space<hbm>> -> memref<32x128xf32, #tpu.memory_space<hbm>>
      %dma_wait3A_1337 = arith.constant 0 : i32
      %dma_wait3A_1338 = arith.constant 0 : i32
      %dma_wait3A_1339 = tpu.memref_slice %arg6[%dma_wait3A_1329, %dma_wait3A_1337, %dma_wait3A_1338] : memref<8x32x128xf32, #tpu.memory_space<vmem>> -> memref<1x32x128xf32, #tpu.memory_space<vmem>>
      %dma_wait3A_1340 = tpu.memref_squeeze %dma_wait3A_1339 : memref<1x32x128xf32, #tpu.memory_space<vmem>> -> memref<32x128xf32, #tpu.memory_space<vmem>>
      %dma_wait3A_1341 = arith.constant 0 : i32
      %dma_wait3A_1342 = arith.constant 0 : i32
      %dma_wait3A_1343 = tpu.memref_slice %arg3[%dma_wait3A_1341, %dma_wait3A_1342] : memref<32x1000000xf32, #tpu.memory_space<hbm>> -> memref<32x128xf32, #tpu.memory_space<hbm>>
      tpu.wait_dma2 semaphore(%arg11 : memref<!tpu.dma_semaphore, #tpu.memory_space<semaphore_mem>>) src(%dma_wait3A_1343 : memref<32x128xf32, #tpu.memory_space<hbm>>) dst(%dma_wait3A_1340 : memref<32x128xf32, #tpu.memory_space<vmem>>)
      %jit3A_1344 = arith.constant 16 : i32
      %div3A_1345 = arith.divsi %add3A_1328, %jit3A_1344 : i32
      %sign3A_1346 = arith.constant 0 : i32
      %sign3A_1347 = arith.cmpi sgt, %add3A_1328, %sign3A_1346 : i32
      %sign3A_1348 = arith.extui %sign3A_1347 : i1 to i32
      %sign3A_1349 = arith.constant 0 : i32
      %sign3A_1350 = arith.cmpi slt, %add3A_1328, %sign3A_1349 : i32
      %sign3A_1351 = arith.extui %sign3A_1350 : i1 to i32
      %sign3A_1352 = arith.subi %sign3A_1348, %sign3A_1351 : i32
      %sign3A_1353 = arith.constant 0 : i32
      %sign3A_1354 = arith.cmpi sgt, %jit3A_1344, %sign3A_1353 : i32
      %sign3A_1355 = arith.extui %sign3A_1354 : i1 to i32
      %sign3A_1356 = arith.constant 0 : i32
      %sign3A_1357 = arith.cmpi slt, %jit3A_1344, %sign3A_1356 : i32
      %sign3A_1358 = arith.extui %sign3A_1357 : i1 to i32
      %sign3A_1359 = arith.subi %sign3A_1355, %sign3A_1358 : i32
      %ne3A_1360 = arith.cmpi ne, %sign3A_1352, %sign3A_1359 : i32
      %rem3A_1361 = arith.remsi %add3A_1328, %jit3A_1344 : i32
      %ne3A_1362 = arith.constant 0 : i32
      %ne3A_1363 = arith.cmpi ne, %rem3A_1361, %ne3A_1362 : i32
      %and3A_1364 = arith.andi %ne3A_1360, %ne3A_1363 : i1
      %sub3A_1365 = arith.constant 1 : i32
      %sub3A_1366 = arith.subi %div3A_1345, %sub3A_1365 : i32
      %select_n3A_1367 = arith.select %and3A_1364, %sub3A_1366, %div3A_1345 : i32
      %mul3A_1368 = arith.constant 16 : i32
      %mul3A_1369 = arith.muli %select_n3A_1367, %mul3A_1368 : i32
      %get3A_1370 = arith.constant 0 : i32
      %get3A_1371 = arith.index_cast %get3A_1370 : i32 to index
      %get3A_1372 = arith.index_cast %mul3A_1369 : i32 to index
      %get3A_1373 = tpu.vector_load %arg5[%get3A_1371, %get3A_1372] {strides = array<i32>} : memref<1x512xi32, #tpu.memory_space<vmem>>, vector<16xi32>,
      %jit3A_1374 = arith.constant 16 : i32
      %eq3A_1375 = arith.constant 0 : i32
      %eq3A_1376 = arith.cmpi eq, %jit3A_1374, %eq3A_1375 : i32
      %jit3A_1377 = arith.constant 1 : i32
      %select_n3A_1378 = arith.select %eq3A_1376, %jit3A_1377, %jit3A_1374 : i32
      %rem3A_1379 = arith.remsi %add3A_1328, %select_n3A_1378 : i32
      %ne3A_1380 = arith.constant 0 : i32
      %ne3A_1381 = arith.cmpi ne, %rem3A_1379, %ne3A_1380 : i32
      %lt3A_1382 = arith.constant 0 : i32
      %lt3A_1383 = arith.cmpi slt, %rem3A_1379, %lt3A_1382 : i32
      %lt3A_1384 = arith.constant 0 : i32
      %lt3A_1385 = arith.cmpi slt, %select_n3A_1378, %lt3A_1384 : i32
      %ne3A_1386 = arith.xori %lt3A_1383, %lt3A_1385 : i1
      %and3A_1387 = arith.andi %ne3A_1386, %ne3A_1381 : i1
      %add3A_1388 = arith.addi %rem3A_1379, %select_n3A_1378 : i32
      %select_n3A_1389 = arith.select %and3A_1387, %add3A_1388, %rem3A_1379 : i32
      %eq3A_1390 = vector.broadcast %select_n3A_1389 : i32 to vector<16xi32>
      %eq3A_1391 = arith.cmpi eq, %iota3A, %eq3A_1390 : vector<16xi32>
      %jit3A_1392 = arith.constant 0 : i32
      %broadcast_in_dim3A_1393 = vector.broadcast %jit3A_1392 : i32 to vector<16xi32>
      %select_n3A_1394 = arith.select %eq3A_1391, %get3A_1373, %broadcast_in_dim3A_1393 : vector<16xi1>, vector<16xi32>
      %reduce_max3A_1395 = arith.constant true
      %reduce_max3A_1396 = vector.broadcast %reduce_max3A_1395 : i1 to vector<16xi1>
      %reduce_max3A_1397 = arith.constant -2147483648 : i32
      %reduce_max3A_1398 = vector.broadcast %reduce_max3A_1397 : i32 to vector<16xi32>
      %reduce_max3A_1399 = arith.xori %select_n3A_1394, %reduce_max3A_1398 : vector<16xi32>
      %reduce_max3A_1400 = tpu.scan <max>, %reduce_max3A_1399 masked %reduce_max3A_1396 : vector<16xi32>, vector<16xi1> -> vector<16xi32>
      %reduce_max3A_1401 = arith.xori %reduce_max3A_1400, %reduce_max3A_1398 : vector<16xi32>
      %reduce_max3A_1402 = vector.extract %reduce_max3A_1401[15] : i32 from vector<16xi32>
      %and3A_1403 = arith.constant 127 : i32
      %and3A_1404 = arith.andi %reduce_max3A_1402, %and3A_1403 : i32
      %broadcast_in_dim3A_1405 = vector.broadcast %and3A_1404 : i32 to vector<16xi32>
      %add3A_1406 = arith.constant 0 : i32
      %add3A_1407 = vector.broadcast %add3A_1406 : i32 to vector<16xi32>
      %add3A_1408 = arith.addi %iota3A, %add3A_1407 : vector<16xi32>
      %gather3A_1409 = arith.constant 3 : i32
      %gather3A_1410 = arith.constant 0 : i32
      %gather3A_1411 = arith.constant 0 : i32
      %gather3A_1412 = tpu.memref_slice %arg6[%gather3A_1409, %gather3A_1410, %gather3A_1411] : memref<8x32x128xf32, #tpu.memory_space<vmem>> -> memref<1x32x128xf32, #tpu.memory_space<vmem>>
      %gather3A_1413 = tpu.memref_squeeze %gather3A_1412 : memref<1x32x128xf32, #tpu.memory_space<vmem>> -> memref<32x128xf32, #tpu.memory_space<vmem>>
      %gather3A_1414 = tpu.vector_load_idx %gather3A_1413[%add3A_1408, %broadcast_in_dim3A_1405] : memref<32x128xf32, #tpu.memory_space<vmem>>[vector<16xi32>, vector<16xi32>], vector<16xf32>,
      %swap3A_1415 = arith.index_cast %add3A_1328 : i32 to index
      %swap3A_1416 = arith.constant 0 : index
      %swap3A_1417 = tpu.vector_load %arg7[%swap3A_1415, %swap3A_1416] {strides = array<i32>} : memref<512x128xf32, #tpu.memory_space<vmem>>, vector<16xf32>,
      tpu.vector_store %arg7[%swap3A_1415, %swap3A_1416], %gather3A_1414 {strides = array<i32>} : memref<512x128xf32, #tpu.memory_space<vmem>>, vector<16xf32>,
      %add3A_1418 = arith.constant 16 : i32
      %add3A_1419 = vector.broadcast %add3A_1418 : i32 to vector<16xi32>
      %add3A_1420 = arith.addi %iota3A, %add3A_1419 : vector<16xi32>
      %gather3A_1421 = arith.constant 3 : i32
      %gather3A_1422 = arith.constant 0 : i32
      %gather3A_1423 = arith.constant 0 : i32
      %gather3A_1424 = tpu.memref_slice %arg6[%gather3A_1421, %gather3A_1422, %gather3A_1423] : memref<8x32x128xf32, #tpu.memory_space<vmem>> -> memref<1x32x128xf32, #tpu.memory_space<vmem>>
      %gather3A_1425 = tpu.memref_squeeze %gather3A_1424 : memref<1x32x128xf32, #tpu.memory_space<vmem>> -> memref<32x128xf32, #tpu.memory_space<vmem>>
      %gather3A_1426 = tpu.vector_load_idx %gather3A_1425[%add3A_1420, %broadcast_in_dim3A_1405] : memref<32x128xf32, #tpu.memory_space<vmem>>[vector<16xi32>, vector<16xi32>], vector<16xf32>,
      %swap3A_1427 = arith.index_cast %add3A_1328 : i32 to index
      %swap3A_1428 = arith.constant 16 : index
      %swap3A_1429 = tpu.vector_load %arg7[%swap3A_1427, %swap3A_1428] {strides = array<i32>} : memref<512x128xf32, #tpu.memory_space<vmem>>, vector<16xf32>,
      tpu.vector_store %arg7[%swap3A_1427, %swap3A_1428], %gather3A_1426 {strides = array<i32>} : memref<512x128xf32, #tpu.memory_space<vmem>>, vector<16xf32>,
      %add3A_1430 = arith.constant 8 : i32
      %add3A_1431 = arith.addi %add3A_1328, %add3A_1430 : i32
      %jit3A_1432 = arith.constant 16 : i32
      %div3A_1433 = arith.divsi %add3A_1431, %jit3A_1432 : i32
      %sign3A_1434 = arith.constant 0 : i32
      %sign3A_1435 = arith.cmpi sgt, %add3A_1431, %sign3A_1434 : i32
      %sign3A_1436 = arith.extui %sign3A_1435 : i1 to i32
      %sign3A_1437 = arith.constant 0 : i32
      %sign3A_1438 = arith.cmpi slt, %add3A_1431, %sign3A_1437 : i32
      %sign3A_1439 = arith.extui %sign3A_1438 : i1 to i32
      %sign3A_1440 = arith.subi %sign3A_1436, %sign3A_1439 : i32
      %sign3A_1441 = arith.constant 0 : i32
      %sign3A_1442 = arith.cmpi sgt, %jit3A_1432, %sign3A_1441 : i32
      %sign3A_1443 = arith.extui %sign3A_1442 : i1 to i32
      %sign3A_1444 = arith.constant 0 : i32
      %sign3A_1445 = arith.cmpi slt, %jit3A_1432, %sign3A_1444 : i32
      %sign3A_1446 = arith.extui %sign3A_1445 : i1 to i32
      %sign3A_1447 = arith.subi %sign3A_1443, %sign3A_1446 : i32
      %ne3A_1448 = arith.cmpi ne, %sign3A_1440, %sign3A_1447 : i32
      %rem3A_1449 = arith.remsi %add3A_1431, %jit3A_1432 : i32
      %ne3A_1450 = arith.constant 0 : i32
      %ne3A_1451 = arith.cmpi ne, %rem3A_1449, %ne3A_1450 : i32
      %and3A_1452 = arith.andi %ne3A_1448, %ne3A_1451 : i1
      %sub3A_1453 = arith.constant 1 : i32
      %sub3A_1454 = arith.subi %div3A_1433, %sub3A_1453 : i32
      %select_n3A_1455 = arith.select %and3A_1452, %sub3A_1454, %div3A_1433 : i32
      %mul3A_1456 = arith.constant 16 : i32
      %mul3A_1457 = arith.muli %select_n3A_1455, %mul3A_1456 : i32
      %get3A_1458 = arith.constant 0 : i32
      %get3A_1459 = arith.index_cast %get3A_1458 : i32 to index
      %get3A_1460 = arith.index_cast %mul3A_1457 : i32 to index
      %get3A_1461 = tpu.vector_load %arg5[%get3A_1459, %get3A_1460] {strides = array<i32>} : memref<1x512xi32, #tpu.memory_space<vmem>>, vector<16xi32>,
      %jit3A_1462 = arith.constant 16 : i32
      %eq3A_1463 = arith.constant 0 : i32
      %eq3A_1464 = arith.cmpi eq, %jit3A_1462, %eq3A_1463 : i32
      %jit3A_1465 = arith.constant 1 : i32
      %select_n3A_1466 = arith.select %eq3A_1464, %jit3A_1465, %jit3A_1462 : i32
      %rem3A_1467 = arith.remsi %add3A_1431, %select_n3A_1466 : i32
      %ne3A_1468 = arith.constant 0 : i32
      %ne3A_1469 = arith.cmpi ne, %rem3A_1467, %ne3A_1468 : i32
      %lt3A_1470 = arith.constant 0 : i32
      %lt3A_1471 = arith.cmpi slt, %rem3A_1467, %lt3A_1470 : i32
      %lt3A_1472 = arith.constant 0 : i32
      %lt3A_1473 = arith.cmpi slt, %select_n3A_1466, %lt3A_1472 : i32
      %ne3A_1474 = arith.xori %lt3A_1471, %lt3A_1473 : i1
      %and3A_1475 = arith.andi %ne3A_1474, %ne3A_1469 : i1
      %add3A_1476 = arith.addi %rem3A_1467, %select_n3A_1466 : i32
      %select_n3A_1477 = arith.select %and3A_1475, %add3A_1476, %rem3A_1467 : i32
      %eq3A_1478 = vector.broadcast %select_n3A_1477 : i32 to vector<16xi32>
      %eq3A_1479 = arith.cmpi eq, %iota3A, %eq3A_1478 : vector<16xi32>
      %jit3A_1480 = arith.constant 0 : i32
      %broadcast_in_dim3A_1481 = vector.broadcast %jit3A_1480 : i32 to vector<16xi32>
      %select_n3A_1482 = arith.select %eq3A_1479, %get3A_1461, %broadcast_in_dim3A_1481 : vector<16xi1>, vector<16xi32>
      %reduce_max3A_1483 = arith.constant true
      %reduce_max3A_1484 = vector.broadcast %reduce_max3A_1483 : i1 to vector<16xi1>
      %reduce_max3A_1485 = arith.constant -2147483648 : i32
      %reduce_max3A_1486 = vector.broadcast %reduce_max3A_1485 : i32 to vector<16xi32>
      %reduce_max3A_1487 = arith.xori %select_n3A_1482, %reduce_max3A_1486 : vector<16xi32>
      %reduce_max3A_1488 = tpu.scan <max>, %reduce_max3A_1487 masked %reduce_max3A_1484 : vector<16xi32>, vector<16xi1> -> vector<16xi32>
      %reduce_max3A_1489 = arith.xori %reduce_max3A_1488, %reduce_max3A_1486 : vector<16xi32>
      %reduce_max3A_1490 = vector.extract %reduce_max3A_1489[15] : i32 from vector<16xi32>
      %shift_right_logical3A_1491 = arith.constant 7 : i32
      %shift_right_logical3A_1492 = arith.shrui %reduce_max3A_1490, %shift_right_logical3A_1491 : i32
      %shift_left3A_1493 = arith.constant 7 : i32
      %shift_left3A_1494 = arith.shli %shift_right_logical3A_1492, %shift_left3A_1493 : i32
      %multiple_of3A_1495 = tpu.assume_multiple %shift_left3A_1494, 128 : i32
      %dma_start3A_1496 = arith.constant 3 : i32
      %dma_start3A_1497 = arith.constant 0 : i32
      %dma_start3A_1498 = arith.constant 0 : i32
      %dma_start3A_1499 = tpu.memref_slice %arg6[%dma_start3A_1496, %dma_start3A_1497, %dma_start3A_1498] : memref<8x32x128xf32, #tpu.memory_space<vmem>> -> memref<1x32x128xf32, #tpu.memory_space<vmem>>
      %dma_start3A_1500 = tpu.memref_squeeze %dma_start3A_1499 : memref<1x32x128xf32, #tpu.memory_space<vmem>> -> memref<32x128xf32, #tpu.memory_space<vmem>>
      %dma_start3A_1501 = arith.constant 0 : i32
      %dma_start3A_1502 = tpu.memref_slice %arg3[%dma_start3A_1501, %multiple_of3A_1495] : memref<32x1000000xf32, #tpu.memory_space<hbm>> -> memref<32x128xf32, #tpu.memory_space<hbm>>
      %dma_start3A_1503 = arith.constant 0 : i32
      %dma_start3A_1504 = arith.constant 0 : i32
      %dma_start3A_1505 = tpu.memref_slice %arg6[%dma_start3A_1496, %dma_start3A_1503, %dma_start3A_1504] : memref<8x32x128xf32, #tpu.memory_space<vmem>> -> memref<1x32x128xf32, #tpu.memory_space<vmem>>
      %dma_start3A_1506 = tpu.memref_squeeze %dma_start3A_1505 : memref<1x32x128xf32, #tpu.memory_space<vmem>> -> memref<32x128xf32, #tpu.memory_space<vmem>>
      %dma_start3A_1507 = arith.constant 0 : i32
      %dma_start3A_1508 = tpu.memref_slice %arg3[%dma_start3A_1507, %multiple_of3A_1495] : memref<32x1000000xf32, #tpu.memory_space<hbm>> -> memref<32x128xf32, #tpu.memory_space<hbm>>
      tpu.enqueue_dma source(%dma_start3A_1508 : memref<32x128xf32, #tpu.memory_space<hbm>>) target(%dma_start3A_1506 : memref<32x128xf32, #tpu.memory_space<vmem>>) target_semaphore(%arg11 : memref<!tpu.dma_semaphore, #tpu.memory_space<semaphore_mem>>)
      %mul3A_1509 = arith.constant 8 : i32
      %mul3A_1510 = arith.muli %scan3A_778, %mul3A_1509 : i32
      %add3A_1511 = arith.constant 4 : i32
      %add3A_1512 = arith.addi %mul3A_1510, %add3A_1511 : i32
      %dma_wait3A_1513 = arith.constant 4 : i32
      %dma_wait3A_1514 = arith.constant 0 : i32
      %dma_wait3A_1515 = arith.constant 0 : i32
      %dma_wait3A_1516 = tpu.memref_slice %arg6[%dma_wait3A_1513, %dma_wait3A_1514, %dma_wait3A_1515] : memref<8x32x128xf32, #tpu.memory_space<vmem>> -> memref<1x32x128xf32, #tpu.memory_space<vmem>>
      %dma_wait3A_1517 = tpu.memref_squeeze %dma_wait3A_1516 : memref<1x32x128xf32, #tpu.memory_space<vmem>> -> memref<32x128xf32, #tpu.memory_space<vmem>>
      %dma_wait3A_1518 = arith.constant 0 : i32
      %dma_wait3A_1519 = arith.constant 0 : i32
      %dma_wait3A_1520 = tpu.memref_slice %arg3[%dma_wait3A_1518, %dma_wait3A_1519] : memref<32x1000000xf32, #tpu.memory_space<hbm>> -> memref<32x128xf32, #tpu.memory_space<hbm>>
      %dma_wait3A_1521 = arith.constant 0 : i32
      %dma_wait3A_1522 = arith.constant 0 : i32
      %dma_wait3A_1523 = tpu.memref_slice %arg6[%dma_wait3A_1513, %dma_wait3A_1521, %dma_wait3A_1522] : memref<8x32x128xf32, #tpu.memory_space<vmem>> -> memref<1x32x128xf32, #tpu.memory_space<vmem>>
      %dma_wait3A_1524 = tpu.memref_squeeze %dma_wait3A_1523 : memref<1x32x128xf32, #tpu.memory_space<vmem>> -> memref<32x128xf32, #tpu.memory_space<vmem>>
      %dma_wait3A_1525 = arith.constant 0 : i32
      %dma_wait3A_1526 = arith.constant 0 : i32
      %dma_wait3A_1527 = tpu.memref_slice %arg3[%dma_wait3A_1525, %dma_wait3A_1526] : memref<32x1000000xf32, #tpu.memory_space<hbm>> -> memref<32x128xf32, #tpu.memory_space<hbm>>
      tpu.wait_dma2 semaphore(%arg12 : memref<!tpu.dma_semaphore, #tpu.memory_space<semaphore_mem>>) src(%dma_wait3A_1527 : memref<32x128xf32, #tpu.memory_space<hbm>>) dst(%dma_wait3A_1524 : memref<32x128xf32, #tpu.memory_space<vmem>>)
      %jit3A_1528 = arith.constant 16 : i32
      %div3A_1529 = arith.divsi %add3A_1512, %jit3A_1528 : i32
      %sign3A_1530 = arith.constant 0 : i32
      %sign3A_1531 = arith.cmpi sgt, %add3A_1512, %sign3A_1530 : i32
      %sign3A_1532 = arith.extui %sign3A_1531 : i1 to i32
      %sign3A_1533 = arith.constant 0 : i32
      %sign3A_1534 = arith.cmpi slt, %add3A_1512, %sign3A_1533 : i32
      %sign3A_1535 = arith.extui %sign3A_1534 : i1 to i32
      %sign3A_1536 = arith.subi %sign3A_1532, %sign3A_1535 : i32
      %sign3A_1537 = arith.constant 0 : i32
      %sign3A_1538 = arith.cmpi sgt, %jit3A_1528, %sign3A_1537 : i32
      %sign3A_1539 = arith.extui %sign3A_1538 : i1 to i32
      %sign3A_1540 = arith.constant 0 : i32
      %sign3A_1541 = arith.cmpi slt, %jit3A_1528, %sign3A_1540 : i32
      %sign3A_1542 = arith.extui %sign3A_1541 : i1 to i32
      %sign3A_1543 = arith.subi %sign3A_1539, %sign3A_1542 : i32
      %ne3A_1544 = arith.cmpi ne, %sign3A_1536, %sign3A_1543 : i32
      %rem3A_1545 = arith.remsi %add3A_1512, %jit3A_1528 : i32
      %ne3A_1546 = arith.constant 0 : i32
      %ne3A_1547 = arith.cmpi ne, %rem3A_1545, %ne3A_1546 : i32
      %and3A_1548 = arith.andi %ne3A_1544, %ne3A_1547 : i1
      %sub3A_1549 = arith.constant 1 : i32
      %sub3A_1550 = arith.subi %div3A_1529, %sub3A_1549 : i32
      %select_n3A_1551 = arith.select %and3A_1548, %sub3A_1550, %div3A_1529 : i32
      %mul3A_1552 = arith.constant 16 : i32
      %mul3A_1553 = arith.muli %select_n3A_1551, %mul3A_1552 : i32
      %get3A_1554 = arith.constant 0 : i32
      %get3A_1555 = arith.index_cast %get3A_1554 : i32 to index
      %get3A_1556 = arith.index_cast %mul3A_1553 : i32 to index
      %get3A_1557 = tpu.vector_load %arg5[%get3A_1555, %get3A_1556] {strides = array<i32>} : memref<1x512xi32, #tpu.memory_space<vmem>>, vector<16xi32>,
      %jit3A_1558 = arith.constant 16 : i32
      %eq3A_1559 = arith.constant 0 : i32
      %eq3A_1560 = arith.cmpi eq, %jit3A_1558, %eq3A_1559 : i32
      %jit3A_1561 = arith.constant 1 : i32
      %select_n3A_1562 = arith.select %eq3A_1560, %jit3A_1561, %jit3A_1558 : i32
      %rem3A_1563 = arith.remsi %add3A_1512, %select_n3A_1562 : i32
      %ne3A_1564 = arith.constant 0 : i32
      %ne3A_1565 = arith.cmpi ne, %rem3A_1563, %ne3A_1564 : i32
      %lt3A_1566 = arith.constant 0 : i32
      %lt3A_1567 = arith.cmpi slt, %rem3A_1563, %lt3A_1566 : i32
      %lt3A_1568 = arith.constant 0 : i32
      %lt3A_1569 = arith.cmpi slt, %select_n3A_1562, %lt3A_1568 : i32
      %ne3A_1570 = arith.xori %lt3A_1567, %lt3A_1569 : i1
      %and3A_1571 = arith.andi %ne3A_1570, %ne3A_1565 : i1
      %add3A_1572 = arith.addi %rem3A_1563, %select_n3A_1562 : i32
      %select_n3A_1573 = arith.select %and3A_1571, %add3A_1572, %rem3A_1563 : i32
      %eq3A_1574 = vector.broadcast %select_n3A_1573 : i32 to vector<16xi32>
      %eq3A_1575 = arith.cmpi eq, %iota3A, %eq3A_1574 : vector<16xi32>
      %jit3A_1576 = arith.constant 0 : i32
      %broadcast_in_dim3A_1577 = vector.broadcast %jit3A_1576 : i32 to vector<16xi32>
      %select_n3A_1578 = arith.select %eq3A_1575, %get3A_1557, %broadcast_in_dim3A_1577 : vector<16xi1>, vector<16xi32>
      %reduce_max3A_1579 = arith.constant true
      %reduce_max3A_1580 = vector.broadcast %reduce_max3A_1579 : i1 to vector<16xi1>
      %reduce_max3A_1581 = arith.constant -2147483648 : i32
      %reduce_max3A_1582 = vector.broadcast %reduce_max3A_1581 : i32 to vector<16xi32>
      %reduce_max3A_1583 = arith.xori %select_n3A_1578, %reduce_max3A_1582 : vector<16xi32>
      %reduce_max3A_1584 = tpu.scan <max>, %reduce_max3A_1583 masked %reduce_max3A_1580 : vector<16xi32>, vector<16xi1> -> vector<16xi32>
      %reduce_max3A_1585 = arith.xori %reduce_max3A_1584, %reduce_max3A_1582 : vector<16xi32>
      %reduce_max3A_1586 = vector.extract %reduce_max3A_1585[15] : i32 from vector<16xi32>
      %and3A_1587 = arith.constant 127 : i32
      %and3A_1588 = arith.andi %reduce_max3A_1586, %and3A_1587 : i32
      %broadcast_in_dim3A_1589 = vector.broadcast %and3A_1588 : i32 to vector<16xi32>
      %add3A_1590 = arith.constant 0 : i32
      %add3A_1591 = vector.broadcast %add3A_1590 : i32 to vector<16xi32>
      %add3A_1592 = arith.addi %iota3A, %add3A_1591 : vector<16xi32>
      %gather3A_1593 = arith.constant 4 : i32
      %gather3A_1594 = arith.constant 0 : i32
      %gather3A_1595 = arith.constant 0 : i32
      %gather3A_1596 = tpu.memref_slice %arg6[%gather3A_1593, %gather3A_1594, %gather3A_1595] : memref<8x32x128xf32, #tpu.memory_space<vmem>> -> memref<1x32x128xf32, #tpu.memory_space<vmem>>
      %gather3A_1597 = tpu.memref_squeeze %gather3A_1596 : memref<1x32x128xf32, #tpu.memory_space<vmem>> -> memref<32x128xf32, #tpu.memory_space<vmem>>
      %gather3A_1598 = tpu.vector_load_idx %gather3A_1597[%add3A_1592, %broadcast_in_dim3A_1589] : memref<32x128xf32, #tpu.memory_space<vmem>>[vector<16xi32>, vector<16xi32>], vector<16xf32>,
      %swap3A_1599 = arith.index_cast %add3A_1512 : i32 to index
      %swap3A_1600 = arith.constant 0 : index
      %swap3A_1601 = tpu.vector_load %arg7[%swap3A_1599, %swap3A_1600] {strides = array<i32>} : memref<512x128xf32, #tpu.memory_space<vmem>>, vector<16xf32>,
      tpu.vector_store %arg7[%swap3A_1599, %swap3A_1600], %gather3A_1598 {strides = array<i32>} : memref<512x128xf32, #tpu.memory_space<vmem>>, vector<16xf32>,
      %add3A_1602 = arith.constant 16 : i32
      %add3A_1603 = vector.broadcast %add3A_1602 : i32 to vector<16xi32>
      %add3A_1604 = arith.addi %iota3A, %add3A_1603 : vector<16xi32>
      %gather3A_1605 = arith.constant 4 : i32
      %gather3A_1606 = arith.constant 0 : i32
      %gather3A_1607 = arith.constant 0 : i32
      %gather3A_1608 = tpu.memref_slice %arg6[%gather3A_1605, %gather3A_1606, %gather3A_1607] : memref<8x32x128xf32, #tpu.memory_space<vmem>> -> memref<1x32x128xf32, #tpu.memory_space<vmem>>
      %gather3A_1609 = tpu.memref_squeeze %gather3A_1608 : memref<1x32x128xf32, #tpu.memory_space<vmem>> -> memref<32x128xf32, #tpu.memory_space<vmem>>
      %gather3A_1610 = tpu.vector_load_idx %gather3A_1609[%add3A_1604, %broadcast_in_dim3A_1589] : memref<32x128xf32, #tpu.memory_space<vmem>>[vector<16xi32>, vector<16xi32>], vector<16xf32>,
      %swap3A_1611 = arith.index_cast %add3A_1512 : i32 to index
      %swap3A_1612 = arith.constant 16 : index
      %swap3A_1613 = tpu.vector_load %arg7[%swap3A_1611, %swap3A_1612] {strides = array<i32>} : memref<512x128xf32, #tpu.memory_space<vmem>>, vector<16xf32>,
      tpu.vector_store %arg7[%swap3A_1611, %swap3A_1612], %gather3A_1610 {strides = array<i32>} : memref<512x128xf32, #tpu.memory_space<vmem>>, vector<16xf32>,
      %add3A_1614 = arith.constant 8 : i32
      %add3A_1615 = arith.addi %add3A_1512, %add3A_1614 : i32
      %jit3A_1616 = arith.constant 16 : i32
      %div3A_1617 = arith.divsi %add3A_1615, %jit3A_1616 : i32
      %sign3A_1618 = arith.constant 0 : i32
      %sign3A_1619 = arith.cmpi sgt, %add3A_1615, %sign3A_1618 : i32
      %sign3A_1620 = arith.extui %sign3A_1619 : i1 to i32
      %sign3A_1621 = arith.constant 0 : i32
      %sign3A_1622 = arith.cmpi slt, %add3A_1615, %sign3A_1621 : i32
      %sign3A_1623 = arith.extui %sign3A_1622 : i1 to i32
      %sign3A_1624 = arith.subi %sign3A_1620, %sign3A_1623 : i32
      %sign3A_1625 = arith.constant 0 : i32
      %sign3A_1626 = arith.cmpi sgt, %jit3A_1616, %sign3A_1625 : i32
      %sign3A_1627 = arith.extui %sign3A_1626 : i1 to i32
      %sign3A_1628 = arith.constant 0 : i32
      %sign3A_1629 = arith.cmpi slt, %jit3A_1616, %sign3A_1628 : i32
      %sign3A_1630 = arith.extui %sign3A_1629 : i1 to i32
      %sign3A_1631 = arith.subi %sign3A_1627, %sign3A_1630 : i32
      %ne3A_1632 = arith.cmpi ne, %sign3A_1624, %sign3A_1631 : i32
      %rem3A_1633 = arith.remsi %add3A_1615, %jit3A_1616 : i32
      %ne3A_1634 = arith.constant 0 : i32
      %ne3A_1635 = arith.cmpi ne, %rem3A_1633, %ne3A_1634 : i32
      %and3A_1636 = arith.andi %ne3A_1632, %ne3A_1635 : i1
      %sub3A_1637 = arith.constant 1 : i32
      %sub3A_1638 = arith.subi %div3A_1617, %sub3A_1637 : i32
      %select_n3A_1639 = arith.select %and3A_1636, %sub3A_1638, %div3A_1617 : i32
      %mul3A_1640 = arith.constant 16 : i32
      %mul3A_1641 = arith.muli %select_n3A_1639, %mul3A_1640 : i32
      %get3A_1642 = arith.constant 0 : i32
      %get3A_1643 = arith.index_cast %get3A_1642 : i32 to index
      %get3A_1644 = arith.index_cast %mul3A_1641 : i32 to index
      %get3A_1645 = tpu.vector_load %arg5[%get3A_1643, %get3A_1644] {strides = array<i32>} : memref<1x512xi32, #tpu.memory_space<vmem>>, vector<16xi32>,
      %jit3A_1646 = arith.constant 16 : i32
      %eq3A_1647 = arith.constant 0 : i32
      %eq3A_1648 = arith.cmpi eq, %jit3A_1646, %eq3A_1647 : i32
      %jit3A_1649 = arith.constant 1 : i32
      %select_n3A_1650 = arith.select %eq3A_1648, %jit3A_1649, %jit3A_1646 : i32
      %rem3A_1651 = arith.remsi %add3A_1615, %select_n3A_1650 : i32
      %ne3A_1652 = arith.constant 0 : i32
      %ne3A_1653 = arith.cmpi ne, %rem3A_1651, %ne3A_1652 : i32
      %lt3A_1654 = arith.constant 0 : i32
      %lt3A_1655 = arith.cmpi slt, %rem3A_1651, %lt3A_1654 : i32
      %lt3A_1656 = arith.constant 0 : i32
      %lt3A_1657 = arith.cmpi slt, %select_n3A_1650, %lt3A_1656 : i32
      %ne3A_1658 = arith.xori %lt3A_1655, %lt3A_1657 : i1
      %and3A_1659 = arith.andi %ne3A_1658, %ne3A_1653 : i1
      %add3A_1660 = arith.addi %rem3A_1651, %select_n3A_1650 : i32
      %select_n3A_1661 = arith.select %and3A_1659, %add3A_1660, %rem3A_1651 : i32
      %eq3A_1662 = vector.broadcast %select_n3A_1661 : i32 to vector<16xi32>
      %eq3A_1663 = arith.cmpi eq, %iota3A, %eq3A_1662 : vector<16xi32>
      %jit3A_1664 = arith.constant 0 : i32
      %broadcast_in_dim3A_1665 = vector.broadcast %jit3A_1664 : i32 to vector<16xi32>
      %select_n3A_1666 = arith.select %eq3A_1663, %get3A_1645, %broadcast_in_dim3A_1665 : vector<16xi1>, vector<16xi32>
      %reduce_max3A_1667 = arith.constant true
      %reduce_max3A_1668 = vector.broadcast %reduce_max3A_1667 : i1 to vector<16xi1>
      %reduce_max3A_1669 = arith.constant -2147483648 : i32
      %reduce_max3A_1670 = vector.broadcast %reduce_max3A_1669 : i32 to vector<16xi32>
      %reduce_max3A_1671 = arith.xori %select_n3A_1666, %reduce_max3A_1670 : vector<16xi32>
      %reduce_max3A_1672 = tpu.scan <max>, %reduce_max3A_1671 masked %reduce_max3A_1668 : vector<16xi32>, vector<16xi1> -> vector<16xi32>
      %reduce_max3A_1673 = arith.xori %reduce_max3A_1672, %reduce_max3A_1670 : vector<16xi32>
      %reduce_max3A_1674 = vector.extract %reduce_max3A_1673[15] : i32 from vector<16xi32>
      %shift_right_logical3A_1675 = arith.constant 7 : i32
      %shift_right_logical3A_1676 = arith.shrui %reduce_max3A_1674, %shift_right_logical3A_1675 : i32
      %shift_left3A_1677 = arith.constant 7 : i32
      %shift_left3A_1678 = arith.shli %shift_right_logical3A_1676, %shift_left3A_1677 : i32
      %multiple_of3A_1679 = tpu.assume_multiple %shift_left3A_1678, 128 : i32
      %dma_start3A_1680 = arith.constant 4 : i32
      %dma_start3A_1681 = arith.constant 0 : i32
      %dma_start3A_1682 = arith.constant 0 : i32
      %dma_start3A_1683 = tpu.memref_slice %arg6[%dma_start3A_1680, %dma_start3A_1681, %dma_start3A_1682] : memref<8x32x128xf32, #tpu.memory_space<vmem>> -> memref<1x32x128xf32, #tpu.memory_space<vmem>>
      %dma_start3A_1684 = tpu.memref_squeeze %dma_start3A_1683 : memref<1x32x128xf32, #tpu.memory_space<vmem>> -> memref<32x128xf32, #tpu.memory_space<vmem>>
      %dma_start3A_1685 = arith.constant 0 : i32
      %dma_start3A_1686 = tpu.memref_slice %arg3[%dma_start3A_1685, %multiple_of3A_1679] : memref<32x1000000xf32, #tpu.memory_space<hbm>> -> memref<32x128xf32, #tpu.memory_space<hbm>>
      %dma_start3A_1687 = arith.constant 0 : i32
      %dma_start3A_1688 = arith.constant 0 : i32
      %dma_start3A_1689 = tpu.memref_slice %arg6[%dma_start3A_1680, %dma_start3A_1687, %dma_start3A_1688] : memref<8x32x128xf32, #tpu.memory_space<vmem>> -> memref<1x32x128xf32, #tpu.memory_space<vmem>>
      %dma_start3A_1690 = tpu.memref_squeeze %dma_start3A_1689 : memref<1x32x128xf32, #tpu.memory_space<vmem>> -> memref<32x128xf32, #tpu.memory_space<vmem>>
      %dma_start3A_1691 = arith.constant 0 : i32
      %dma_start3A_1692 = tpu.memref_slice %arg3[%dma_start3A_1691, %multiple_of3A_1679] : memref<32x1000000xf32, #tpu.memory_space<hbm>> -> memref<32x128xf32, #tpu.memory_space<hbm>>
      tpu.enqueue_dma source(%dma_start3A_1692 : memref<32x128xf32, #tpu.memory_space<hbm>>) target(%dma_start3A_1690 : memref<32x128xf32, #tpu.memory_space<vmem>>) target_semaphore(%arg12 : memref<!tpu.dma_semaphore, #tpu.memory_space<semaphore_mem>>)
      %mul3A_1693 = arith.constant 8 : i32
      %mul3A_1694 = arith.muli %scan3A_778, %mul3A_1693 : i32
      %add3A_1695 = arith.constant 5 : i32
      %add3A_1696 = arith.addi %mul3A_1694, %add3A_1695 : i32
      %dma_wait3A_1697 = arith.constant 5 : i32
      %dma_wait3A_1698 = arith.constant 0 : i32
      %dma_wait3A_1699 = arith.constant 0 : i32
      %dma_wait3A_1700 = tpu.memref_slice %arg6[%dma_wait3A_1697, %dma_wait3A_1698, %dma_wait3A_1699] : memref<8x32x128xf32, #tpu.memory_space<vmem>> -> memref<1x32x128xf32, #tpu.memory_space<vmem>>
      %dma_wait3A_1701 = tpu.memref_squeeze %dma_wait3A_1700 : memref<1x32x128xf32, #tpu.memory_space<vmem>> -> memref<32x128xf32, #tpu.memory_space<vmem>>
      %dma_wait3A_1702 = arith.constant 0 : i32
      %dma_wait3A_1703 = arith.constant 0 : i32
      %dma_wait3A_1704 = tpu.memref_slice %arg3[%dma_wait3A_1702, %dma_wait3A_1703] : memref<32x1000000xf32, #tpu.memory_space<hbm>> -> memref<32x128xf32, #tpu.memory_space<hbm>>
      %dma_wait3A_1705 = arith.constant 0 : i32
      %dma_wait3A_1706 = arith.constant 0 : i32
      %dma_wait3A_1707 = tpu.memref_slice %arg6[%dma_wait3A_1697, %dma_wait3A_1705, %dma_wait3A_1706] : memref<8x32x128xf32, #tpu.memory_space<vmem>> -> memref<1x32x128xf32, #tpu.memory_space<vmem>>
      %dma_wait3A_1708 = tpu.memref_squeeze %dma_wait3A_1707 : memref<1x32x128xf32, #tpu.memory_space<vmem>> -> memref<32x128xf32, #tpu.memory_space<vmem>>
      %dma_wait3A_1709 = arith.constant 0 : i32
      %dma_wait3A_1710 = arith.constant 0 : i32
      %dma_wait3A_1711 = tpu.memref_slice %arg3[%dma_wait3A_1709, %dma_wait3A_1710] : memref<32x1000000xf32, #tpu.memory_space<hbm>> -> memref<32x128xf32, #tpu.memory_space<hbm>>
      tpu.wait_dma2 semaphore(%arg13 : memref<!tpu.dma_semaphore, #tpu.memory_space<semaphore_mem>>) src(%dma_wait3A_1711 : memref<32x128xf32, #tpu.memory_space<hbm>>) dst(%dma_wait3A_1708 : memref<32x128xf32, #tpu.memory_space<vmem>>)
      %jit3A_1712 = arith.constant 16 : i32
      %div3A_1713 = arith.divsi %add3A_1696, %jit3A_1712 : i32
      %sign3A_1714 = arith.constant 0 : i32
      %sign3A_1715 = arith.cmpi sgt, %add3A_1696, %sign3A_1714 : i32
      %sign3A_1716 = arith.extui %sign3A_1715 : i1 to i32
      %sign3A_1717 = arith.constant 0 : i32
      %sign3A_1718 = arith.cmpi slt, %add3A_1696, %sign3A_1717 : i32
      %sign3A_1719 = arith.extui %sign3A_1718 : i1 to i32
      %sign3A_1720 = arith.subi %sign3A_1716, %sign3A_1719 : i32
      %sign3A_1721 = arith.constant 0 : i32
      %sign3A_1722 = arith.cmpi sgt, %jit3A_1712, %sign3A_1721 : i32
      %sign3A_1723 = arith.extui %sign3A_1722 : i1 to i32
      %sign3A_1724 = arith.constant 0 : i32
      %sign3A_1725 = arith.cmpi slt, %jit3A_1712, %sign3A_1724 : i32
      %sign3A_1726 = arith.extui %sign3A_1725 : i1 to i32
      %sign3A_1727 = arith.subi %sign3A_1723, %sign3A_1726 : i32
      %ne3A_1728 = arith.cmpi ne, %sign3A_1720, %sign3A_1727 : i32
      %rem3A_1729 = arith.remsi %add3A_1696, %jit3A_1712 : i32
      %ne3A_1730 = arith.constant 0 : i32
      %ne3A_1731 = arith.cmpi ne, %rem3A_1729, %ne3A_1730 : i32
      %and3A_1732 = arith.andi %ne3A_1728, %ne3A_1731 : i1
      %sub3A_1733 = arith.constant 1 : i32
      %sub3A_1734 = arith.subi %div3A_1713, %sub3A_1733 : i32
      %select_n3A_1735 = arith.select %and3A_1732, %sub3A_1734, %div3A_1713 : i32
      %mul3A_1736 = arith.constant 16 : i32
      %mul3A_1737 = arith.muli %select_n3A_1735, %mul3A_1736 : i32
      %get3A_1738 = arith.constant 0 : i32
      %get3A_1739 = arith.index_cast %get3A_1738 : i32 to index
      %get3A_1740 = arith.index_cast %mul3A_1737 : i32 to index
      %get3A_1741 = tpu.vector_load %arg5[%get3A_1739, %get3A_1740] {strides = array<i32>} : memref<1x512xi32, #tpu.memory_space<vmem>>, vector<16xi32>,
      %jit3A_1742 = arith.constant 16 : i32
      %eq3A_1743 = arith.constant 0 : i32
      %eq3A_1744 = arith.cmpi eq, %jit3A_1742, %eq3A_1743 : i32
      %jit3A_1745 = arith.constant 1 : i32
      %select_n3A_1746 = arith.select %eq3A_1744, %jit3A_1745, %jit3A_1742 : i32
      %rem3A_1747 = arith.remsi %add3A_1696, %select_n3A_1746 : i32
      %ne3A_1748 = arith.constant 0 : i32
      %ne3A_1749 = arith.cmpi ne, %rem3A_1747, %ne3A_1748 : i32
      %lt3A_1750 = arith.constant 0 : i32
      %lt3A_1751 = arith.cmpi slt, %rem3A_1747, %lt3A_1750 : i32
      %lt3A_1752 = arith.constant 0 : i32
      %lt3A_1753 = arith.cmpi slt, %select_n3A_1746, %lt3A_1752 : i32
      %ne3A_1754 = arith.xori %lt3A_1751, %lt3A_1753 : i1
      %and3A_1755 = arith.andi %ne3A_1754, %ne3A_1749 : i1
      %add3A_1756 = arith.addi %rem3A_1747, %select_n3A_1746 : i32
      %select_n3A_1757 = arith.select %and3A_1755, %add3A_1756, %rem3A_1747 : i32
      %eq3A_1758 = vector.broadcast %select_n3A_1757 : i32 to vector<16xi32>
      %eq3A_1759 = arith.cmpi eq, %iota3A, %eq3A_1758 : vector<16xi32>
      %jit3A_1760 = arith.constant 0 : i32
      %broadcast_in_dim3A_1761 = vector.broadcast %jit3A_1760 : i32 to vector<16xi32>
      %select_n3A_1762 = arith.select %eq3A_1759, %get3A_1741, %broadcast_in_dim3A_1761 : vector<16xi1>, vector<16xi32>
      %reduce_max3A_1763 = arith.constant true
      %reduce_max3A_1764 = vector.broadcast %reduce_max3A_1763 : i1 to vector<16xi1>
      %reduce_max3A_1765 = arith.constant -2147483648 : i32
      %reduce_max3A_1766 = vector.broadcast %reduce_max3A_1765 : i32 to vector<16xi32>
      %reduce_max3A_1767 = arith.xori %select_n3A_1762, %reduce_max3A_1766 : vector<16xi32>
      %reduce_max3A_1768 = tpu.scan <max>, %reduce_max3A_1767 masked %reduce_max3A_1764 : vector<16xi32>, vector<16xi1> -> vector<16xi32>
      %reduce_max3A_1769 = arith.xori %reduce_max3A_1768, %reduce_max3A_1766 : vector<16xi32>
      %reduce_max3A_1770 = vector.extract %reduce_max3A_1769[15] : i32 from vector<16xi32>
      %and3A_1771 = arith.constant 127 : i32
      %and3A_1772 = arith.andi %reduce_max3A_1770, %and3A_1771 : i32
      %broadcast_in_dim3A_1773 = vector.broadcast %and3A_1772 : i32 to vector<16xi32>
      %add3A_1774 = arith.constant 0 : i32
      %add3A_1775 = vector.broadcast %add3A_1774 : i32 to vector<16xi32>
      %add3A_1776 = arith.addi %iota3A, %add3A_1775 : vector<16xi32>
      %gather3A_1777 = arith.constant 5 : i32
      %gather3A_1778 = arith.constant 0 : i32
      %gather3A_1779 = arith.constant 0 : i32
      %gather3A_1780 = tpu.memref_slice %arg6[%gather3A_1777, %gather3A_1778, %gather3A_1779] : memref<8x32x128xf32, #tpu.memory_space<vmem>> -> memref<1x32x128xf32, #tpu.memory_space<vmem>>
      %gather3A_1781 = tpu.memref_squeeze %gather3A_1780 : memref<1x32x128xf32, #tpu.memory_space<vmem>> -> memref<32x128xf32, #tpu.memory_space<vmem>>
      %gather3A_1782 = tpu.vector_load_idx %gather3A_1781[%add3A_1776, %broadcast_in_dim3A_1773] : memref<32x128xf32, #tpu.memory_space<vmem>>[vector<16xi32>, vector<16xi32>], vector<16xf32>,
      %swap3A_1783 = arith.index_cast %add3A_1696 : i32 to index
      %swap3A_1784 = arith.constant 0 : index
      %swap3A_1785 = tpu.vector_load %arg7[%swap3A_1783, %swap3A_1784] {strides = array<i32>} : memref<512x128xf32, #tpu.memory_space<vmem>>, vector<16xf32>,
      tpu.vector_store %arg7[%swap3A_1783, %swap3A_1784], %gather3A_1782 {strides = array<i32>} : memref<512x128xf32, #tpu.memory_space<vmem>>, vector<16xf32>,
      %add3A_1786 = arith.constant 16 : i32
      %add3A_1787 = vector.broadcast %add3A_1786 : i32 to vector<16xi32>
      %add3A_1788 = arith.addi %iota3A, %add3A_1787 : vector<16xi32>
      %gather3A_1789 = arith.constant 5 : i32
      %gather3A_1790 = arith.constant 0 : i32
      %gather3A_1791 = arith.constant 0 : i32
      %gather3A_1792 = tpu.memref_slice %arg6[%gather3A_1789, %gather3A_1790, %gather3A_1791] : memref<8x32x128xf32, #tpu.memory_space<vmem>> -> memref<1x32x128xf32, #tpu.memory_space<vmem>>
      %gather3A_1793 = tpu.memref_squeeze %gather3A_1792 : memref<1x32x128xf32, #tpu.memory_space<vmem>> -> memref<32x128xf32, #tpu.memory_space<vmem>>
      %gather3A_1794 = tpu.vector_load_idx %gather3A_1793[%add3A_1788, %broadcast_in_dim3A_1773] : memref<32x128xf32, #tpu.memory_space<vmem>>[vector<16xi32>, vector<16xi32>], vector<16xf32>,
      %swap3A_1795 = arith.index_cast %add3A_1696 : i32 to index
      %swap3A_1796 = arith.constant 16 : index
      %swap3A_1797 = tpu.vector_load %arg7[%swap3A_1795, %swap3A_1796] {strides = array<i32>} : memref<512x128xf32, #tpu.memory_space<vmem>>, vector<16xf32>,
      tpu.vector_store %arg7[%swap3A_1795, %swap3A_1796], %gather3A_1794 {strides = array<i32>} : memref<512x128xf32, #tpu.memory_space<vmem>>, vector<16xf32>,
      %add3A_1798 = arith.constant 8 : i32
      %add3A_1799 = arith.addi %add3A_1696, %add3A_1798 : i32
      %jit3A_1800 = arith.constant 16 : i32
      %div3A_1801 = arith.divsi %add3A_1799, %jit3A_1800 : i32
      %sign3A_1802 = arith.constant 0 : i32
      %sign3A_1803 = arith.cmpi sgt, %add3A_1799, %sign3A_1802 : i32
      %sign3A_1804 = arith.extui %sign3A_1803 : i1 to i32
      %sign3A_1805 = arith.constant 0 : i32
      %sign3A_1806 = arith.cmpi slt, %add3A_1799, %sign3A_1805 : i32
      %sign3A_1807 = arith.extui %sign3A_1806 : i1 to i32
      %sign3A_1808 = arith.subi %sign3A_1804, %sign3A_1807 : i32
      %sign3A_1809 = arith.constant 0 : i32
      %sign3A_1810 = arith.cmpi sgt, %jit3A_1800, %sign3A_1809 : i32
      %sign3A_1811 = arith.extui %sign3A_1810 : i1 to i32
      %sign3A_1812 = arith.constant 0 : i32
      %sign3A_1813 = arith.cmpi slt, %jit3A_1800, %sign3A_1812 : i32
      %sign3A_1814 = arith.extui %sign3A_1813 : i1 to i32
      %sign3A_1815 = arith.subi %sign3A_1811, %sign3A_1814 : i32
      %ne3A_1816 = arith.cmpi ne, %sign3A_1808, %sign3A_1815 : i32
      %rem3A_1817 = arith.remsi %add3A_1799, %jit3A_1800 : i32
      %ne3A_1818 = arith.constant 0 : i32
      %ne3A_1819 = arith.cmpi ne, %rem3A_1817, %ne3A_1818 : i32
      %and3A_1820 = arith.andi %ne3A_1816, %ne3A_1819 : i1
      %sub3A_1821 = arith.constant 1 : i32
      %sub3A_1822 = arith.subi %div3A_1801, %sub3A_1821 : i32
      %select_n3A_1823 = arith.select %and3A_1820, %sub3A_1822, %div3A_1801 : i32
      %mul3A_1824 = arith.constant 16 : i32
      %mul3A_1825 = arith.muli %select_n3A_1823, %mul3A_1824 : i32
      %get3A_1826 = arith.constant 0 : i32
      %get3A_1827 = arith.index_cast %get3A_1826 : i32 to index
      %get3A_1828 = arith.index_cast %mul3A_1825 : i32 to index
      %get3A_1829 = tpu.vector_load %arg5[%get3A_1827, %get3A_1828] {strides = array<i32>} : memref<1x512xi32, #tpu.memory_space<vmem>>, vector<16xi32>,
      %jit3A_1830 = arith.constant 16 : i32
      %eq3A_1831 = arith.constant 0 : i32
      %eq3A_1832 = arith.cmpi eq, %jit3A_1830, %eq3A_1831 : i32
      %jit3A_1833 = arith.constant 1 : i32
      %select_n3A_1834 = arith.select %eq3A_1832, %jit3A_1833, %jit3A_1830 : i32
      %rem3A_1835 = arith.remsi %add3A_1799, %select_n3A_1834 : i32
      %ne3A_1836 = arith.constant 0 : i32
      %ne3A_1837 = arith.cmpi ne, %rem3A_1835, %ne3A_1836 : i32
      %lt3A_1838 = arith.constant 0 : i32
      %lt3A_1839 = arith.cmpi slt, %rem3A_1835, %lt3A_1838 : i32
      %lt3A_1840 = arith.constant 0 : i32
      %lt3A_1841 = arith.cmpi slt, %select_n3A_1834, %lt3A_1840 : i32
      %ne3A_1842 = arith.xori %lt3A_1839, %lt3A_1841 : i1
      %and3A_1843 = arith.andi %ne3A_1842, %ne3A_1837 : i1
      %add3A_1844 = arith.addi %rem3A_1835, %select_n3A_1834 : i32
      %select_n3A_1845 = arith.select %and3A_1843, %add3A_1844, %rem3A_1835 : i32
      %eq3A_1846 = vector.broadcast %select_n3A_1845 : i32 to vector<16xi32>
      %eq3A_1847 = arith.cmpi eq, %iota3A, %eq3A_1846 : vector<16xi32>
      %jit3A_1848 = arith.constant 0 : i32
      %broadcast_in_dim3A_1849 = vector.broadcast %jit3A_1848 : i32 to vector<16xi32>
      %select_n3A_1850 = arith.select %eq3A_1847, %get3A_1829, %broadcast_in_dim3A_1849 : vector<16xi1>, vector<16xi32>
      %reduce_max3A_1851 = arith.constant true
      %reduce_max3A_1852 = vector.broadcast %reduce_max3A_1851 : i1 to vector<16xi1>
      %reduce_max3A_1853 = arith.constant -2147483648 : i32
      %reduce_max3A_1854 = vector.broadcast %reduce_max3A_1853 : i32 to vector<16xi32>
      %reduce_max3A_1855 = arith.xori %select_n3A_1850, %reduce_max3A_1854 : vector<16xi32>
      %reduce_max3A_1856 = tpu.scan <max>, %reduce_max3A_1855 masked %reduce_max3A_1852 : vector<16xi32>, vector<16xi1> -> vector<16xi32>
      %reduce_max3A_1857 = arith.xori %reduce_max3A_1856, %reduce_max3A_1854 : vector<16xi32>
      %reduce_max3A_1858 = vector.extract %reduce_max3A_1857[15] : i32 from vector<16xi32>
      %shift_right_logical3A_1859 = arith.constant 7 : i32
      %shift_right_logical3A_1860 = arith.shrui %reduce_max3A_1858, %shift_right_logical3A_1859 : i32
      %shift_left3A_1861 = arith.constant 7 : i32
      %shift_left3A_1862 = arith.shli %shift_right_logical3A_1860, %shift_left3A_1861 : i32
      %multiple_of3A_1863 = tpu.assume_multiple %shift_left3A_1862, 128 : i32
      %dma_start3A_1864 = arith.constant 5 : i32
      %dma_start3A_1865 = arith.constant 0 : i32
      %dma_start3A_1866 = arith.constant 0 : i32
      %dma_start3A_1867 = tpu.memref_slice %arg6[%dma_start3A_1864, %dma_start3A_1865, %dma_start3A_1866] : memref<8x32x128xf32, #tpu.memory_space<vmem>> -> memref<1x32x128xf32, #tpu.memory_space<vmem>>
      %dma_start3A_1868 = tpu.memref_squeeze %dma_start3A_1867 : memref<1x32x128xf32, #tpu.memory_space<vmem>> -> memref<32x128xf32, #tpu.memory_space<vmem>>
      %dma_start3A_1869 = arith.constant 0 : i32
      %dma_start3A_1870 = tpu.memref_slice %arg3[%dma_start3A_1869, %multiple_of3A_1863] : memref<32x1000000xf32, #tpu.memory_space<hbm>> -> memref<32x128xf32, #tpu.memory_space<hbm>>
      %dma_start3A_1871 = arith.constant 0 : i32
      %dma_start3A_1872 = arith.constant 0 : i32
      %dma_start3A_1873 = tpu.memref_slice %arg6[%dma_start3A_1864, %dma_start3A_1871, %dma_start3A_1872] : memref<8x32x128xf32, #tpu.memory_space<vmem>> -> memref<1x32x128xf32, #tpu.memory_space<vmem>>
      %dma_start3A_1874 = tpu.memref_squeeze %dma_start3A_1873 : memref<1x32x128xf32, #tpu.memory_space<vmem>> -> memref<32x128xf32, #tpu.memory_space<vmem>>
      %dma_start3A_1875 = arith.constant 0 : i32
      %dma_start3A_1876 = tpu.memref_slice %arg3[%dma_start3A_1875, %multiple_of3A_1863] : memref<32x1000000xf32, #tpu.memory_space<hbm>> -> memref<32x128xf32, #tpu.memory_space<hbm>>
      tpu.enqueue_dma source(%dma_start3A_1876 : memref<32x128xf32, #tpu.memory_space<hbm>>) target(%dma_start3A_1874 : memref<32x128xf32, #tpu.memory_space<vmem>>) target_semaphore(%arg13 : memref<!tpu.dma_semaphore, #tpu.memory_space<semaphore_mem>>)
      %mul3A_1877 = arith.constant 8 : i32
      %mul3A_1878 = arith.muli %scan3A_778, %mul3A_1877 : i32
      %add3A_1879 = arith.constant 6 : i32
      %add3A_1880 = arith.addi %mul3A_1878, %add3A_1879 : i32
      %dma_wait3A_1881 = arith.constant 6 : i32
      %dma_wait3A_1882 = arith.constant 0 : i32
      %dma_wait3A_1883 = arith.constant 0 : i32
      %dma_wait3A_1884 = tpu.memref_slice %arg6[%dma_wait3A_1881, %dma_wait3A_1882, %dma_wait3A_1883] : memref<8x32x128xf32, #tpu.memory_space<vmem>> -> memref<1x32x128xf32, #tpu.memory_space<vmem>>
      %dma_wait3A_1885 = tpu.memref_squeeze %dma_wait3A_1884 : memref<1x32x128xf32, #tpu.memory_space<vmem>> -> memref<32x128xf32, #tpu.memory_space<vmem>>
      %dma_wait3A_1886 = arith.constant 0 : i32
      %dma_wait3A_1887 = arith.constant 0 : i32
      %dma_wait3A_1888 = tpu.memref_slice %arg3[%dma_wait3A_1886, %dma_wait3A_1887] : memref<32x1000000xf32, #tpu.memory_space<hbm>> -> memref<32x128xf32, #tpu.memory_space<hbm>>
      %dma_wait3A_1889 = arith.constant 0 : i32
      %dma_wait3A_1890 = arith.constant 0 : i32
      %dma_wait3A_1891 = tpu.memref_slice %arg6[%dma_wait3A_1881, %dma_wait3A_1889, %dma_wait3A_1890] : memref<8x32x128xf32, #tpu.memory_space<vmem>> -> memref<1x32x128xf32, #tpu.memory_space<vmem>>
      %dma_wait3A_1892 = tpu.memref_squeeze %dma_wait3A_1891 : memref<1x32x128xf32, #tpu.memory_space<vmem>> -> memref<32x128xf32, #tpu.memory_space<vmem>>
      %dma_wait3A_1893 = arith.constant 0 : i32
      %dma_wait3A_1894 = arith.constant 0 : i32
      %dma_wait3A_1895 = tpu.memref_slice %arg3[%dma_wait3A_1893, %dma_wait3A_1894] : memref<32x1000000xf32, #tpu.memory_space<hbm>> -> memref<32x128xf32, #tpu.memory_space<hbm>>
      tpu.wait_dma2 semaphore(%arg14 : memref<!tpu.dma_semaphore, #tpu.memory_space<semaphore_mem>>) src(%dma_wait3A_1895 : memref<32x128xf32, #tpu.memory_space<hbm>>) dst(%dma_wait3A_1892 : memref<32x128xf32, #tpu.memory_space<vmem>>)
      %jit3A_1896 = arith.constant 16 : i32
      %div3A_1897 = arith.divsi %add3A_1880, %jit3A_1896 : i32
      %sign3A_1898 = arith.constant 0 : i32
      %sign3A_1899 = arith.cmpi sgt, %add3A_1880, %sign3A_1898 : i32
      %sign3A_1900 = arith.extui %sign3A_1899 : i1 to i32
      %sign3A_1901 = arith.constant 0 : i32
      %sign3A_1902 = arith.cmpi slt, %add3A_1880, %sign3A_1901 : i32
      %sign3A_1903 = arith.extui %sign3A_1902 : i1 to i32
      %sign3A_1904 = arith.subi %sign3A_1900, %sign3A_1903 : i32
      %sign3A_1905 = arith.constant 0 : i32
      %sign3A_1906 = arith.cmpi sgt, %jit3A_1896, %sign3A_1905 : i32
      %sign3A_1907 = arith.extui %sign3A_1906 : i1 to i32
      %sign3A_1908 = arith.constant 0 : i32
      %sign3A_1909 = arith.cmpi slt, %jit3A_1896, %sign3A_1908 : i32
      %sign3A_1910 = arith.extui %sign3A_1909 : i1 to i32
      %sign3A_1911 = arith.subi %sign3A_1907, %sign3A_1910 : i32
      %ne3A_1912 = arith.cmpi ne, %sign3A_1904, %sign3A_1911 : i32
      %rem3A_1913 = arith.remsi %add3A_1880, %jit3A_1896 : i32
      %ne3A_1914 = arith.constant 0 : i32
      %ne3A_1915 = arith.cmpi ne, %rem3A_1913, %ne3A_1914 : i32
      %and3A_1916 = arith.andi %ne3A_1912, %ne3A_1915 : i1
      %sub3A_1917 = arith.constant 1 : i32
      %sub3A_1918 = arith.subi %div3A_1897, %sub3A_1917 : i32
      %select_n3A_1919 = arith.select %and3A_1916, %sub3A_1918, %div3A_1897 : i32
      %mul3A_1920 = arith.constant 16 : i32
      %mul3A_1921 = arith.muli %select_n3A_1919, %mul3A_1920 : i32
      %get3A_1922 = arith.constant 0 : i32
      %get3A_1923 = arith.index_cast %get3A_1922 : i32 to index
      %get3A_1924 = arith.index_cast %mul3A_1921 : i32 to index
      %get3A_1925 = tpu.vector_load %arg5[%get3A_1923, %get3A_1924] {strides = array<i32>} : memref<1x512xi32, #tpu.memory_space<vmem>>, vector<16xi32>,
      %jit3A_1926 = arith.constant 16 : i32
      %eq3A_1927 = arith.constant 0 : i32
      %eq3A_1928 = arith.cmpi eq, %jit3A_1926, %eq3A_1927 : i32
      %jit3A_1929 = arith.constant 1 : i32
      %select_n3A_1930 = arith.select %eq3A_1928, %jit3A_1929, %jit3A_1926 : i32
      %rem3A_1931 = arith.remsi %add3A_1880, %select_n3A_1930 : i32
      %ne3A_1932 = arith.constant 0 : i32
      %ne3A_1933 = arith.cmpi ne, %rem3A_1931, %ne3A_1932 : i32
      %lt3A_1934 = arith.constant 0 : i32
      %lt3A_1935 = arith.cmpi slt, %rem3A_1931, %lt3A_1934 : i32
      %lt3A_1936 = arith.constant 0 : i32
      %lt3A_1937 = arith.cmpi slt, %select_n3A_1930, %lt3A_1936 : i32
      %ne3A_1938 = arith.xori %lt3A_1935, %lt3A_1937 : i1
      %and3A_1939 = arith.andi %ne3A_1938, %ne3A_1933 : i1
      %add3A_1940 = arith.addi %rem3A_1931, %select_n3A_1930 : i32
      %select_n3A_1941 = arith.select %and3A_1939, %add3A_1940, %rem3A_1931 : i32
      %eq3A_1942 = vector.broadcast %select_n3A_1941 : i32 to vector<16xi32>
      %eq3A_1943 = arith.cmpi eq, %iota3A, %eq3A_1942 : vector<16xi32>
      %jit3A_1944 = arith.constant 0 : i32
      %broadcast_in_dim3A_1945 = vector.broadcast %jit3A_1944 : i32 to vector<16xi32>
      %select_n3A_1946 = arith.select %eq3A_1943, %get3A_1925, %broadcast_in_dim3A_1945 : vector<16xi1>, vector<16xi32>
      %reduce_max3A_1947 = arith.constant true
      %reduce_max3A_1948 = vector.broadcast %reduce_max3A_1947 : i1 to vector<16xi1>
      %reduce_max3A_1949 = arith.constant -2147483648 : i32
      %reduce_max3A_1950 = vector.broadcast %reduce_max3A_1949 : i32 to vector<16xi32>
      %reduce_max3A_1951 = arith.xori %select_n3A_1946, %reduce_max3A_1950 : vector<16xi32>
      %reduce_max3A_1952 = tpu.scan <max>, %reduce_max3A_1951 masked %reduce_max3A_1948 : vector<16xi32>, vector<16xi1> -> vector<16xi32>
      %reduce_max3A_1953 = arith.xori %reduce_max3A_1952, %reduce_max3A_1950 : vector<16xi32>
      %reduce_max3A_1954 = vector.extract %reduce_max3A_1953[15] : i32 from vector<16xi32>
      %and3A_1955 = arith.constant 127 : i32
      %and3A_1956 = arith.andi %reduce_max3A_1954, %and3A_1955 : i32
      %broadcast_in_dim3A_1957 = vector.broadcast %and3A_1956 : i32 to vector<16xi32>
      %add3A_1958 = arith.constant 0 : i32
      %add3A_1959 = vector.broadcast %add3A_1958 : i32 to vector<16xi32>
      %add3A_1960 = arith.addi %iota3A, %add3A_1959 : vector<16xi32>
      %gather3A_1961 = arith.constant 6 : i32
      %gather3A_1962 = arith.constant 0 : i32
      %gather3A_1963 = arith.constant 0 : i32
      %gather3A_1964 = tpu.memref_slice %arg6[%gather3A_1961, %gather3A_1962, %gather3A_1963] : memref<8x32x128xf32, #tpu.memory_space<vmem>> -> memref<1x32x128xf32, #tpu.memory_space<vmem>>
      %gather3A_1965 = tpu.memref_squeeze %gather3A_1964 : memref<1x32x128xf32, #tpu.memory_space<vmem>> -> memref<32x128xf32, #tpu.memory_space<vmem>>
      %gather3A_1966 = tpu.vector_load_idx %gather3A_1965[%add3A_1960, %broadcast_in_dim3A_1957] : memref<32x128xf32, #tpu.memory_space<vmem>>[vector<16xi32>, vector<16xi32>], vector<16xf32>,
      %swap3A_1967 = arith.index_cast %add3A_1880 : i32 to index
      %swap3A_1968 = arith.constant 0 : index
      %swap3A_1969 = tpu.vector_load %arg7[%swap3A_1967, %swap3A_1968] {strides = array<i32>} : memref<512x128xf32, #tpu.memory_space<vmem>>, vector<16xf32>,
      tpu.vector_store %arg7[%swap3A_1967, %swap3A_1968], %gather3A_1966 {strides = array<i32>} : memref<512x128xf32, #tpu.memory_space<vmem>>, vector<16xf32>,
      %add3A_1970 = arith.constant 16 : i32
      %add3A_1971 = vector.broadcast %add3A_1970 : i32 to vector<16xi32>
      %add3A_1972 = arith.addi %iota3A, %add3A_1971 : vector<16xi32>
      %gather3A_1973 = arith.constant 6 : i32
      %gather3A_1974 = arith.constant 0 : i32
      %gather3A_1975 = arith.constant 0 : i32
      %gather3A_1976 = tpu.memref_slice %arg6[%gather3A_1973, %gather3A_1974, %gather3A_1975] : memref<8x32x128xf32, #tpu.memory_space<vmem>> -> memref<1x32x128xf32, #tpu.memory_space<vmem>>
      %gather3A_1977 = tpu.memref_squeeze %gather3A_1976 : memref<1x32x128xf32, #tpu.memory_space<vmem>> -> memref<32x128xf32, #tpu.memory_space<vmem>>
      %gather3A_1978 = tpu.vector_load_idx %gather3A_1977[%add3A_1972, %broadcast_in_dim3A_1957] : memref<32x128xf32, #tpu.memory_space<vmem>>[vector<16xi32>, vector<16xi32>], vector<16xf32>,
      %swap3A_1979 = arith.index_cast %add3A_1880 : i32 to index
      %swap3A_1980 = arith.constant 16 : index
      %swap3A_1981 = tpu.vector_load %arg7[%swap3A_1979, %swap3A_1980] {strides = array<i32>} : memref<512x128xf32, #tpu.memory_space<vmem>>, vector<16xf32>,
      tpu.vector_store %arg7[%swap3A_1979, %swap3A_1980], %gather3A_1978 {strides = array<i32>} : memref<512x128xf32, #tpu.memory_space<vmem>>, vector<16xf32>,
      %add3A_1982 = arith.constant 8 : i32
      %add3A_1983 = arith.addi %add3A_1880, %add3A_1982 : i32
      %jit3A_1984 = arith.constant 16 : i32
      %div3A_1985 = arith.divsi %add3A_1983, %jit3A_1984 : i32
      %sign3A_1986 = arith.constant 0 : i32
      %sign3A_1987 = arith.cmpi sgt, %add3A_1983, %sign3A_1986 : i32
      %sign3A_1988 = arith.extui %sign3A_1987 : i1 to i32
      %sign3A_1989 = arith.constant 0 : i32
      %sign3A_1990 = arith.cmpi slt, %add3A_1983, %sign3A_1989 : i32
      %sign3A_1991 = arith.extui %sign3A_1990 : i1 to i32
      %sign3A_1992 = arith.subi %sign3A_1988, %sign3A_1991 : i32
      %sign3A_1993 = arith.constant 0 : i32
      %sign3A_1994 = arith.cmpi sgt, %jit3A_1984, %sign3A_1993 : i32
      %sign3A_1995 = arith.extui %sign3A_1994 : i1 to i32
      %sign3A_1996 = arith.constant 0 : i32
      %sign3A_1997 = arith.cmpi slt, %jit3A_1984, %sign3A_1996 : i32
      %sign3A_1998 = arith.extui %sign3A_1997 : i1 to i32
      %sign3A_1999 = arith.subi %sign3A_1995, %sign3A_1998 : i32
      %ne3A_2000 = arith.cmpi ne, %sign3A_1992, %sign3A_1999 : i32
      %rem3A_2001 = arith.remsi %add3A_1983, %jit3A_1984 : i32
      %ne3A_2002 = arith.constant 0 : i32
      %ne3A_2003 = arith.cmpi ne, %rem3A_2001, %ne3A_2002 : i32
      %and3A_2004 = arith.andi %ne3A_2000, %ne3A_2003 : i1
      %sub3A_2005 = arith.constant 1 : i32
      %sub3A_2006 = arith.subi %div3A_1985, %sub3A_2005 : i32
      %select_n3A_2007 = arith.select %and3A_2004, %sub3A_2006, %div3A_1985 : i32
      %mul3A_2008 = arith.constant 16 : i32
      %mul3A_2009 = arith.muli %select_n3A_2007, %mul3A_2008 : i32
      %get3A_2010 = arith.constant 0 : i32
      %get3A_2011 = arith.index_cast %get3A_2010 : i32 to index
      %get3A_2012 = arith.index_cast %mul3A_2009 : i32 to index
      %get3A_2013 = tpu.vector_load %arg5[%get3A_2011, %get3A_2012] {strides = array<i32>} : memref<1x512xi32, #tpu.memory_space<vmem>>, vector<16xi32>,
      %jit3A_2014 = arith.constant 16 : i32
      %eq3A_2015 = arith.constant 0 : i32
      %eq3A_2016 = arith.cmpi eq, %jit3A_2014, %eq3A_2015 : i32
      %jit3A_2017 = arith.constant 1 : i32
      %select_n3A_2018 = arith.select %eq3A_2016, %jit3A_2017, %jit3A_2014 : i32
      %rem3A_2019 = arith.remsi %add3A_1983, %select_n3A_2018 : i32
      %ne3A_2020 = arith.constant 0 : i32
      %ne3A_2021 = arith.cmpi ne, %rem3A_2019, %ne3A_2020 : i32
      %lt3A_2022 = arith.constant 0 : i32
      %lt3A_2023 = arith.cmpi slt, %rem3A_2019, %lt3A_2022 : i32
      %lt3A_2024 = arith.constant 0 : i32
      %lt3A_2025 = arith.cmpi slt, %select_n3A_2018, %lt3A_2024 : i32
      %ne3A_2026 = arith.xori %lt3A_2023, %lt3A_2025 : i1
      %and3A_2027 = arith.andi %ne3A_2026, %ne3A_2021 : i1
      %add3A_2028 = arith.addi %rem3A_2019, %select_n3A_2018 : i32
      %select_n3A_2029 = arith.select %and3A_2027, %add3A_2028, %rem3A_2019 : i32
      %eq3A_2030 = vector.broadcast %select_n3A_2029 : i32 to vector<16xi32>
      %eq3A_2031 = arith.cmpi eq, %iota3A, %eq3A_2030 : vector<16xi32>
      %jit3A_2032 = arith.constant 0 : i32
      %broadcast_in_dim3A_2033 = vector.broadcast %jit3A_2032 : i32 to vector<16xi32>
      %select_n3A_2034 = arith.select %eq3A_2031, %get3A_2013, %broadcast_in_dim3A_2033 : vector<16xi1>, vector<16xi32>
      %reduce_max3A_2035 = arith.constant true
      %reduce_max3A_2036 = vector.broadcast %reduce_max3A_2035 : i1 to vector<16xi1>
      %reduce_max3A_2037 = arith.constant -2147483648 : i32
      %reduce_max3A_2038 = vector.broadcast %reduce_max3A_2037 : i32 to vector<16xi32>
      %reduce_max3A_2039 = arith.xori %select_n3A_2034, %reduce_max3A_2038 : vector<16xi32>
      %reduce_max3A_2040 = tpu.scan <max>, %reduce_max3A_2039 masked %reduce_max3A_2036 : vector<16xi32>, vector<16xi1> -> vector<16xi32>
      %reduce_max3A_2041 = arith.xori %reduce_max3A_2040, %reduce_max3A_2038 : vector<16xi32>
      %reduce_max3A_2042 = vector.extract %reduce_max3A_2041[15] : i32 from vector<16xi32>
      %shift_right_logical3A_2043 = arith.constant 7 : i32
      %shift_right_logical3A_2044 = arith.shrui %reduce_max3A_2042, %shift_right_logical3A_2043 : i32
      %shift_left3A_2045 = arith.constant 7 : i32
      %shift_left3A_2046 = arith.shli %shift_right_logical3A_2044, %shift_left3A_2045 : i32
      %multiple_of3A_2047 = tpu.assume_multiple %shift_left3A_2046, 128 : i32
      %dma_start3A_2048 = arith.constant 6 : i32
      %dma_start3A_2049 = arith.constant 0 : i32
      %dma_start3A_2050 = arith.constant 0 : i32
      %dma_start3A_2051 = tpu.memref_slice %arg6[%dma_start3A_2048, %dma_start3A_2049, %dma_start3A_2050] : memref<8x32x128xf32, #tpu.memory_space<vmem>> -> memref<1x32x128xf32, #tpu.memory_space<vmem>>
      %dma_start3A_2052 = tpu.memref_squeeze %dma_start3A_2051 : memref<1x32x128xf32, #tpu.memory_space<vmem>> -> memref<32x128xf32, #tpu.memory_space<vmem>>
      %dma_start3A_2053 = arith.constant 0 : i32
      %dma_start3A_2054 = tpu.memref_slice %arg3[%dma_start3A_2053, %multiple_of3A_2047] : memref<32x1000000xf32, #tpu.memory_space<hbm>> -> memref<32x128xf32, #tpu.memory_space<hbm>>
      %dma_start3A_2055 = arith.constant 0 : i32
      %dma_start3A_2056 = arith.constant 0 : i32
      %dma_start3A_2057 = tpu.memref_slice %arg6[%dma_start3A_2048, %dma_start3A_2055, %dma_start3A_2056] : memref<8x32x128xf32, #tpu.memory_space<vmem>> -> memref<1x32x128xf32, #tpu.memory_space<vmem>>
      %dma_start3A_2058 = tpu.memref_squeeze %dma_start3A_2057 : memref<1x32x128xf32, #tpu.memory_space<vmem>> -> memref<32x128xf32, #tpu.memory_space<vmem>>
      %dma_start3A_2059 = arith.constant 0 : i32
      %dma_start3A_2060 = tpu.memref_slice %arg3[%dma_start3A_2059, %multiple_of3A_2047] : memref<32x1000000xf32, #tpu.memory_space<hbm>> -> memref<32x128xf32, #tpu.memory_space<hbm>>
      tpu.enqueue_dma source(%dma_start3A_2060 : memref<32x128xf32, #tpu.memory_space<hbm>>) target(%dma_start3A_2058 : memref<32x128xf32, #tpu.memory_space<vmem>>) target_semaphore(%arg14 : memref<!tpu.dma_semaphore, #tpu.memory_space<semaphore_mem>>)
      %mul3A_2061 = arith.constant 8 : i32
      %mul3A_2062 = arith.muli %scan3A_778, %mul3A_2061 : i32
      %add3A_2063 = arith.constant 7 : i32
      %add3A_2064 = arith.addi %mul3A_2062, %add3A_2063 : i32
      %dma_wait3A_2065 = arith.constant 7 : i32
      %dma_wait3A_2066 = arith.constant 0 : i32
      %dma_wait3A_2067 = arith.constant 0 : i32
      %dma_wait3A_2068 = tpu.memref_slice %arg6[%dma_wait3A_2065, %dma_wait3A_2066, %dma_wait3A_2067] : memref<8x32x128xf32, #tpu.memory_space<vmem>> -> memref<1x32x128xf32, #tpu.memory_space<vmem>>
      %dma_wait3A_2069 = tpu.memref_squeeze %dma_wait3A_2068 : memref<1x32x128xf32, #tpu.memory_space<vmem>> -> memref<32x128xf32, #tpu.memory_space<vmem>>
      %dma_wait3A_2070 = arith.constant 0 : i32
      %dma_wait3A_2071 = arith.constant 0 : i32
      %dma_wait3A_2072 = tpu.memref_slice %arg3[%dma_wait3A_2070, %dma_wait3A_2071] : memref<32x1000000xf32, #tpu.memory_space<hbm>> -> memref<32x128xf32, #tpu.memory_space<hbm>>
      %dma_wait3A_2073 = arith.constant 0 : i32
      %dma_wait3A_2074 = arith.constant 0 : i32
      %dma_wait3A_2075 = tpu.memref_slice %arg6[%dma_wait3A_2065, %dma_wait3A_2073, %dma_wait3A_2074] : memref<8x32x128xf32, #tpu.memory_space<vmem>> -> memref<1x32x128xf32, #tpu.memory_space<vmem>>
      %dma_wait3A_2076 = tpu.memref_squeeze %dma_wait3A_2075 : memref<1x32x128xf32, #tpu.memory_space<vmem>> -> memref<32x128xf32, #tpu.memory_space<vmem>>
      %dma_wait3A_2077 = arith.constant 0 : i32
      %dma_wait3A_2078 = arith.constant 0 : i32
      %dma_wait3A_2079 = tpu.memref_slice %arg3[%dma_wait3A_2077, %dma_wait3A_2078] : memref<32x1000000xf32, #tpu.memory_space<hbm>> -> memref<32x128xf32, #tpu.memory_space<hbm>>
      tpu.wait_dma2 semaphore(%arg15 : memref<!tpu.dma_semaphore, #tpu.memory_space<semaphore_mem>>) src(%dma_wait3A_2079 : memref<32x128xf32, #tpu.memory_space<hbm>>) dst(%dma_wait3A_2076 : memref<32x128xf32, #tpu.memory_space<vmem>>)
      %jit3A_2080 = arith.constant 16 : i32
      %div3A_2081 = arith.divsi %add3A_2064, %jit3A_2080 : i32
      %sign3A_2082 = arith.constant 0 : i32
      %sign3A_2083 = arith.cmpi sgt, %add3A_2064, %sign3A_2082 : i32
      %sign3A_2084 = arith.extui %sign3A_2083 : i1 to i32
      %sign3A_2085 = arith.constant 0 : i32
      %sign3A_2086 = arith.cmpi slt, %add3A_2064, %sign3A_2085 : i32
      %sign3A_2087 = arith.extui %sign3A_2086 : i1 to i32
      %sign3A_2088 = arith.subi %sign3A_2084, %sign3A_2087 : i32
      %sign3A_2089 = arith.constant 0 : i32
      %sign3A_2090 = arith.cmpi sgt, %jit3A_2080, %sign3A_2089 : i32
      %sign3A_2091 = arith.extui %sign3A_2090 : i1 to i32
      %sign3A_2092 = arith.constant 0 : i32
      %sign3A_2093 = arith.cmpi slt, %jit3A_2080, %sign3A_2092 : i32
      %sign3A_2094 = arith.extui %sign3A_2093 : i1 to i32
      %sign3A_2095 = arith.subi %sign3A_2091, %sign3A_2094 : i32
      %ne3A_2096 = arith.cmpi ne, %sign3A_2088, %sign3A_2095 : i32
      %rem3A_2097 = arith.remsi %add3A_2064, %jit3A_2080 : i32
      %ne3A_2098 = arith.constant 0 : i32
      %ne3A_2099 = arith.cmpi ne, %rem3A_2097, %ne3A_2098 : i32
      %and3A_2100 = arith.andi %ne3A_2096, %ne3A_2099 : i1
      %sub3A_2101 = arith.constant 1 : i32
      %sub3A_2102 = arith.subi %div3A_2081, %sub3A_2101 : i32
      %select_n3A_2103 = arith.select %and3A_2100, %sub3A_2102, %div3A_2081 : i32
      %mul3A_2104 = arith.constant 16 : i32
      %mul3A_2105 = arith.muli %select_n3A_2103, %mul3A_2104 : i32
      %get3A_2106 = arith.constant 0 : i32
      %get3A_2107 = arith.index_cast %get3A_2106 : i32 to index
      %get3A_2108 = arith.index_cast %mul3A_2105 : i32 to index
      %get3A_2109 = tpu.vector_load %arg5[%get3A_2107, %get3A_2108] {strides = array<i32>} : memref<1x512xi32, #tpu.memory_space<vmem>>, vector<16xi32>,
      %jit3A_2110 = arith.constant 16 : i32
      %eq3A_2111 = arith.constant 0 : i32
      %eq3A_2112 = arith.cmpi eq, %jit3A_2110, %eq3A_2111 : i32
      %jit3A_2113 = arith.constant 1 : i32
      %select_n3A_2114 = arith.select %eq3A_2112, %jit3A_2113, %jit3A_2110 : i32
      %rem3A_2115 = arith.remsi %add3A_2064, %select_n3A_2114 : i32
      %ne3A_2116 = arith.constant 0 : i32
      %ne3A_2117 = arith.cmpi ne, %rem3A_2115, %ne3A_2116 : i32
      %lt3A_2118 = arith.constant 0 : i32
      %lt3A_2119 = arith.cmpi slt, %rem3A_2115, %lt3A_2118 : i32
      %lt3A_2120 = arith.constant 0 : i32
      %lt3A_2121 = arith.cmpi slt, %select_n3A_2114, %lt3A_2120 : i32
      %ne3A_2122 = arith.xori %lt3A_2119, %lt3A_2121 : i1
      %and3A_2123 = arith.andi %ne3A_2122, %ne3A_2117 : i1
      %add3A_2124 = arith.addi %rem3A_2115, %select_n3A_2114 : i32
      %select_n3A_2125 = arith.select %and3A_2123, %add3A_2124, %rem3A_2115 : i32
      %eq3A_2126 = vector.broadcast %select_n3A_2125 : i32 to vector<16xi32>
      %eq3A_2127 = arith.cmpi eq, %iota3A, %eq3A_2126 : vector<16xi32>
      %jit3A_2128 = arith.constant 0 : i32
      %broadcast_in_dim3A_2129 = vector.broadcast %jit3A_2128 : i32 to vector<16xi32>
      %select_n3A_2130 = arith.select %eq3A_2127, %get3A_2109, %broadcast_in_dim3A_2129 : vector<16xi1>, vector<16xi32>
      %reduce_max3A_2131 = arith.constant true
      %reduce_max3A_2132 = vector.broadcast %reduce_max3A_2131 : i1 to vector<16xi1>
      %reduce_max3A_2133 = arith.constant -2147483648 : i32
      %reduce_max3A_2134 = vector.broadcast %reduce_max3A_2133 : i32 to vector<16xi32>
      %reduce_max3A_2135 = arith.xori %select_n3A_2130, %reduce_max3A_2134 : vector<16xi32>
      %reduce_max3A_2136 = tpu.scan <max>, %reduce_max3A_2135 masked %reduce_max3A_2132 : vector<16xi32>, vector<16xi1> -> vector<16xi32>
      %reduce_max3A_2137 = arith.xori %reduce_max3A_2136, %reduce_max3A_2134 : vector<16xi32>
      %reduce_max3A_2138 = vector.extract %reduce_max3A_2137[15] : i32 from vector<16xi32>
      %and3A_2139 = arith.constant 127 : i32
      %and3A_2140 = arith.andi %reduce_max3A_2138, %and3A_2139 : i32
      %broadcast_in_dim3A_2141 = vector.broadcast %and3A_2140 : i32 to vector<16xi32>
      %add3A_2142 = arith.constant 0 : i32
      %add3A_2143 = vector.broadcast %add3A_2142 : i32 to vector<16xi32>
      %add3A_2144 = arith.addi %iota3A, %add3A_2143 : vector<16xi32>
      %gather3A_2145 = arith.constant 7 : i32
      %gather3A_2146 = arith.constant 0 : i32
      %gather3A_2147 = arith.constant 0 : i32
      %gather3A_2148 = tpu.memref_slice %arg6[%gather3A_2145, %gather3A_2146, %gather3A_2147] : memref<8x32x128xf32, #tpu.memory_space<vmem>> -> memref<1x32x128xf32, #tpu.memory_space<vmem>>
      %gather3A_2149 = tpu.memref_squeeze %gather3A_2148 : memref<1x32x128xf32, #tpu.memory_space<vmem>> -> memref<32x128xf32, #tpu.memory_space<vmem>>
      %gather3A_2150 = tpu.vector_load_idx %gather3A_2149[%add3A_2144, %broadcast_in_dim3A_2141] : memref<32x128xf32, #tpu.memory_space<vmem>>[vector<16xi32>, vector<16xi32>], vector<16xf32>,
      %swap3A_2151 = arith.index_cast %add3A_2064 : i32 to index
      %swap3A_2152 = arith.constant 0 : index
      %swap3A_2153 = tpu.vector_load %arg7[%swap3A_2151, %swap3A_2152] {strides = array<i32>} : memref<512x128xf32, #tpu.memory_space<vmem>>, vector<16xf32>,
      tpu.vector_store %arg7[%swap3A_2151, %swap3A_2152], %gather3A_2150 {strides = array<i32>} : memref<512x128xf32, #tpu.memory_space<vmem>>, vector<16xf32>,
      %add3A_2154 = arith.constant 16 : i32
      %add3A_2155 = vector.broadcast %add3A_2154 : i32 to vector<16xi32>
      %add3A_2156 = arith.addi %iota3A, %add3A_2155 : vector<16xi32>
      %gather3A_2157 = arith.constant 7 : i32
      %gather3A_2158 = arith.constant 0 : i32
      %gather3A_2159 = arith.constant 0 : i32
      %gather3A_2160 = tpu.memref_slice %arg6[%gather3A_2157, %gather3A_2158, %gather3A_2159] : memref<8x32x128xf32, #tpu.memory_space<vmem>> -> memref<1x32x128xf32, #tpu.memory_space<vmem>>
      %gather3A_2161 = tpu.memref_squeeze %gather3A_2160 : memref<1x32x128xf32, #tpu.memory_space<vmem>> -> memref<32x128xf32, #tpu.memory_space<vmem>>
      %gather3A_2162 = tpu.vector_load_idx %gather3A_2161[%add3A_2156, %broadcast_in_dim3A_2141] : memref<32x128xf32, #tpu.memory_space<vmem>>[vector<16xi32>, vector<16xi32>], vector<16xf32>,
      %swap3A_2163 = arith.index_cast %add3A_2064 : i32 to index
      %swap3A_2164 = arith.constant 16 : index
      %swap3A_2165 = tpu.vector_load %arg7[%swap3A_2163, %swap3A_2164] {strides = array<i32>} : memref<512x128xf32, #tpu.memory_space<vmem>>, vector<16xf32>,
      tpu.vector_store %arg7[%swap3A_2163, %swap3A_2164], %gather3A_2162 {strides = array<i32>} : memref<512x128xf32, #tpu.memory_space<vmem>>, vector<16xf32>,
      %add3A_2166 = arith.constant 8 : i32
      %add3A_2167 = arith.addi %add3A_2064, %add3A_2166 : i32
      %jit3A_2168 = arith.constant 16 : i32
      %div3A_2169 = arith.divsi %add3A_2167, %jit3A_2168 : i32
      %sign3A_2170 = arith.constant 0 : i32
      %sign3A_2171 = arith.cmpi sgt, %add3A_2167, %sign3A_2170 : i32
      %sign3A_2172 = arith.extui %sign3A_2171 : i1 to i32
      %sign3A_2173 = arith.constant 0 : i32
      %sign3A_2174 = arith.cmpi slt, %add3A_2167, %sign3A_2173 : i32
      %sign3A_2175 = arith.extui %sign3A_2174 : i1 to i32
      %sign3A_2176 = arith.subi %sign3A_2172, %sign3A_2175 : i32
      %sign3A_2177 = arith.constant 0 : i32
      %sign3A_2178 = arith.cmpi sgt, %jit3A_2168, %sign3A_2177 : i32
      %sign3A_2179 = arith.extui %sign3A_2178 : i1 to i32
      %sign3A_2180 = arith.constant 0 : i32
      %sign3A_2181 = arith.cmpi slt, %jit3A_2168, %sign3A_2180 : i32
      %sign3A_2182 = arith.extui %sign3A_2181 : i1 to i32
      %sign3A_2183 = arith.subi %sign3A_2179, %sign3A_2182 : i32
      %ne3A_2184 = arith.cmpi ne, %sign3A_2176, %sign3A_2183 : i32
      %rem3A_2185 = arith.remsi %add3A_2167, %jit3A_2168 : i32
      %ne3A_2186 = arith.constant 0 : i32
      %ne3A_2187 = arith.cmpi ne, %rem3A_2185, %ne3A_2186 : i32
      %and3A_2188 = arith.andi %ne3A_2184, %ne3A_2187 : i1
      %sub3A_2189 = arith.constant 1 : i32
      %sub3A_2190 = arith.subi %div3A_2169, %sub3A_2189 : i32
      %select_n3A_2191 = arith.select %and3A_2188, %sub3A_2190, %div3A_2169 : i32
      %mul3A_2192 = arith.constant 16 : i32
      %mul3A_2193 = arith.muli %select_n3A_2191, %mul3A_2192 : i32
      %get3A_2194 = arith.constant 0 : i32
      %get3A_2195 = arith.index_cast %get3A_2194 : i32 to index
      %get3A_2196 = arith.index_cast %mul3A_2193 : i32 to index
      %get3A_2197 = tpu.vector_load %arg5[%get3A_2195, %get3A_2196] {strides = array<i32>} : memref<1x512xi32, #tpu.memory_space<vmem>>, vector<16xi32>,
      %jit3A_2198 = arith.constant 16 : i32
      %eq3A_2199 = arith.constant 0 : i32
      %eq3A_2200 = arith.cmpi eq, %jit3A_2198, %eq3A_2199 : i32
      %jit3A_2201 = arith.constant 1 : i32
      %select_n3A_2202 = arith.select %eq3A_2200, %jit3A_2201, %jit3A_2198 : i32
      %rem3A_2203 = arith.remsi %add3A_2167, %select_n3A_2202 : i32
      %ne3A_2204 = arith.constant 0 : i32
      %ne3A_2205 = arith.cmpi ne, %rem3A_2203, %ne3A_2204 : i32
      %lt3A_2206 = arith.constant 0 : i32
      %lt3A_2207 = arith.cmpi slt, %rem3A_2203, %lt3A_2206 : i32
      %lt3A_2208 = arith.constant 0 : i32
      %lt3A_2209 = arith.cmpi slt, %select_n3A_2202, %lt3A_2208 : i32
      %ne3A_2210 = arith.xori %lt3A_2207, %lt3A_2209 : i1
      %and3A_2211 = arith.andi %ne3A_2210, %ne3A_2205 : i1
      %add3A_2212 = arith.addi %rem3A_2203, %select_n3A_2202 : i32
      %select_n3A_2213 = arith.select %and3A_2211, %add3A_2212, %rem3A_2203 : i32
      %eq3A_2214 = vector.broadcast %select_n3A_2213 : i32 to vector<16xi32>
      %eq3A_2215 = arith.cmpi eq, %iota3A, %eq3A_2214 : vector<16xi32>
      %jit3A_2216 = arith.constant 0 : i32
      %broadcast_in_dim3A_2217 = vector.broadcast %jit3A_2216 : i32 to vector<16xi32>
      %select_n3A_2218 = arith.select %eq3A_2215, %get3A_2197, %broadcast_in_dim3A_2217 : vector<16xi1>, vector<16xi32>
      %reduce_max3A_2219 = arith.constant true
      %reduce_max3A_2220 = vector.broadcast %reduce_max3A_2219 : i1 to vector<16xi1>
      %reduce_max3A_2221 = arith.constant -2147483648 : i32
      %reduce_max3A_2222 = vector.broadcast %reduce_max3A_2221 : i32 to vector<16xi32>
      %reduce_max3A_2223 = arith.xori %select_n3A_2218, %reduce_max3A_2222 : vector<16xi32>
      %reduce_max3A_2224 = tpu.scan <max>, %reduce_max3A_2223 masked %reduce_max3A_2220 : vector<16xi32>, vector<16xi1> -> vector<16xi32>
      %reduce_max3A_2225 = arith.xori %reduce_max3A_2224, %reduce_max3A_2222 : vector<16xi32>
      %reduce_max3A_2226 = vector.extract %reduce_max3A_2225[15] : i32 from vector<16xi32>
      %shift_right_logical3A_2227 = arith.constant 7 : i32
      %shift_right_logical3A_2228 = arith.shrui %reduce_max3A_2226, %shift_right_logical3A_2227 : i32
      %shift_left3A_2229 = arith.constant 7 : i32
      %shift_left3A_2230 = arith.shli %shift_right_logical3A_2228, %shift_left3A_2229 : i32
      %multiple_of3A_2231 = tpu.assume_multiple %shift_left3A_2230, 128 : i32
      %dma_start3A_2232 = arith.constant 7 : i32
      %dma_start3A_2233 = arith.constant 0 : i32
      %dma_start3A_2234 = arith.constant 0 : i32
      %dma_start3A_2235 = tpu.memref_slice %arg6[%dma_start3A_2232, %dma_start3A_2233, %dma_start3A_2234] : memref<8x32x128xf32, #tpu.memory_space<vmem>> -> memref<1x32x128xf32, #tpu.memory_space<vmem>>
      %dma_start3A_2236 = tpu.memref_squeeze %dma_start3A_2235 : memref<1x32x128xf32, #tpu.memory_space<vmem>> -> memref<32x128xf32, #tpu.memory_space<vmem>>
      %dma_start3A_2237 = arith.constant 0 : i32
      %dma_start3A_2238 = tpu.memref_slice %arg3[%dma_start3A_2237, %multiple_of3A_2231] : memref<32x1000000xf32, #tpu.memory_space<hbm>> -> memref<32x128xf32, #tpu.memory_space<hbm>>
      %dma_start3A_2239 = arith.constant 0 : i32
      %dma_start3A_2240 = arith.constant 0 : i32
      %dma_start3A_2241 = tpu.memref_slice %arg6[%dma_start3A_2232, %dma_start3A_2239, %dma_start3A_2240] : memref<8x32x128xf32, #tpu.memory_space<vmem>> -> memref<1x32x128xf32, #tpu.memory_space<vmem>>
      %dma_start3A_2242 = tpu.memref_squeeze %dma_start3A_2241 : memref<1x32x128xf32, #tpu.memory_space<vmem>> -> memref<32x128xf32, #tpu.memory_space<vmem>>
      %dma_start3A_2243 = arith.constant 0 : i32
      %dma_start3A_2244 = tpu.memref_slice %arg3[%dma_start3A_2243, %multiple_of3A_2231] : memref<32x1000000xf32, #tpu.memory_space<hbm>> -> memref<32x128xf32, #tpu.memory_space<hbm>>
      tpu.enqueue_dma source(%dma_start3A_2244 : memref<32x128xf32, #tpu.memory_space<hbm>>) target(%dma_start3A_2242 : memref<32x128xf32, #tpu.memory_space<vmem>>) target_semaphore(%arg15 : memref<!tpu.dma_semaphore, #tpu.memory_space<semaphore_mem>>)
    }
    %scan3A_285 = arith.constant 63 : i32
    %dma_wait3A = arith.constant 0 : i32
    %dma_wait3A_286 = arith.constant 0 : i32
    %dma_wait3A_287 = arith.constant 0 : i32
    %dma_wait3A_288 = tpu.memref_slice %arg6[%dma_wait3A, %dma_wait3A_286, %dma_wait3A_287] : memref<8x32x128xf32, #tpu.memory_space<vmem>> -> memref<1x32x128xf32, #tpu.memory_space<vmem>>
    %dma_wait3A_289 = tpu.memref_squeeze %dma_wait3A_288 : memref<1x32x128xf32, #tpu.memory_space<vmem>> -> memref<32x128xf32, #tpu.memory_space<vmem>>
    %dma_wait3A_290 = arith.constant 0 : i32
    %dma_wait3A_291 = arith.constant 0 : i32
    %dma_wait3A_292 = tpu.memref_slice %arg3[%dma_wait3A_290, %dma_wait3A_291] : memref<32x1000000xf32, #tpu.memory_space<hbm>> -> memref<32x128xf32, #tpu.memory_space<hbm>>
    %dma_wait3A_293 = arith.constant 0 : i32
    %dma_wait3A_294 = arith.constant 0 : i32
    %dma_wait3A_295 = tpu.memref_slice %arg6[%dma_wait3A, %dma_wait3A_293, %dma_wait3A_294] : memref<8x32x128xf32, #tpu.memory_space<vmem>> -> memref<1x32x128xf32, #tpu.memory_space<vmem>>
    %dma_wait3A_296 = tpu.memref_squeeze %dma_wait3A_295 : memref<1x32x128xf32, #tpu.memory_space<vmem>> -> memref<32x128xf32, #tpu.memory_space<vmem>>
    %dma_wait3A_297 = arith.constant 0 : i32
    %dma_wait3A_298 = arith.constant 0 : i32
    %dma_wait3A_299 = tpu.memref_slice %arg3[%dma_wait3A_297, %dma_wait3A_298] : memref<32x1000000xf32, #tpu.memory_space<hbm>> -> memref<32x128xf32, #tpu.memory_space<hbm>>
    tpu.wait_dma2 semaphore(%arg8 : memref<!tpu.dma_semaphore, #tpu.memory_space<semaphore_mem>>) src(%dma_wait3A_299 : memref<32x128xf32, #tpu.memory_space<hbm>>) dst(%dma_wait3A_296 : memref<32x128xf32, #tpu.memory_space<vmem>>)
    %get3A_300 = arith.constant 0 : i32
    %get3A_301 = arith.index_cast %get3A_300 : i32 to index
    %get3A_302 = arith.constant 496 : index
    %get3A_303 = tpu.vector_load %arg5[%get3A_301, %get3A_302] {strides = array<i32>} : memref<1x512xi32, #tpu.memory_space<vmem>>, vector<16xi32>,
    %eq3A_304 = arith.constant 8 : i32
    %eq3A_305 = vector.broadcast %eq3A_304 : i32 to vector<16xi32>
    %eq3A_306 = arith.cmpi eq, %iota3A, %eq3A_305 : vector<16xi32>
    %jit3A_307 = arith.constant 0 : i32
    %broadcast_in_dim3A_308 = vector.broadcast %jit3A_307 : i32 to vector<16xi32>
    %select_n3A_309 = arith.select %eq3A_306, %get3A_303, %broadcast_in_dim3A_308 : vector<16xi1>, vector<16xi32>
    %reduce_max3A_310 = arith.constant true
    %reduce_max3A_311 = vector.broadcast %reduce_max3A_310 : i1 to vector<16xi1>
    %reduce_max3A_312 = arith.constant -2147483648 : i32
    %reduce_max3A_313 = vector.broadcast %reduce_max3A_312 : i32 to vector<16xi32>
    %reduce_max3A_314 = arith.xori %select_n3A_309, %reduce_max3A_313 : vector<16xi32>
    %reduce_max3A_315 = tpu.scan <max>, %reduce_max3A_314 masked %reduce_max3A_311 : vector<16xi32>, vector<16xi1> -> vector<16xi32>
    %reduce_max3A_316 = arith.xori %reduce_max3A_315, %reduce_max3A_313 : vector<16xi32>
    %reduce_max3A_317 = vector.extract %reduce_max3A_316[15] : i32 from vector<16xi32>
    %and3A = arith.constant 127 : i32
    %and3A_318 = arith.andi %reduce_max3A_317, %and3A : i32
    %broadcast_in_dim3A_319 = vector.broadcast %and3A_318 : i32 to vector<16xi32>
    %add3A_320 = arith.constant 0 : i32
    %add3A_321 = vector.broadcast %add3A_320 : i32 to vector<16xi32>
    %add3A_322 = arith.addi %iota3A, %add3A_321 : vector<16xi32>
    %gather3A = arith.constant 0 : i32
    %gather3A_323 = arith.constant 0 : i32
    %gather3A_324 = arith.constant 0 : i32
    %gather3A_325 = tpu.memref_slice %arg6[%gather3A, %gather3A_323, %gather3A_324] : memref<8x32x128xf32, #tpu.memory_space<vmem>> -> memref<1x32x128xf32, #tpu.memory_space<vmem>>
    %gather3A_326 = tpu.memref_squeeze %gather3A_325 : memref<1x32x128xf32, #tpu.memory_space<vmem>> -> memref<32x128xf32, #tpu.memory_space<vmem>>
    %gather3A_327 = tpu.vector_load_idx %gather3A_326[%add3A_322, %broadcast_in_dim3A_319] : memref<32x128xf32, #tpu.memory_space<vmem>>[vector<16xi32>, vector<16xi32>], vector<16xf32>,
    %swap3A = arith.constant 504 : i32
    %swap3A_328 = arith.index_cast %swap3A : i32 to index
    %swap3A_329 = arith.constant 0 : index
    %swap3A_330 = tpu.vector_load %arg7[%swap3A_328, %swap3A_329] {strides = array<i32>} : memref<512x128xf32, #tpu.memory_space<vmem>>, vector<16xf32>,
    tpu.vector_store %arg7[%swap3A_328, %swap3A_329], %gather3A_327 {strides = array<i32>} : memref<512x128xf32, #tpu.memory_space<vmem>>, vector<16xf32>,
    %add3A_331 = arith.constant 16 : i32
    %add3A_332 = vector.broadcast %add3A_331 : i32 to vector<16xi32>
    %add3A_333 = arith.addi %iota3A, %add3A_332 : vector<16xi32>
    %gather3A_334 = arith.constant 0 : i32
    %gather3A_335 = arith.constant 0 : i32
    %gather3A_336 = arith.constant 0 : i32
    %gather3A_337 = tpu.memref_slice %arg6[%gather3A_334, %gather3A_335, %gather3A_336] : memref<8x32x128xf32, #tpu.memory_space<vmem>> -> memref<1x32x128xf32, #tpu.memory_space<vmem>>
    %gather3A_338 = tpu.memref_squeeze %gather3A_337 : memref<1x32x128xf32, #tpu.memory_space<vmem>> -> memref<32x128xf32, #tpu.memory_space<vmem>>
    %gather3A_339 = tpu.vector_load_idx %gather3A_338[%add3A_333, %broadcast_in_dim3A_319] : memref<32x128xf32, #tpu.memory_space<vmem>>[vector<16xi32>, vector<16xi32>], vector<16xf32>,
    %swap3A_340 = arith.constant 504 : i32
    %swap3A_341 = arith.index_cast %swap3A_340 : i32 to index
    %swap3A_342 = arith.constant 16 : index
    %swap3A_343 = tpu.vector_load %arg7[%swap3A_341, %swap3A_342] {strides = array<i32>} : memref<512x128xf32, #tpu.memory_space<vmem>>, vector<16xf32>,
    tpu.vector_store %arg7[%swap3A_341, %swap3A_342], %gather3A_339 {strides = array<i32>} : memref<512x128xf32, #tpu.memory_space<vmem>>, vector<16xf32>,
    %dma_wait3A_344 = arith.constant 1 : i32
    %dma_wait3A_345 = arith.constant 0 : i32
    %dma_wait3A_346 = arith.constant 0 : i32
    %dma_wait3A_347 = tpu.memref_slice %arg6[%dma_wait3A_344, %dma_wait3A_345, %dma_wait3A_346] : memref<8x32x128xf32, #tpu.memory_space<vmem>> -> memref<1x32x128xf32, #tpu.memory_space<vmem>>
    %dma_wait3A_348 = tpu.memref_squeeze %dma_wait3A_347 : memref<1x32x128xf32, #tpu.memory_space<vmem>> -> memref<32x128xf32, #tpu.memory_space<vmem>>
    %dma_wait3A_349 = arith.constant 0 : i32
    %dma_wait3A_350 = arith.constant 0 : i32
    %dma_wait3A_351 = tpu.memref_slice %arg3[%dma_wait3A_349, %dma_wait3A_350] : memref<32x1000000xf32, #tpu.memory_space<hbm>> -> memref<32x128xf32, #tpu.memory_space<hbm>>
    %dma_wait3A_352 = arith.constant 0 : i32
    %dma_wait3A_353 = arith.constant 0 : i32
    %dma_wait3A_354 = tpu.memref_slice %arg6[%dma_wait3A_344, %dma_wait3A_352, %dma_wait3A_353] : memref<8x32x128xf32, #tpu.memory_space<vmem>> -> memref<1x32x128xf32, #tpu.memory_space<vmem>>
    %dma_wait3A_355 = tpu.memref_squeeze %dma_wait3A_354 : memref<1x32x128xf32, #tpu.memory_space<vmem>> -> memref<32x128xf32, #tpu.memory_space<vmem>>
    %dma_wait3A_356 = arith.constant 0 : i32
    %dma_wait3A_357 = arith.constant 0 : i32
    %dma_wait3A_358 = tpu.memref_slice %arg3[%dma_wait3A_356, %dma_wait3A_357] : memref<32x1000000xf32, #tpu.memory_space<hbm>> -> memref<32x128xf32, #tpu.memory_space<hbm>>
    tpu.wait_dma2 semaphore(%arg9 : memref<!tpu.dma_semaphore, #tpu.memory_space<semaphore_mem>>) src(%dma_wait3A_358 : memref<32x128xf32, #tpu.memory_space<hbm>>) dst(%dma_wait3A_355 : memref<32x128xf32, #tpu.memory_space<vmem>>)
    %get3A_359 = arith.constant 0 : i32
    %get3A_360 = arith.index_cast %get3A_359 : i32 to index
    %get3A_361 = arith.constant 496 : index
    %get3A_362 = tpu.vector_load %arg5[%get3A_360, %get3A_361] {strides = array<i32>} : memref<1x512xi32, #tpu.memory_space<vmem>>, vector<16xi32>,
    %eq3A_363 = arith.constant 9 : i32
    %eq3A_364 = vector.broadcast %eq3A_363 : i32 to vector<16xi32>
    %eq3A_365 = arith.cmpi eq, %iota3A, %eq3A_364 : vector<16xi32>
    %jit3A_366 = arith.constant 0 : i32
    %broadcast_in_dim3A_367 = vector.broadcast %jit3A_366 : i32 to vector<16xi32>
    %select_n3A_368 = arith.select %eq3A_365, %get3A_362, %broadcast_in_dim3A_367 : vector<16xi1>, vector<16xi32>
    %reduce_max3A_369 = arith.constant true
    %reduce_max3A_370 = vector.broadcast %reduce_max3A_369 : i1 to vector<16xi1>
    %reduce_max3A_371 = arith.constant -2147483648 : i32
    %reduce_max3A_372 = vector.broadcast %reduce_max3A_371 : i32 to vector<16xi32>
    %reduce_max3A_373 = arith.xori %select_n3A_368, %reduce_max3A_372 : vector<16xi32>
    %reduce_max3A_374 = tpu.scan <max>, %reduce_max3A_373 masked %reduce_max3A_370 : vector<16xi32>, vector<16xi1> -> vector<16xi32>
    %reduce_max3A_375 = arith.xori %reduce_max3A_374, %reduce_max3A_372 : vector<16xi32>
    %reduce_max3A_376 = vector.extract %reduce_max3A_375[15] : i32 from vector<16xi32>
    %and3A_377 = arith.constant 127 : i32
    %and3A_378 = arith.andi %reduce_max3A_376, %and3A_377 : i32
    %broadcast_in_dim3A_379 = vector.broadcast %and3A_378 : i32 to vector<16xi32>
    %add3A_380 = arith.constant 0 : i32
    %add3A_381 = vector.broadcast %add3A_380 : i32 to vector<16xi32>
    %add3A_382 = arith.addi %iota3A, %add3A_381 : vector<16xi32>
    %gather3A_383 = arith.constant 1 : i32
    %gather3A_384 = arith.constant 0 : i32
    %gather3A_385 = arith.constant 0 : i32
    %gather3A_386 = tpu.memref_slice %arg6[%gather3A_383, %gather3A_384, %gather3A_385] : memref<8x32x128xf32, #tpu.memory_space<vmem>> -> memref<1x32x128xf32, #tpu.memory_space<vmem>>
    %gather3A_387 = tpu.memref_squeeze %gather3A_386 : memref<1x32x128xf32, #tpu.memory_space<vmem>> -> memref<32x128xf32, #tpu.memory_space<vmem>>
    %gather3A_388 = tpu.vector_load_idx %gather3A_387[%add3A_382, %broadcast_in_dim3A_379] : memref<32x128xf32, #tpu.memory_space<vmem>>[vector<16xi32>, vector<16xi32>], vector<16xf32>,
    %swap3A_389 = arith.constant 505 : i32
    %swap3A_390 = arith.index_cast %swap3A_389 : i32 to index
    %swap3A_391 = arith.constant 0 : index
    %swap3A_392 = tpu.vector_load %arg7[%swap3A_390, %swap3A_391] {strides = array<i32>} : memref<512x128xf32, #tpu.memory_space<vmem>>, vector<16xf32>,
    tpu.vector_store %arg7[%swap3A_390, %swap3A_391], %gather3A_388 {strides = array<i32>} : memref<512x128xf32, #tpu.memory_space<vmem>>, vector<16xf32>,
    %add3A_393 = arith.constant 16 : i32
    %add3A_394 = vector.broadcast %add3A_393 : i32 to vector<16xi32>
    %add3A_395 = arith.addi %iota3A, %add3A_394 : vector<16xi32>
    %gather3A_396 = arith.constant 1 : i32
    %gather3A_397 = arith.constant 0 : i32
    %gather3A_398 = arith.constant 0 : i32
    %gather3A_399 = tpu.memref_slice %arg6[%gather3A_396, %gather3A_397, %gather3A_398] : memref<8x32x128xf32, #tpu.memory_space<vmem>> -> memref<1x32x128xf32, #tpu.memory_space<vmem>>
    %gather3A_400 = tpu.memref_squeeze %gather3A_399 : memref<1x32x128xf32, #tpu.memory_space<vmem>> -> memref<32x128xf32, #tpu.memory_space<vmem>>
    %gather3A_401 = tpu.vector_load_idx %gather3A_400[%add3A_395, %broadcast_in_dim3A_379] : memref<32x128xf32, #tpu.memory_space<vmem>>[vector<16xi32>, vector<16xi32>], vector<16xf32>,
    %swap3A_402 = arith.constant 505 : i32
    %swap3A_403 = arith.index_cast %swap3A_402 : i32 to index
    %swap3A_404 = arith.constant 16 : index
    %swap3A_405 = tpu.vector_load %arg7[%swap3A_403, %swap3A_404] {strides = array<i32>} : memref<512x128xf32, #tpu.memory_space<vmem>>, vector<16xf32>,
    tpu.vector_store %arg7[%swap3A_403, %swap3A_404], %gather3A_401 {strides = array<i32>} : memref<512x128xf32, #tpu.memory_space<vmem>>, vector<16xf32>,
    %dma_wait3A_406 = arith.constant 2 : i32
    %dma_wait3A_407 = arith.constant 0 : i32
    %dma_wait3A_408 = arith.constant 0 : i32
    %dma_wait3A_409 = tpu.memref_slice %arg6[%dma_wait3A_406, %dma_wait3A_407, %dma_wait3A_408] : memref<8x32x128xf32, #tpu.memory_space<vmem>> -> memref<1x32x128xf32, #tpu.memory_space<vmem>>
    %dma_wait3A_410 = tpu.memref_squeeze %dma_wait3A_409 : memref<1x32x128xf32, #tpu.memory_space<vmem>> -> memref<32x128xf32, #tpu.memory_space<vmem>>
    %dma_wait3A_411 = arith.constant 0 : i32
    %dma_wait3A_412 = arith.constant 0 : i32
    %dma_wait3A_413 = tpu.memref_slice %arg3[%dma_wait3A_411, %dma_wait3A_412] : memref<32x1000000xf32, #tpu.memory_space<hbm>> -> memref<32x128xf32, #tpu.memory_space<hbm>>
    %dma_wait3A_414 = arith.constant 0 : i32
    %dma_wait3A_415 = arith.constant 0 : i32
    %dma_wait3A_416 = tpu.memref_slice %arg6[%dma_wait3A_406, %dma_wait3A_414, %dma_wait3A_415] : memref<8x32x128xf32, #tpu.memory_space<vmem>> -> memref<1x32x128xf32, #tpu.memory_space<vmem>>
    %dma_wait3A_417 = tpu.memref_squeeze %dma_wait3A_416 : memref<1x32x128xf32, #tpu.memory_space<vmem>> -> memref<32x128xf32, #tpu.memory_space<vmem>>
    %dma_wait3A_418 = arith.constant 0 : i32
    %dma_wait3A_419 = arith.constant 0 : i32
    %dma_wait3A_420 = tpu.memref_slice %arg3[%dma_wait3A_418, %dma_wait3A_419] : memref<32x1000000xf32, #tpu.memory_space<hbm>> -> memref<32x128xf32, #tpu.memory_space<hbm>>
    tpu.wait_dma2 semaphore(%arg10 : memref<!tpu.dma_semaphore, #tpu.memory_space<semaphore_mem>>) src(%dma_wait3A_420 : memref<32x128xf32, #tpu.memory_space<hbm>>) dst(%dma_wait3A_417 : memref<32x128xf32, #tpu.memory_space<vmem>>)
    %get3A_421 = arith.constant 0 : i32
    %get3A_422 = arith.index_cast %get3A_421 : i32 to index
    %get3A_423 = arith.constant 496 : index
    %get3A_424 = tpu.vector_load %arg5[%get3A_422, %get3A_423] {strides = array<i32>} : memref<1x512xi32, #tpu.memory_space<vmem>>, vector<16xi32>,
    %eq3A_425 = arith.constant 10 : i32
    %eq3A_426 = vector.broadcast %eq3A_425 : i32 to vector<16xi32>
    %eq3A_427 = arith.cmpi eq, %iota3A, %eq3A_426 : vector<16xi32>
    %jit3A_428 = arith.constant 0 : i32
    %broadcast_in_dim3A_429 = vector.broadcast %jit3A_428 : i32 to vector<16xi32>
    %select_n3A_430 = arith.select %eq3A_427, %get3A_424, %broadcast_in_dim3A_429 : vector<16xi1>, vector<16xi32>
    %reduce_max3A_431 = arith.constant true
    %reduce_max3A_432 = vector.broadcast %reduce_max3A_431 : i1 to vector<16xi1>
    %reduce_max3A_433 = arith.constant -2147483648 : i32
    %reduce_max3A_434 = vector.broadcast %reduce_max3A_433 : i32 to vector<16xi32>
    %reduce_max3A_435 = arith.xori %select_n3A_430, %reduce_max3A_434 : vector<16xi32>
    %reduce_max3A_436 = tpu.scan <max>, %reduce_max3A_435 masked %reduce_max3A_432 : vector<16xi32>, vector<16xi1> -> vector<16xi32>
    %reduce_max3A_437 = arith.xori %reduce_max3A_436, %reduce_max3A_434 : vector<16xi32>
    %reduce_max3A_438 = vector.extract %reduce_max3A_437[15] : i32 from vector<16xi32>
    %and3A_439 = arith.constant 127 : i32
    %and3A_440 = arith.andi %reduce_max3A_438, %and3A_439 : i32
    %broadcast_in_dim3A_441 = vector.broadcast %and3A_440 : i32 to vector<16xi32>
    %add3A_442 = arith.constant 0 : i32
    %add3A_443 = vector.broadcast %add3A_442 : i32 to vector<16xi32>
    %add3A_444 = arith.addi %iota3A, %add3A_443 : vector<16xi32>
    %gather3A_445 = arith.constant 2 : i32
    %gather3A_446 = arith.constant 0 : i32
    %gather3A_447 = arith.constant 0 : i32
    %gather3A_448 = tpu.memref_slice %arg6[%gather3A_445, %gather3A_446, %gather3A_447] : memref<8x32x128xf32, #tpu.memory_space<vmem>> -> memref<1x32x128xf32, #tpu.memory_space<vmem>>
    %gather3A_449 = tpu.memref_squeeze %gather3A_448 : memref<1x32x128xf32, #tpu.memory_space<vmem>> -> memref<32x128xf32, #tpu.memory_space<vmem>>
    %gather3A_450 = tpu.vector_load_idx %gather3A_449[%add3A_444, %broadcast_in_dim3A_441] : memref<32x128xf32, #tpu.memory_space<vmem>>[vector<16xi32>, vector<16xi32>], vector<16xf32>,
    %swap3A_451 = arith.constant 506 : i32
    %swap3A_452 = arith.index_cast %swap3A_451 : i32 to index
    %swap3A_453 = arith.constant 0 : index
    %swap3A_454 = tpu.vector_load %arg7[%swap3A_452, %swap3A_453] {strides = array<i32>} : memref<512x128xf32, #tpu.memory_space<vmem>>, vector<16xf32>,
    tpu.vector_store %arg7[%swap3A_452, %swap3A_453], %gather3A_450 {strides = array<i32>} : memref<512x128xf32, #tpu.memory_space<vmem>>, vector<16xf32>,
    %add3A_455 = arith.constant 16 : i32
    %add3A_456 = vector.broadcast %add3A_455 : i32 to vector<16xi32>
    %add3A_457 = arith.addi %iota3A, %add3A_456 : vector<16xi32>
    %gather3A_458 = arith.constant 2 : i32
    %gather3A_459 = arith.constant 0 : i32
    %gather3A_460 = arith.constant 0 : i32
    %gather3A_461 = tpu.memref_slice %arg6[%gather3A_458, %gather3A_459, %gather3A_460] : memref<8x32x128xf32, #tpu.memory_space<vmem>> -> memref<1x32x128xf32, #tpu.memory_space<vmem>>
    %gather3A_462 = tpu.memref_squeeze %gather3A_461 : memref<1x32x128xf32, #tpu.memory_space<vmem>> -> memref<32x128xf32, #tpu.memory_space<vmem>>
    %gather3A_463 = tpu.vector_load_idx %gather3A_462[%add3A_457, %broadcast_in_dim3A_441] : memref<32x128xf32, #tpu.memory_space<vmem>>[vector<16xi32>, vector<16xi32>], vector<16xf32>,
    %swap3A_464 = arith.constant 506 : i32
    %swap3A_465 = arith.index_cast %swap3A_464 : i32 to index
    %swap3A_466 = arith.constant 16 : index
    %swap3A_467 = tpu.vector_load %arg7[%swap3A_465, %swap3A_466] {strides = array<i32>} : memref<512x128xf32, #tpu.memory_space<vmem>>, vector<16xf32>,
    tpu.vector_store %arg7[%swap3A_465, %swap3A_466], %gather3A_463 {strides = array<i32>} : memref<512x128xf32, #tpu.memory_space<vmem>>, vector<16xf32>,
    %dma_wait3A_468 = arith.constant 3 : i32
    %dma_wait3A_469 = arith.constant 0 : i32
    %dma_wait3A_470 = arith.constant 0 : i32
    %dma_wait3A_471 = tpu.memref_slice %arg6[%dma_wait3A_468, %dma_wait3A_469, %dma_wait3A_470] : memref<8x32x128xf32, #tpu.memory_space<vmem>> -> memref<1x32x128xf32, #tpu.memory_space<vmem>>
    %dma_wait3A_472 = tpu.memref_squeeze %dma_wait3A_471 : memref<1x32x128xf32, #tpu.memory_space<vmem>> -> memref<32x128xf32, #tpu.memory_space<vmem>>
    %dma_wait3A_473 = arith.constant 0 : i32
    %dma_wait3A_474 = arith.constant 0 : i32
    %dma_wait3A_475 = tpu.memref_slice %arg3[%dma_wait3A_473, %dma_wait3A_474] : memref<32x1000000xf32, #tpu.memory_space<hbm>> -> memref<32x128xf32, #tpu.memory_space<hbm>>
    %dma_wait3A_476 = arith.constant 0 : i32
    %dma_wait3A_477 = arith.constant 0 : i32
    %dma_wait3A_478 = tpu.memref_slice %arg6[%dma_wait3A_468, %dma_wait3A_476, %dma_wait3A_477] : memref<8x32x128xf32, #tpu.memory_space<vmem>> -> memref<1x32x128xf32, #tpu.memory_space<vmem>>
    %dma_wait3A_479 = tpu.memref_squeeze %dma_wait3A_478 : memref<1x32x128xf32, #tpu.memory_space<vmem>> -> memref<32x128xf32, #tpu.memory_space<vmem>>
    %dma_wait3A_480 = arith.constant 0 : i32
    %dma_wait3A_481 = arith.constant 0 : i32
    %dma_wait3A_482 = tpu.memref_slice %arg3[%dma_wait3A_480, %dma_wait3A_481] : memref<32x1000000xf32, #tpu.memory_space<hbm>> -> memref<32x128xf32, #tpu.memory_space<hbm>>
    tpu.wait_dma2 semaphore(%arg11 : memref<!tpu.dma_semaphore, #tpu.memory_space<semaphore_mem>>) src(%dma_wait3A_482 : memref<32x128xf32, #tpu.memory_space<hbm>>) dst(%dma_wait3A_479 : memref<32x128xf32, #tpu.memory_space<vmem>>)
    %get3A_483 = arith.constant 0 : i32
    %get3A_484 = arith.index_cast %get3A_483 : i32 to index
    %get3A_485 = arith.constant 496 : index
    %get3A_486 = tpu.vector_load %arg5[%get3A_484, %get3A_485] {strides = array<i32>} : memref<1x512xi32, #tpu.memory_space<vmem>>, vector<16xi32>,
    %eq3A_487 = arith.constant 11 : i32
    %eq3A_488 = vector.broadcast %eq3A_487 : i32 to vector<16xi32>
    %eq3A_489 = arith.cmpi eq, %iota3A, %eq3A_488 : vector<16xi32>
    %jit3A_490 = arith.constant 0 : i32
    %broadcast_in_dim3A_491 = vector.broadcast %jit3A_490 : i32 to vector<16xi32>
    %select_n3A_492 = arith.select %eq3A_489, %get3A_486, %broadcast_in_dim3A_491 : vector<16xi1>, vector<16xi32>
    %reduce_max3A_493 = arith.constant true
    %reduce_max3A_494 = vector.broadcast %reduce_max3A_493 : i1 to vector<16xi1>
    %reduce_max3A_495 = arith.constant -2147483648 : i32
    %reduce_max3A_496 = vector.broadcast %reduce_max3A_495 : i32 to vector<16xi32>
    %reduce_max3A_497 = arith.xori %select_n3A_492, %reduce_max3A_496 : vector<16xi32>
    %reduce_max3A_498 = tpu.scan <max>, %reduce_max3A_497 masked %reduce_max3A_494 : vector<16xi32>, vector<16xi1> -> vector<16xi32>
    %reduce_max3A_499 = arith.xori %reduce_max3A_498, %reduce_max3A_496 : vector<16xi32>
    %reduce_max3A_500 = vector.extract %reduce_max3A_499[15] : i32 from vector<16xi32>
    %and3A_501 = arith.constant 127 : i32
    %and3A_502 = arith.andi %reduce_max3A_500, %and3A_501 : i32
    %broadcast_in_dim3A_503 = vector.broadcast %and3A_502 : i32 to vector<16xi32>
    %add3A_504 = arith.constant 0 : i32
    %add3A_505 = vector.broadcast %add3A_504 : i32 to vector<16xi32>
    %add3A_506 = arith.addi %iota3A, %add3A_505 : vector<16xi32>
    %gather3A_507 = arith.constant 3 : i32
    %gather3A_508 = arith.constant 0 : i32
    %gather3A_509 = arith.constant 0 : i32
    %gather3A_510 = tpu.memref_slice %arg6[%gather3A_507, %gather3A_508, %gather3A_509] : memref<8x32x128xf32, #tpu.memory_space<vmem>> -> memref<1x32x128xf32, #tpu.memory_space<vmem>>
    %gather3A_511 = tpu.memref_squeeze %gather3A_510 : memref<1x32x128xf32, #tpu.memory_space<vmem>> -> memref<32x128xf32, #tpu.memory_space<vmem>>
    %gather3A_512 = tpu.vector_load_idx %gather3A_511[%add3A_506, %broadcast_in_dim3A_503] : memref<32x128xf32, #tpu.memory_space<vmem>>[vector<16xi32>, vector<16xi32>], vector<16xf32>,
    %swap3A_513 = arith.constant 507 : i32
    %swap3A_514 = arith.index_cast %swap3A_513 : i32 to index
    %swap3A_515 = arith.constant 0 : index
    %swap3A_516 = tpu.vector_load %arg7[%swap3A_514, %swap3A_515] {strides = array<i32>} : memref<512x128xf32, #tpu.memory_space<vmem>>, vector<16xf32>,
    tpu.vector_store %arg7[%swap3A_514, %swap3A_515], %gather3A_512 {strides = array<i32>} : memref<512x128xf32, #tpu.memory_space<vmem>>, vector<16xf32>,
    %add3A_517 = arith.constant 16 : i32
    %add3A_518 = vector.broadcast %add3A_517 : i32 to vector<16xi32>
    %add3A_519 = arith.addi %iota3A, %add3A_518 : vector<16xi32>
    %gather3A_520 = arith.constant 3 : i32
    %gather3A_521 = arith.constant 0 : i32
    %gather3A_522 = arith.constant 0 : i32
    %gather3A_523 = tpu.memref_slice %arg6[%gather3A_520, %gather3A_521, %gather3A_522] : memref<8x32x128xf32, #tpu.memory_space<vmem>> -> memref<1x32x128xf32, #tpu.memory_space<vmem>>
    %gather3A_524 = tpu.memref_squeeze %gather3A_523 : memref<1x32x128xf32, #tpu.memory_space<vmem>> -> memref<32x128xf32, #tpu.memory_space<vmem>>
    %gather3A_525 = tpu.vector_load_idx %gather3A_524[%add3A_519, %broadcast_in_dim3A_503] : memref<32x128xf32, #tpu.memory_space<vmem>>[vector<16xi32>, vector<16xi32>], vector<16xf32>,
    %swap3A_526 = arith.constant 507 : i32
    %swap3A_527 = arith.index_cast %swap3A_526 : i32 to index
    %swap3A_528 = arith.constant 16 : index
    %swap3A_529 = tpu.vector_load %arg7[%swap3A_527, %swap3A_528] {strides = array<i32>} : memref<512x128xf32, #tpu.memory_space<vmem>>, vector<16xf32>,
    tpu.vector_store %arg7[%swap3A_527, %swap3A_528], %gather3A_525 {strides = array<i32>} : memref<512x128xf32, #tpu.memory_space<vmem>>, vector<16xf32>,
    %dma_wait3A_530 = arith.constant 4 : i32
    %dma_wait3A_531 = arith.constant 0 : i32
    %dma_wait3A_532 = arith.constant 0 : i32
    %dma_wait3A_533 = tpu.memref_slice %arg6[%dma_wait3A_530, %dma_wait3A_531, %dma_wait3A_532] : memref<8x32x128xf32, #tpu.memory_space<vmem>> -> memref<1x32x128xf32, #tpu.memory_space<vmem>>
    %dma_wait3A_534 = tpu.memref_squeeze %dma_wait3A_533 : memref<1x32x128xf32, #tpu.memory_space<vmem>> -> memref<32x128xf32, #tpu.memory_space<vmem>>
    %dma_wait3A_535 = arith.constant 0 : i32
    %dma_wait3A_536 = arith.constant 0 : i32
    %dma_wait3A_537 = tpu.memref_slice %arg3[%dma_wait3A_535, %dma_wait3A_536] : memref<32x1000000xf32, #tpu.memory_space<hbm>> -> memref<32x128xf32, #tpu.memory_space<hbm>>
    %dma_wait3A_538 = arith.constant 0 : i32
    %dma_wait3A_539 = arith.constant 0 : i32
    %dma_wait3A_540 = tpu.memref_slice %arg6[%dma_wait3A_530, %dma_wait3A_538, %dma_wait3A_539] : memref<8x32x128xf32, #tpu.memory_space<vmem>> -> memref<1x32x128xf32, #tpu.memory_space<vmem>>
    %dma_wait3A_541 = tpu.memref_squeeze %dma_wait3A_540 : memref<1x32x128xf32, #tpu.memory_space<vmem>> -> memref<32x128xf32, #tpu.memory_space<vmem>>
    %dma_wait3A_542 = arith.constant 0 : i32
    %dma_wait3A_543 = arith.constant 0 : i32
    %dma_wait3A_544 = tpu.memref_slice %arg3[%dma_wait3A_542, %dma_wait3A_543] : memref<32x1000000xf32, #tpu.memory_space<hbm>> -> memref<32x128xf32, #tpu.memory_space<hbm>>
    tpu.wait_dma2 semaphore(%arg12 : memref<!tpu.dma_semaphore, #tpu.memory_space<semaphore_mem>>) src(%dma_wait3A_544 : memref<32x128xf32, #tpu.memory_space<hbm>>) dst(%dma_wait3A_541 : memref<32x128xf32, #tpu.memory_space<vmem>>)
    %get3A_545 = arith.constant 0 : i32
    %get3A_546 = arith.index_cast %get3A_545 : i32 to index
    %get3A_547 = arith.constant 496 : index
    %get3A_548 = tpu.vector_load %arg5[%get3A_546, %get3A_547] {strides = array<i32>} : memref<1x512xi32, #tpu.memory_space<vmem>>, vector<16xi32>,
    %eq3A_549 = arith.constant 12 : i32
    %eq3A_550 = vector.broadcast %eq3A_549 : i32 to vector<16xi32>
    %eq3A_551 = arith.cmpi eq, %iota3A, %eq3A_550 : vector<16xi32>
    %jit3A_552 = arith.constant 0 : i32
    %broadcast_in_dim3A_553 = vector.broadcast %jit3A_552 : i32 to vector<16xi32>
    %select_n3A_554 = arith.select %eq3A_551, %get3A_548, %broadcast_in_dim3A_553 : vector<16xi1>, vector<16xi32>
    %reduce_max3A_555 = arith.constant true
    %reduce_max3A_556 = vector.broadcast %reduce_max3A_555 : i1 to vector<16xi1>
    %reduce_max3A_557 = arith.constant -2147483648 : i32
    %reduce_max3A_558 = vector.broadcast %reduce_max3A_557 : i32 to vector<16xi32>
    %reduce_max3A_559 = arith.xori %select_n3A_554, %reduce_max3A_558 : vector<16xi32>
    %reduce_max3A_560 = tpu.scan <max>, %reduce_max3A_559 masked %reduce_max3A_556 : vector<16xi32>, vector<16xi1> -> vector<16xi32>
    %reduce_max3A_561 = arith.xori %reduce_max3A_560, %reduce_max3A_558 : vector<16xi32>
    %reduce_max3A_562 = vector.extract %reduce_max3A_561[15] : i32 from vector<16xi32>
    %and3A_563 = arith.constant 127 : i32
    %and3A_564 = arith.andi %reduce_max3A_562, %and3A_563 : i32
    %broadcast_in_dim3A_565 = vector.broadcast %and3A_564 : i32 to vector<16xi32>
    %add3A_566 = arith.constant 0 : i32
    %add3A_567 = vector.broadcast %add3A_566 : i32 to vector<16xi32>
    %add3A_568 = arith.addi %iota3A, %add3A_567 : vector<16xi32>
    %gather3A_569 = arith.constant 4 : i32
    %gather3A_570 = arith.constant 0 : i32
    %gather3A_571 = arith.constant 0 : i32
    %gather3A_572 = tpu.memref_slice %arg6[%gather3A_569, %gather3A_570, %gather3A_571] : memref<8x32x128xf32, #tpu.memory_space<vmem>> -> memref<1x32x128xf32, #tpu.memory_space<vmem>>
    %gather3A_573 = tpu.memref_squeeze %gather3A_572 : memref<1x32x128xf32, #tpu.memory_space<vmem>> -> memref<32x128xf32, #tpu.memory_space<vmem>>
    %gather3A_574 = tpu.vector_load_idx %gather3A_573[%add3A_568, %broadcast_in_dim3A_565] : memref<32x128xf32, #tpu.memory_space<vmem>>[vector<16xi32>, vector<16xi32>], vector<16xf32>,
    %swap3A_575 = arith.constant 508 : i32
    %swap3A_576 = arith.index_cast %swap3A_575 : i32 to index
    %swap3A_577 = arith.constant 0 : index
    %swap3A_578 = tpu.vector_load %arg7[%swap3A_576, %swap3A_577] {strides = array<i32>} : memref<512x128xf32, #tpu.memory_space<vmem>>, vector<16xf32>,
    tpu.vector_store %arg7[%swap3A_576, %swap3A_577], %gather3A_574 {strides = array<i32>} : memref<512x128xf32, #tpu.memory_space<vmem>>, vector<16xf32>,
    %add3A_579 = arith.constant 16 : i32
    %add3A_580 = vector.broadcast %add3A_579 : i32 to vector<16xi32>
    %add3A_581 = arith.addi %iota3A, %add3A_580 : vector<16xi32>
    %gather3A_582 = arith.constant 4 : i32
    %gather3A_583 = arith.constant 0 : i32
    %gather3A_584 = arith.constant 0 : i32
    %gather3A_585 = tpu.memref_slice %arg6[%gather3A_582, %gather3A_583, %gather3A_584] : memref<8x32x128xf32, #tpu.memory_space<vmem>> -> memref<1x32x128xf32, #tpu.memory_space<vmem>>
    %gather3A_586 = tpu.memref_squeeze %gather3A_585 : memref<1x32x128xf32, #tpu.memory_space<vmem>> -> memref<32x128xf32, #tpu.memory_space<vmem>>
    %gather3A_587 = tpu.vector_load_idx %gather3A_586[%add3A_581, %broadcast_in_dim3A_565] : memref<32x128xf32, #tpu.memory_space<vmem>>[vector<16xi32>, vector<16xi32>], vector<16xf32>,
    %swap3A_588 = arith.constant 508 : i32
    %swap3A_589 = arith.index_cast %swap3A_588 : i32 to index
    %swap3A_590 = arith.constant 16 : index
    %swap3A_591 = tpu.vector_load %arg7[%swap3A_589, %swap3A_590] {strides = array<i32>} : memref<512x128xf32, #tpu.memory_space<vmem>>, vector<16xf32>,
    tpu.vector_store %arg7[%swap3A_589, %swap3A_590], %gather3A_587 {strides = array<i32>} : memref<512x128xf32, #tpu.memory_space<vmem>>, vector<16xf32>,
    %dma_wait3A_592 = arith.constant 5 : i32
    %dma_wait3A_593 = arith.constant 0 : i32
    %dma_wait3A_594 = arith.constant 0 : i32
    %dma_wait3A_595 = tpu.memref_slice %arg6[%dma_wait3A_592, %dma_wait3A_593, %dma_wait3A_594] : memref<8x32x128xf32, #tpu.memory_space<vmem>> -> memref<1x32x128xf32, #tpu.memory_space<vmem>>
    %dma_wait3A_596 = tpu.memref_squeeze %dma_wait3A_595 : memref<1x32x128xf32, #tpu.memory_space<vmem>> -> memref<32x128xf32, #tpu.memory_space<vmem>>
    %dma_wait3A_597 = arith.constant 0 : i32
    %dma_wait3A_598 = arith.constant 0 : i32
    %dma_wait3A_599 = tpu.memref_slice %arg3[%dma_wait3A_597, %dma_wait3A_598] : memref<32x1000000xf32, #tpu.memory_space<hbm>> -> memref<32x128xf32, #tpu.memory_space<hbm>>
    %dma_wait3A_600 = arith.constant 0 : i32
    %dma_wait3A_601 = arith.constant 0 : i32
    %dma_wait3A_602 = tpu.memref_slice %arg6[%dma_wait3A_592, %dma_wait3A_600, %dma_wait3A_601] : memref<8x32x128xf32, #tpu.memory_space<vmem>> -> memref<1x32x128xf32, #tpu.memory_space<vmem>>
    %dma_wait3A_603 = tpu.memref_squeeze %dma_wait3A_602 : memref<1x32x128xf32, #tpu.memory_space<vmem>> -> memref<32x128xf32, #tpu.memory_space<vmem>>
    %dma_wait3A_604 = arith.constant 0 : i32
    %dma_wait3A_605 = arith.constant 0 : i32
    %dma_wait3A_606 = tpu.memref_slice %arg3[%dma_wait3A_604, %dma_wait3A_605] : memref<32x1000000xf32, #tpu.memory_space<hbm>> -> memref<32x128xf32, #tpu.memory_space<hbm>>
    tpu.wait_dma2 semaphore(%arg13 : memref<!tpu.dma_semaphore, #tpu.memory_space<semaphore_mem>>) src(%dma_wait3A_606 : memref<32x128xf32, #tpu.memory_space<hbm>>) dst(%dma_wait3A_603 : memref<32x128xf32, #tpu.memory_space<vmem>>)
    %get3A_607 = arith.constant 0 : i32
    %get3A_608 = arith.index_cast %get3A_607 : i32 to index
    %get3A_609 = arith.constant 496 : index
    %get3A_610 = tpu.vector_load %arg5[%get3A_608, %get3A_609] {strides = array<i32>} : memref<1x512xi32, #tpu.memory_space<vmem>>, vector<16xi32>,
    %eq3A_611 = arith.constant 13 : i32
    %eq3A_612 = vector.broadcast %eq3A_611 : i32 to vector<16xi32>
    %eq3A_613 = arith.cmpi eq, %iota3A, %eq3A_612 : vector<16xi32>
    %jit3A_614 = arith.constant 0 : i32
    %broadcast_in_dim3A_615 = vector.broadcast %jit3A_614 : i32 to vector<16xi32>
    %select_n3A_616 = arith.select %eq3A_613, %get3A_610, %broadcast_in_dim3A_615 : vector<16xi1>, vector<16xi32>
    %reduce_max3A_617 = arith.constant true
    %reduce_max3A_618 = vector.broadcast %reduce_max3A_617 : i1 to vector<16xi1>
    %reduce_max3A_619 = arith.constant -2147483648 : i32
    %reduce_max3A_620 = vector.broadcast %reduce_max3A_619 : i32 to vector<16xi32>
    %reduce_max3A_621 = arith.xori %select_n3A_616, %reduce_max3A_620 : vector<16xi32>
    %reduce_max3A_622 = tpu.scan <max>, %reduce_max3A_621 masked %reduce_max3A_618 : vector<16xi32>, vector<16xi1> -> vector<16xi32>
    %reduce_max3A_623 = arith.xori %reduce_max3A_622, %reduce_max3A_620 : vector<16xi32>
    %reduce_max3A_624 = vector.extract %reduce_max3A_623[15] : i32 from vector<16xi32>
    %and3A_625 = arith.constant 127 : i32
    %and3A_626 = arith.andi %reduce_max3A_624, %and3A_625 : i32
    %broadcast_in_dim3A_627 = vector.broadcast %and3A_626 : i32 to vector<16xi32>
    %add3A_628 = arith.constant 0 : i32
    %add3A_629 = vector.broadcast %add3A_628 : i32 to vector<16xi32>
    %add3A_630 = arith.addi %iota3A, %add3A_629 : vector<16xi32>
    %gather3A_631 = arith.constant 5 : i32
    %gather3A_632 = arith.constant 0 : i32
    %gather3A_633 = arith.constant 0 : i32
    %gather3A_634 = tpu.memref_slice %arg6[%gather3A_631, %gather3A_632, %gather3A_633] : memref<8x32x128xf32, #tpu.memory_space<vmem>> -> memref<1x32x128xf32, #tpu.memory_space<vmem>>
    %gather3A_635 = tpu.memref_squeeze %gather3A_634 : memref<1x32x128xf32, #tpu.memory_space<vmem>> -> memref<32x128xf32, #tpu.memory_space<vmem>>
    %gather3A_636 = tpu.vector_load_idx %gather3A_635[%add3A_630, %broadcast_in_dim3A_627] : memref<32x128xf32, #tpu.memory_space<vmem>>[vector<16xi32>, vector<16xi32>], vector<16xf32>,
    %swap3A_637 = arith.constant 509 : i32
    %swap3A_638 = arith.index_cast %swap3A_637 : i32 to index
    %swap3A_639 = arith.constant 0 : index
    %swap3A_640 = tpu.vector_load %arg7[%swap3A_638, %swap3A_639] {strides = array<i32>} : memref<512x128xf32, #tpu.memory_space<vmem>>, vector<16xf32>,
    tpu.vector_store %arg7[%swap3A_638, %swap3A_639], %gather3A_636 {strides = array<i32>} : memref<512x128xf32, #tpu.memory_space<vmem>>, vector<16xf32>,
    %add3A_641 = arith.constant 16 : i32
    %add3A_642 = vector.broadcast %add3A_641 : i32 to vector<16xi32>
    %add3A_643 = arith.addi %iota3A, %add3A_642 : vector<16xi32>
    %gather3A_644 = arith.constant 5 : i32
    %gather3A_645 = arith.constant 0 : i32
    %gather3A_646 = arith.constant 0 : i32
    %gather3A_647 = tpu.memref_slice %arg6[%gather3A_644, %gather3A_645, %gather3A_646] : memref<8x32x128xf32, #tpu.memory_space<vmem>> -> memref<1x32x128xf32, #tpu.memory_space<vmem>>
    %gather3A_648 = tpu.memref_squeeze %gather3A_647 : memref<1x32x128xf32, #tpu.memory_space<vmem>> -> memref<32x128xf32, #tpu.memory_space<vmem>>
    %gather3A_649 = tpu.vector_load_idx %gather3A_648[%add3A_643, %broadcast_in_dim3A_627] : memref<32x128xf32, #tpu.memory_space<vmem>>[vector<16xi32>, vector<16xi32>], vector<16xf32>,
    %swap3A_650 = arith.constant 509 : i32
    %swap3A_651 = arith.index_cast %swap3A_650 : i32 to index
    %swap3A_652 = arith.constant 16 : index
    %swap3A_653 = tpu.vector_load %arg7[%swap3A_651, %swap3A_652] {strides = array<i32>} : memref<512x128xf32, #tpu.memory_space<vmem>>, vector<16xf32>,
    tpu.vector_store %arg7[%swap3A_651, %swap3A_652], %gather3A_649 {strides = array<i32>} : memref<512x128xf32, #tpu.memory_space<vmem>>, vector<16xf32>,
    %dma_wait3A_654 = arith.constant 6 : i32
    %dma_wait3A_655 = arith.constant 0 : i32
    %dma_wait3A_656 = arith.constant 0 : i32
    %dma_wait3A_657 = tpu.memref_slice %arg6[%dma_wait3A_654, %dma_wait3A_655, %dma_wait3A_656] : memref<8x32x128xf32, #tpu.memory_space<vmem>> -> memref<1x32x128xf32, #tpu.memory_space<vmem>>
    %dma_wait3A_658 = tpu.memref_squeeze %dma_wait3A_657 : memref<1x32x128xf32, #tpu.memory_space<vmem>> -> memref<32x128xf32, #tpu.memory_space<vmem>>
    %dma_wait3A_659 = arith.constant 0 : i32
    %dma_wait3A_660 = arith.constant 0 : i32
    %dma_wait3A_661 = tpu.memref_slice %arg3[%dma_wait3A_659, %dma_wait3A_660] : memref<32x1000000xf32, #tpu.memory_space<hbm>> -> memref<32x128xf32, #tpu.memory_space<hbm>>
    %dma_wait3A_662 = arith.constant 0 : i32
    %dma_wait3A_663 = arith.constant 0 : i32
    %dma_wait3A_664 = tpu.memref_slice %arg6[%dma_wait3A_654, %dma_wait3A_662, %dma_wait3A_663] : memref<8x32x128xf32, #tpu.memory_space<vmem>> -> memref<1x32x128xf32, #tpu.memory_space<vmem>>
    %dma_wait3A_665 = tpu.memref_squeeze %dma_wait3A_664 : memref<1x32x128xf32, #tpu.memory_space<vmem>> -> memref<32x128xf32, #tpu.memory_space<vmem>>
    %dma_wait3A_666 = arith.constant 0 : i32
    %dma_wait3A_667 = arith.constant 0 : i32
    %dma_wait3A_668 = tpu.memref_slice %arg3[%dma_wait3A_666, %dma_wait3A_667] : memref<32x1000000xf32, #tpu.memory_space<hbm>> -> memref<32x128xf32, #tpu.memory_space<hbm>>
    tpu.wait_dma2 semaphore(%arg14 : memref<!tpu.dma_semaphore, #tpu.memory_space<semaphore_mem>>) src(%dma_wait3A_668 : memref<32x128xf32, #tpu.memory_space<hbm>>) dst(%dma_wait3A_665 : memref<32x128xf32, #tpu.memory_space<vmem>>)
    %get3A_669 = arith.constant 0 : i32
    %get3A_670 = arith.index_cast %get3A_669 : i32 to index
    %get3A_671 = arith.constant 496 : index
    %get3A_672 = tpu.vector_load %arg5[%get3A_670, %get3A_671] {strides = array<i32>} : memref<1x512xi32, #tpu.memory_space<vmem>>, vector<16xi32>,
    %eq3A_673 = arith.constant 14 : i32
    %eq3A_674 = vector.broadcast %eq3A_673 : i32 to vector<16xi32>
    %eq3A_675 = arith.cmpi eq, %iota3A, %eq3A_674 : vector<16xi32>
    %jit3A_676 = arith.constant 0 : i32
    %broadcast_in_dim3A_677 = vector.broadcast %jit3A_676 : i32 to vector<16xi32>
    %select_n3A_678 = arith.select %eq3A_675, %get3A_672, %broadcast_in_dim3A_677 : vector<16xi1>, vector<16xi32>
    %reduce_max3A_679 = arith.constant true
    %reduce_max3A_680 = vector.broadcast %reduce_max3A_679 : i1 to vector<16xi1>
    %reduce_max3A_681 = arith.constant -2147483648 : i32
    %reduce_max3A_682 = vector.broadcast %reduce_max3A_681 : i32 to vector<16xi32>
    %reduce_max3A_683 = arith.xori %select_n3A_678, %reduce_max3A_682 : vector<16xi32>
    %reduce_max3A_684 = tpu.scan <max>, %reduce_max3A_683 masked %reduce_max3A_680 : vector<16xi32>, vector<16xi1> -> vector<16xi32>
    %reduce_max3A_685 = arith.xori %reduce_max3A_684, %reduce_max3A_682 : vector<16xi32>
    %reduce_max3A_686 = vector.extract %reduce_max3A_685[15] : i32 from vector<16xi32>
    %and3A_687 = arith.constant 127 : i32
    %and3A_688 = arith.andi %reduce_max3A_686, %and3A_687 : i32
    %broadcast_in_dim3A_689 = vector.broadcast %and3A_688 : i32 to vector<16xi32>
    %add3A_690 = arith.constant 0 : i32
    %add3A_691 = vector.broadcast %add3A_690 : i32 to vector<16xi32>
    %add3A_692 = arith.addi %iota3A, %add3A_691 : vector<16xi32>
    %gather3A_693 = arith.constant 6 : i32
    %gather3A_694 = arith.constant 0 : i32
    %gather3A_695 = arith.constant 0 : i32
    %gather3A_696 = tpu.memref_slice %arg6[%gather3A_693, %gather3A_694, %gather3A_695] : memref<8x32x128xf32, #tpu.memory_space<vmem>> -> memref<1x32x128xf32, #tpu.memory_space<vmem>>
    %gather3A_697 = tpu.memref_squeeze %gather3A_696 : memref<1x32x128xf32, #tpu.memory_space<vmem>> -> memref<32x128xf32, #tpu.memory_space<vmem>>
    %gather3A_698 = tpu.vector_load_idx %gather3A_697[%add3A_692, %broadcast_in_dim3A_689] : memref<32x128xf32, #tpu.memory_space<vmem>>[vector<16xi32>, vector<16xi32>], vector<16xf32>,
    %swap3A_699 = arith.constant 510 : i32
    %swap3A_700 = arith.index_cast %swap3A_699 : i32 to index
    %swap3A_701 = arith.constant 0 : index
    %swap3A_702 = tpu.vector_load %arg7[%swap3A_700, %swap3A_701] {strides = array<i32>} : memref<512x128xf32, #tpu.memory_space<vmem>>, vector<16xf32>,
    tpu.vector_store %arg7[%swap3A_700, %swap3A_701], %gather3A_698 {strides = array<i32>} : memref<512x128xf32, #tpu.memory_space<vmem>>, vector<16xf32>,
    %add3A_703 = arith.constant 16 : i32
    %add3A_704 = vector.broadcast %add3A_703 : i32 to vector<16xi32>
    %add3A_705 = arith.addi %iota3A, %add3A_704 : vector<16xi32>
    %gather3A_706 = arith.constant 6 : i32
    %gather3A_707 = arith.constant 0 : i32
    %gather3A_708 = arith.constant 0 : i32
    %gather3A_709 = tpu.memref_slice %arg6[%gather3A_706, %gather3A_707, %gather3A_708] : memref<8x32x128xf32, #tpu.memory_space<vmem>> -> memref<1x32x128xf32, #tpu.memory_space<vmem>>
    %gather3A_710 = tpu.memref_squeeze %gather3A_709 : memref<1x32x128xf32, #tpu.memory_space<vmem>> -> memref<32x128xf32, #tpu.memory_space<vmem>>
    %gather3A_711 = tpu.vector_load_idx %gather3A_710[%add3A_705, %broadcast_in_dim3A_689] : memref<32x128xf32, #tpu.memory_space<vmem>>[vector<16xi32>, vector<16xi32>], vector<16xf32>,
    %swap3A_712 = arith.constant 510 : i32
    %swap3A_713 = arith.index_cast %swap3A_712 : i32 to index
    %swap3A_714 = arith.constant 16 : index
    %swap3A_715 = tpu.vector_load %arg7[%swap3A_713, %swap3A_714] {strides = array<i32>} : memref<512x128xf32, #tpu.memory_space<vmem>>, vector<16xf32>,
    tpu.vector_store %arg7[%swap3A_713, %swap3A_714], %gather3A_711 {strides = array<i32>} : memref<512x128xf32, #tpu.memory_space<vmem>>, vector<16xf32>,
    %dma_wait3A_716 = arith.constant 7 : i32
    %dma_wait3A_717 = arith.constant 0 : i32
    %dma_wait3A_718 = arith.constant 0 : i32
    %dma_wait3A_719 = tpu.memref_slice %arg6[%dma_wait3A_716, %dma_wait3A_717, %dma_wait3A_718] : memref<8x32x128xf32, #tpu.memory_space<vmem>> -> memref<1x32x128xf32, #tpu.memory_space<vmem>>
    %dma_wait3A_720 = tpu.memref_squeeze %dma_wait3A_719 : memref<1x32x128xf32, #tpu.memory_space<vmem>> -> memref<32x128xf32, #tpu.memory_space<vmem>>
    %dma_wait3A_721 = arith.constant 0 : i32
    %dma_wait3A_722 = arith.constant 0 : i32
    %dma_wait3A_723 = tpu.memref_slice %arg3[%dma_wait3A_721, %dma_wait3A_722] : memref<32x1000000xf32, #tpu.memory_space<hbm>> -> memref<32x128xf32, #tpu.memory_space<hbm>>
    %dma_wait3A_724 = arith.constant 0 : i32
    %dma_wait3A_725 = arith.constant 0 : i32
    %dma_wait3A_726 = tpu.memref_slice %arg6[%dma_wait3A_716, %dma_wait3A_724, %dma_wait3A_725] : memref<8x32x128xf32, #tpu.memory_space<vmem>> -> memref<1x32x128xf32, #tpu.memory_space<vmem>>
    %dma_wait3A_727 = tpu.memref_squeeze %dma_wait3A_726 : memref<1x32x128xf32, #tpu.memory_space<vmem>> -> memref<32x128xf32, #tpu.memory_space<vmem>>
    %dma_wait3A_728 = arith.constant 0 : i32
    %dma_wait3A_729 = arith.constant 0 : i32
    %dma_wait3A_730 = tpu.memref_slice %arg3[%dma_wait3A_728, %dma_wait3A_729] : memref<32x1000000xf32, #tpu.memory_space<hbm>> -> memref<32x128xf32, #tpu.memory_space<hbm>>
    tpu.wait_dma2 semaphore(%arg15 : memref<!tpu.dma_semaphore, #tpu.memory_space<semaphore_mem>>) src(%dma_wait3A_730 : memref<32x128xf32, #tpu.memory_space<hbm>>) dst(%dma_wait3A_727 : memref<32x128xf32, #tpu.memory_space<vmem>>)
    %get3A_731 = arith.constant 0 : i32
    %get3A_732 = arith.index_cast %get3A_731 : i32 to index
    %get3A_733 = arith.constant 496 : index
    %get3A_734 = tpu.vector_load %arg5[%get3A_732, %get3A_733] {strides = array<i32>} : memref<1x512xi32, #tpu.memory_space<vmem>>, vector<16xi32>,
    %eq3A_735 = arith.constant 15 : i32
    %eq3A_736 = vector.broadcast %eq3A_735 : i32 to vector<16xi32>
    %eq3A_737 = arith.cmpi eq, %iota3A, %eq3A_736 : vector<16xi32>
    %jit3A_738 = arith.constant 0 : i32
    %broadcast_in_dim3A_739 = vector.broadcast %jit3A_738 : i32 to vector<16xi32>
    %select_n3A_740 = arith.select %eq3A_737, %get3A_734, %broadcast_in_dim3A_739 : vector<16xi1>, vector<16xi32>
    %reduce_max3A_741 = arith.constant true
    %reduce_max3A_742 = vector.broadcast %reduce_max3A_741 : i1 to vector<16xi1>
    %reduce_max3A_743 = arith.constant -2147483648 : i32
    %reduce_max3A_744 = vector.broadcast %reduce_max3A_743 : i32 to vector<16xi32>
    %reduce_max3A_745 = arith.xori %select_n3A_740, %reduce_max3A_744 : vector<16xi32>
    %reduce_max3A_746 = tpu.scan <max>, %reduce_max3A_745 masked %reduce_max3A_742 : vector<16xi32>, vector<16xi1> -> vector<16xi32>
    %reduce_max3A_747 = arith.xori %reduce_max3A_746, %reduce_max3A_744 : vector<16xi32>
    %reduce_max3A_748 = vector.extract %reduce_max3A_747[15] : i32 from vector<16xi32>
    %and3A_749 = arith.constant 127 : i32
    %and3A_750 = arith.andi %reduce_max3A_748, %and3A_749 : i32
    %broadcast_in_dim3A_751 = vector.broadcast %and3A_750 : i32 to vector<16xi32>
    %add3A_752 = arith.constant 0 : i32
    %add3A_753 = vector.broadcast %add3A_752 : i32 to vector<16xi32>
    %add3A_754 = arith.addi %iota3A, %add3A_753 : vector<16xi32>
    %gather3A_755 = arith.constant 7 : i32
    %gather3A_756 = arith.constant 0 : i32
    %gather3A_757 = arith.constant 0 : i32
    %gather3A_758 = tpu.memref_slice %arg6[%gather3A_755, %gather3A_756, %gather3A_757] : memref<8x32x128xf32, #tpu.memory_space<vmem>> -> memref<1x32x128xf32, #tpu.memory_space<vmem>>
    %gather3A_759 = tpu.memref_squeeze %gather3A_758 : memref<1x32x128xf32, #tpu.memory_space<vmem>> -> memref<32x128xf32, #tpu.memory_space<vmem>>
    %gather3A_760 = tpu.vector_load_idx %gather3A_759[%add3A_754, %broadcast_in_dim3A_751] : memref<32x128xf32, #tpu.memory_space<vmem>>[vector<16xi32>, vector<16xi32>], vector<16xf32>,
    %swap3A_761 = arith.constant 511 : i32
    %swap3A_762 = arith.index_cast %swap3A_761 : i32 to index
    %swap3A_763 = arith.constant 0 : index
    %swap3A_764 = tpu.vector_load %arg7[%swap3A_762, %swap3A_763] {strides = array<i32>} : memref<512x128xf32, #tpu.memory_space<vmem>>, vector<16xf32>,
    tpu.vector_store %arg7[%swap3A_762, %swap3A_763], %gather3A_760 {strides = array<i32>} : memref<512x128xf32, #tpu.memory_space<vmem>>, vector<16xf32>,
    %add3A_765 = arith.constant 16 : i32
    %add3A_766 = vector.broadcast %add3A_765 : i32 to vector<16xi32>
    %add3A_767 = arith.addi %iota3A, %add3A_766 : vector<16xi32>
    %gather3A_768 = arith.constant 7 : i32
    %gather3A_769 = arith.constant 0 : i32
    %gather3A_770 = arith.constant 0 : i32
    %gather3A_771 = tpu.memref_slice %arg6[%gather3A_768, %gather3A_769, %gather3A_770] : memref<8x32x128xf32, #tpu.memory_space<vmem>> -> memref<1x32x128xf32, #tpu.memory_space<vmem>>
    %gather3A_772 = tpu.memref_squeeze %gather3A_771 : memref<1x32x128xf32, #tpu.memory_space<vmem>> -> memref<32x128xf32, #tpu.memory_space<vmem>>
    %gather3A_773 = tpu.vector_load_idx %gather3A_772[%add3A_767, %broadcast_in_dim3A_751] : memref<32x128xf32, #tpu.memory_space<vmem>>[vector<16xi32>, vector<16xi32>], vector<16xf32>,
    %swap3A_774 = arith.constant 511 : i32
    %swap3A_775 = arith.index_cast %swap3A_774 : i32 to index
    %swap3A_776 = arith.constant 16 : index
    %swap3A_777 = tpu.vector_load %arg7[%swap3A_775, %swap3A_776] {strides = array<i32>} : memref<512x128xf32, #tpu.memory_space<vmem>>, vector<16xf32>,
    tpu.vector_store %arg7[%swap3A_775, %swap3A_776], %gather3A_773 {strides = array<i32>} : memref<512x128xf32, #tpu.memory_space<vmem>>, vector<16xf32>,
    "tpu.region"() ({
      %run_scoped3A = tpu.sem_alloc : memref<!tpu.dma_semaphore, #tpu.memory_space<semaphore_mem>>
      %dma_start3A_778 = arith.constant 0 : i32
      %dma_start3A_779 = tpu.memref_slice %arg4[%mul3A_2, %dma_start3A_778] : memref<16384x128xf32, #tpu.memory_space<hbm>> -> memref<512x128xf32, #tpu.memory_space<hbm>>
      %dma_start3A_780 = arith.constant 0 : i32
      %dma_start3A_781 = tpu.memref_slice %arg4[%mul3A_2, %dma_start3A_780] : memref<16384x128xf32, #tpu.memory_space<hbm>> -> memref<512x128xf32, #tpu.memory_space<hbm>>
      tpu.enqueue_dma source(%arg7 : memref<512x128xf32, #tpu.memory_space<vmem>>) target(%dma_start3A_781 : memref<512x128xf32, #tpu.memory_space<hbm>>) target_semaphore(%run_scoped3A : memref<!tpu.dma_semaphore, #tpu.memory_space<semaphore_mem>>)
      %dma_wait3A_782 = arith.constant 0 : i32
      %dma_wait3A_783 = tpu.memref_slice %arg4[%mul3A_2, %dma_wait3A_782] : memref<16384x128xf32, #tpu.memory_space<hbm>> -> memref<512x128xf32, #tpu.memory_space<hbm>>
      %dma_wait3A_784 = arith.constant 0 : i32
      %dma_wait3A_785 = tpu.memref_slice %arg4[%mul3A_2, %dma_wait3A_784] : memref<16384x128xf32, #tpu.memory_space<hbm>> -> memref<512x128xf32, #tpu.memory_space<hbm>>
      tpu.wait_dma2 semaphore(%run_scoped3A : memref<!tpu.dma_semaphore, #tpu.memory_space<semaphore_mem>>) src(%arg7 : memref<512x128xf32, #tpu.memory_space<vmem>>) dst(%dma_wait3A_785 : memref<512x128xf32, #tpu.memory_space<hbm>>)
      tpu.yield
    }) : () -> ()
    return
  }
}

module attributes {stable_mosaic.version = 14 : i64} {
  func.func @_proj_enc_body(%arg0: i32, %arg1: memref<2048x128xf32, #tpu.memory_space<vmem>>, %arg2: memref<128x128xf32, #tpu.memory_space<vmem>>, %arg3: memref<1x128xf32, #tpu.memory_space<vmem>>, %arg4: memref<2048x128xf32, #tpu.memory_space<vmem>>) attributes {dimension_semantics = [#tpu.dimension_semantics<arbitrary>], iteration_bounds = array<i64: 8>, scalar_prefetch = 0 : i64, scratch_operands = 0 : i64, tpu.core_type = #tpu.core_type<tc>, window_params = [{transform_indices = @transform_0, window_bounds = array<i64: 2048, 128>}, {pipeline_mode = #tpu.pipeline_mode<synchronous>, transform_indices = @transform_1, window_bounds = array<i64: 128, 128>}, {pipeline_mode = #tpu.pipeline_mode<synchronous>, transform_indices = @transform_2, window_bounds = array<i64: 1, 128>}, {transform_indices = @transform_3, window_bounds = array<i64: 2048, 128>}]} {
    %get3A = arith.constant 0 : index
    %get3A_0 = arith.constant 0 : index
    %get3A_1 = vector.load %arg1[%get3A, %get3A_0] : memref<2048x128xf32, #tpu.memory_space<vmem>>, vector<2048x128xf32>
    %get3A_2 = arith.constant 0 : index
    %get3A_3 = arith.constant 0 : index
    %get3A_4 = vector.load %arg2[%get3A_2, %get3A_3] : memref<128x128xf32, #tpu.memory_space<vmem>>, vector<128x128xf32>
    %dot_general3A = arith.constant dense<0.000000e+00> : vector<2048x128xf32>
    %dot_general3A_5 = tpu.matmul %get3A_1, %get3A_4, %dot_general3A {dimension_numbers = #tpu.dot_dimension_numbers<[1], [0], [0], [1], [0, 0, 1, 1], [], []>, transpose_lhs_hint = false} : vector<2048x128xf32>, vector<128x128xf32>, vector<2048x128xf32> -> vector<2048x128xf32>
    %get3A_6 = arith.constant 0 : index
    %get3A_7 = arith.constant 0 : index
    %get3A_8 = vector.load %arg3[%get3A_6, %get3A_7] : memref<1x128xf32, #tpu.memory_space<vmem>>, vector<1x128xf32>
    %add3A = vector.broadcast %get3A_8 : vector<1x128xf32> to vector<2048x128xf32>
    %add3A_9 = arith.addf %dot_general3A_5, %add3A : vector<2048x128xf32>
    %max3A = arith.constant 0.000000e+00 : f32
    %max3A_10 = vector.broadcast %max3A : f32 to vector<2048x128xf32>
    %max3A_11 = arith.maximumf %add3A_9, %max3A_10 : vector<2048x128xf32>
    %swap3A = arith.constant 0 : index
    %swap3A_12 = arith.constant 0 : index
    %swap3A_13 = vector.load %arg4[%swap3A, %swap3A_12] : memref<2048x128xf32, #tpu.memory_space<vmem>>, vector<2048x128xf32>
    tpu.vector_store %arg4[%swap3A, %swap3A_12], %max3A_11 {strides = array<i32>} : memref<2048x128xf32, #tpu.memory_space<vmem>>, vector<2048x128xf32>,
    return
  }
  func.func @transform_0(%arg0: i32) -> (i32, i32) {
    %c0_i32 = arith.constant 0 : i32
    %c0_i32_0 = arith.constant 0 : i32
    return %arg0, %c0_i32 : i32, i32
  }
  func.func @transform_1(%arg0: i32) -> (i32, i32) {
    %c0_i32 = arith.constant 0 : i32
    %c0_i32_0 = arith.constant 0 : i32
    %c0_i32_1 = arith.constant 0 : i32
    return %c0_i32, %c0_i32_0 : i32, i32
  }
  func.func @transform_2(%arg0: i32) -> (i32, i32) {
    %c0_i32 = arith.constant 0 : i32
    %c0_i32_0 = arith.constant 0 : i32
    %c0_i32_1 = arith.constant 0 : i32
    return %c0_i32, %c0_i32_0 : i32, i32
  }
  func.func @transform_3(%arg0: i32) -> (i32, i32) {
    %c0_i32 = arith.constant 0 : i32
    %c0_i32_0 = arith.constant 0 : i32
    return %arg0, %c0_i32 : i32, i32
  }
}

module attributes {stable_mosaic.version = 14 : i64} {
  func.func @_proj_body(%arg0: i32, %arg1: memref<2048x128xf32, #tpu.memory_space<vmem>>, %arg2: memref<2048x32xf32, #tpu.memory_space<vmem>>, %arg3: memref<2048x32xf32, #tpu.memory_space<vmem>>, %arg4: memref<32x128xf32, #tpu.memory_space<vmem>>, %arg5: memref<32x128xf32, #tpu.memory_space<vmem>>, %arg6: memref<32x128xf32, #tpu.memory_space<vmem>>, %arg7: memref<1x128xf32, #tpu.memory_space<vmem>>, %arg8: memref<1x128xf32, #tpu.memory_space<vmem>>, %arg9: memref<1x128xf32, #tpu.memory_space<vmem>>, %arg10: memref<2048x128xf32, #tpu.memory_space<vmem>>, %arg11: memref<2048x128xf32, #tpu.memory_space<vmem>>, %arg12: memref<2048x128xf32, #tpu.memory_space<vmem>>) attributes {dimension_semantics = [#tpu.dimension_semantics<arbitrary>], iteration_bounds = array<i64: 8>, scalar_prefetch = 0 : i64, scratch_operands = 0 : i64, tpu.core_type = #tpu.core_type<tc>, window_params = [{transform_indices = @transform_0, window_bounds = array<i64: 2048, 128>}, {transform_indices = @transform_1, window_bounds = array<i64: 2048, 32>}, {transform_indices = @transform_2, window_bounds = array<i64: 2048, 32>}, {pipeline_mode = #tpu.pipeline_mode<synchronous>, transform_indices = @transform_3, window_bounds = array<i64: 32, 128>}, {pipeline_mode = #tpu.pipeline_mode<synchronous>, transform_indices = @transform_4, window_bounds = array<i64: 32, 128>}, {pipeline_mode = #tpu.pipeline_mode<synchronous>, transform_indices = @transform_5, window_bounds = array<i64: 32, 128>}, {pipeline_mode = #tpu.pipeline_mode<synchronous>, transform_indices = @transform_6, window_bounds = array<i64: 1, 128>}, {pipeline_mode = #tpu.pipeline_mode<synchronous>, transform_indices = @transform_7, window_bounds = array<i64: 1, 128>}, {pipeline_mode = #tpu.pipeline_mode<synchronous>, transform_indices = @transform_8, window_bounds = array<i64: 1, 128>}, {transform_indices = @transform_9, window_bounds = array<i64: 2048, 128>}, {transform_indices = @transform_10, window_bounds = array<i64: 2048, 128>}, {transform_indices = @transform_11, window_bounds = array<i64: 2048, 128>}]} {
    %get3A = arith.constant 0 : index
    %get3A_0 = arith.constant 0 : index
    %get3A_1 = vector.load %arg1[%get3A, %get3A_0] : memref<2048x128xf32, #tpu.memory_space<vmem>>, vector<2048x32xf32>
    %get3A_2 = arith.constant 0 : index
    %get3A_3 = arith.constant 0 : index
    %get3A_4 = vector.load %arg4[%get3A_2, %get3A_3] : memref<32x128xf32, #tpu.memory_space<vmem>>, vector<32x128xf32>
    %get3A_5 = arith.constant 0 : index
    %get3A_6 = arith.constant 0 : index
    %get3A_7 = vector.load %arg7[%get3A_5, %get3A_6] : memref<1x128xf32, #tpu.memory_space<vmem>>, vector<1x128xf32>
    %dot_general3A = arith.constant dense<0.000000e+00> : vector<2048x128xf32>
    %dot_general3A_8 = tpu.matmul %get3A_1, %get3A_4, %dot_general3A {dimension_numbers = #tpu.dot_dimension_numbers<[1], [0], [0], [1], [0, 0, 1, 1], [], []>, transpose_lhs_hint = false} : vector<2048x32xf32>, vector<32x128xf32>, vector<2048x128xf32> -> vector<2048x128xf32>
    %add3A = vector.broadcast %get3A_7 : vector<1x128xf32> to vector<2048x128xf32>
    %add3A_9 = arith.addf %dot_general3A_8, %add3A : vector<2048x128xf32>
    %max3A = arith.constant 0.000000e+00 : f32
    %max3A_10 = vector.broadcast %max3A : f32 to vector<2048x128xf32>
    %max3A_11 = arith.maximumf %add3A_9, %max3A_10 : vector<2048x128xf32>
    %swap3A = arith.constant 0 : index
    %swap3A_12 = arith.constant 0 : index
    %swap3A_13 = vector.load %arg10[%swap3A, %swap3A_12] : memref<2048x128xf32, #tpu.memory_space<vmem>>, vector<2048x128xf32>
    tpu.vector_store %arg10[%swap3A, %swap3A_12], %max3A_11 {strides = array<i32>} : memref<2048x128xf32, #tpu.memory_space<vmem>>, vector<2048x128xf32>,
    %get3A_14 = arith.constant 0 : index
    %get3A_15 = arith.constant 0 : index
    %get3A_16 = vector.load %arg2[%get3A_14, %get3A_15] : memref<2048x32xf32, #tpu.memory_space<vmem>>, vector<2048x32xf32>
    %get3A_17 = arith.constant 0 : index
    %get3A_18 = arith.constant 0 : index
    %get3A_19 = vector.load %arg5[%get3A_17, %get3A_18] : memref<32x128xf32, #tpu.memory_space<vmem>>, vector<32x128xf32>
    %get3A_20 = arith.constant 0 : index
    %get3A_21 = arith.constant 0 : index
    %get3A_22 = vector.load %arg8[%get3A_20, %get3A_21] : memref<1x128xf32, #tpu.memory_space<vmem>>, vector<1x128xf32>
    %dot_general3A_23 = arith.constant dense<0.000000e+00> : vector<2048x128xf32>
    %dot_general3A_24 = tpu.matmul %get3A_16, %get3A_19, %dot_general3A_23 {dimension_numbers = #tpu.dot_dimension_numbers<[1], [0], [0], [1], [0, 0, 1, 1], [], []>, transpose_lhs_hint = false} : vector<2048x32xf32>, vector<32x128xf32>, vector<2048x128xf32> -> vector<2048x128xf32>
    %add3A_25 = vector.broadcast %get3A_22 : vector<1x128xf32> to vector<2048x128xf32>
    %add3A_26 = arith.addf %dot_general3A_24, %add3A_25 : vector<2048x128xf32>
    %max3A_27 = arith.constant 0.000000e+00 : f32
    %max3A_28 = vector.broadcast %max3A_27 : f32 to vector<2048x128xf32>
    %max3A_29 = arith.maximumf %add3A_26, %max3A_28 : vector<2048x128xf32>
    %swap3A_30 = arith.constant 0 : index
    %swap3A_31 = arith.constant 0 : index
    %swap3A_32 = vector.load %arg11[%swap3A_30, %swap3A_31] : memref<2048x128xf32, #tpu.memory_space<vmem>>, vector<2048x128xf32>
    tpu.vector_store %arg11[%swap3A_30, %swap3A_31], %max3A_29 {strides = array<i32>} : memref<2048x128xf32, #tpu.memory_space<vmem>>, vector<2048x128xf32>,
    %get3A_33 = arith.constant 0 : index
    %get3A_34 = arith.constant 0 : index
    %get3A_35 = vector.load %arg3[%get3A_33, %get3A_34] : memref<2048x32xf32, #tpu.memory_space<vmem>>, vector<2048x32xf32>
    %get3A_36 = arith.constant 0 : index
    %get3A_37 = arith.constant 0 : index
    %get3A_38 = vector.load %arg6[%get3A_36, %get3A_37] : memref<32x128xf32, #tpu.memory_space<vmem>>, vector<32x128xf32>
    %get3A_39 = arith.constant 0 : index
    %get3A_40 = arith.constant 0 : index
    %get3A_41 = vector.load %arg9[%get3A_39, %get3A_40] : memref<1x128xf32, #tpu.memory_space<vmem>>, vector<1x128xf32>
    %dot_general3A_42 = arith.constant dense<0.000000e+00> : vector<2048x128xf32>
    %dot_general3A_43 = tpu.matmul %get3A_35, %get3A_38, %dot_general3A_42 {dimension_numbers = #tpu.dot_dimension_numbers<[1], [0], [0], [1], [0, 0, 1, 1], [], []>, transpose_lhs_hint = false} : vector<2048x32xf32>, vector<32x128xf32>, vector<2048x128xf32> -> vector<2048x128xf32>
    %add3A_44 = vector.broadcast %get3A_41 : vector<1x128xf32> to vector<2048x128xf32>
    %add3A_45 = arith.addf %dot_general3A_43, %add3A_44 : vector<2048x128xf32>
    %max3A_46 = arith.constant 0.000000e+00 : f32
    %max3A_47 = vector.broadcast %max3A_46 : f32 to vector<2048x128xf32>
    %max3A_48 = arith.maximumf %add3A_45, %max3A_47 : vector<2048x128xf32>
    %swap3A_49 = arith.constant 0 : index
    %swap3A_50 = arith.constant 0 : index
    %swap3A_51 = vector.load %arg12[%swap3A_49, %swap3A_50] : memref<2048x128xf32, #tpu.memory_space<vmem>>, vector<2048x128xf32>
    tpu.vector_store %arg12[%swap3A_49, %swap3A_50], %max3A_48 {strides = array<i32>} : memref<2048x128xf32, #tpu.memory_space<vmem>>, vector<2048x128xf32>,
    return
  }
  func.func @transform_0(%arg0: i32) -> (i32, i32) {
    %c0_i32 = arith.constant 0 : i32
    %c0_i32_0 = arith.constant 0 : i32
    return %arg0, %c0_i32 : i32, i32
  }
  func.func @transform_1(%arg0: i32) -> (i32, i32) {
    %c0_i32 = arith.constant 0 : i32
    %c0_i32_0 = arith.constant 0 : i32
    return %arg0, %c0_i32 : i32, i32
  }
  func.func @transform_2(%arg0: i32) -> (i32, i32) {
    %c0_i32 = arith.constant 0 : i32
    %c0_i32_0 = arith.constant 0 : i32
    return %arg0, %c0_i32 : i32, i32
  }
  func.func @transform_3(%arg0: i32) -> (i32, i32) {
    %c0_i32 = arith.constant 0 : i32
    %c0_i32_0 = arith.constant 0 : i32
    %c0_i32_1 = arith.constant 0 : i32
    return %c0_i32, %c0_i32_0 : i32, i32
  }
  func.func @transform_4(%arg0: i32) -> (i32, i32) {
    %c0_i32 = arith.constant 0 : i32
    %c0_i32_0 = arith.constant 0 : i32
    %c0_i32_1 = arith.constant 0 : i32
    return %c0_i32, %c0_i32_0 : i32, i32
  }
  func.func @transform_5(%arg0: i32) -> (i32, i32) {
    %c0_i32 = arith.constant 0 : i32
    %c0_i32_0 = arith.constant 0 : i32
    %c0_i32_1 = arith.constant 0 : i32
    return %c0_i32, %c0_i32_0 : i32, i32
  }
  func.func @transform_6(%arg0: i32) -> (i32, i32) {
    %c0_i32 = arith.constant 0 : i32
    %c0_i32_0 = arith.constant 0 : i32
    %c0_i32_1 = arith.constant 0 : i32
    return %c0_i32, %c0_i32_0 : i32, i32
  }
  func.func @transform_7(%arg0: i32) -> (i32, i32) {
    %c0_i32 = arith.constant 0 : i32
    %c0_i32_0 = arith.constant 0 : i32
    %c0_i32_1 = arith.constant 0 : i32
    return %c0_i32, %c0_i32_0 : i32, i32
  }
  func.func @transform_8(%arg0: i32) -> (i32, i32) {
    %c0_i32 = arith.constant 0 : i32
    %c0_i32_0 = arith.constant 0 : i32
    %c0_i32_1 = arith.constant 0 : i32
    return %c0_i32, %c0_i32_0 : i32, i32
  }
  func.func @transform_9(%arg0: i32) -> (i32, i32) {
    %c0_i32 = arith.constant 0 : i32
    %c0_i32_0 = arith.constant 0 : i32
    return %arg0, %c0_i32 : i32, i32
  }
  func.func @transform_10(%arg0: i32) -> (i32, i32) {
    %c0_i32 = arith.constant 0 : i32
    %c0_i32_0 = arith.constant 0 : i32
    return %arg0, %c0_i32 : i32, i32
  }
  func.func @transform_11(%arg0: i32) -> (i32, i32) {
    %c0_i32 = arith.constant 0 : i32
    %c0_i32_0 = arith.constant 0 : i32
    return %arg0, %c0_i32 : i32, i32
  }
}

</mosaic_0001>

<sc_bundles>
// kernel: kernel.6.cloned.1.call-start
scs
__scs_entry_jumppad:
0x0: {  	(pc) =	sbr.rel $0x88, $3  }
0x1: {  	(tag) =	ssettag $0x0;
	lr =	simm.s32 $0x1  }
0x2: {  	[smem:$0x3F92] =	sst lr;
	_ =	strace $0xD0000000  }
0x3: {  	_ = 	snop  }
0x4: {  	_ = 	snop  }
0x5: {  	_ = 	snop  }
0x6: {  	_ = 	snop  }
0x7: {  	_ = 	snop  }
__scs_overlays_trampoline_lowered:
0x8: {  	[smem:$0x3FA1] =	sst s0  }
0x9: {  	[smem:$0x3FA2] =	sst s1  }
0xa: {  	[smem:$0x3FA3] =	sst s2  }
0xb: {  	[smem:$0x3FA4] =	sst s3  }
0xc: {  	[smem:$0x3FA5] =	sst s4  }
0xd: {  	[smem:$0x3FA6] =	sst s5  }
0xe: {  	[smem:$0x3FA7] =	sst s6  }
0xf: {  	[smem:$0x3FA8] =	sst s7  }
0x10: {  	[smem:$0x3FA9] =	sst s8  }
0x11: {  	[smem:$0x3FAA] =	sst s9;
	s0 =	simm.s32 @!p0 $0x0  }
0x12: {  	s1 =	sld [smem:$0x3F90];
	s0 =	simm.s32 @p0 $0x1  }
0x13: {  	[smem:$0x3FAB] =	sst s0;
	s0 =	simm.s32 @!p1 $0x0  }
0x14: {  	s2 =	sld [smem:$0x3F8F];
	s0 =	simm.s32 @p1 $0x1  }
0x15: {  	[smem:$0x3FAC] =	sst s0;
	s0 =	simm.s32 @!p2 $0x0  }
0x16: {  	s3 =	sld [smem:$0x3FDB];
	s0 =	simm.s32 @p2 $0x1  }
0x17: {  	s4 =	simm.s32 $0x1BF5;
	[smem:$0x3FAE] =	sst s0  }
0x18: {  	s0 =	sld [smem:$0x3F91];
	_ =	swait.ge [sflag:s4], $0x0  }
0x19: {  	s7 =	sld [smem:$0x3F92]  }
0x1a: {  	s8 =	sadd.s32 $0xFFFFE003, lr  }
0x1b: {  	s9 =	sadd.s32 $0xFFFFFEF7, lr;
	s5 =	simm.s32 $0xFFFFFFFF;
	p2 =	slt.u32 s8, $0xFFFFF086  }
0x1c: {  	p1 =	slt.u32 s9, $0xF7A;
	s5 =	simm.s32 @!p2 $0x0  }
0x1d: {  	s5 =	simm.s32 @p1 $0x1;
	p0 =	seq.s32 s7, s2  }
0x1e: {  	s7 =	smul.u32 @!p0 $0xF7A, s2;
	p2 =	seq.s32 @!p0 s5, $0x0  }
0x1f: {  	s9 =	smul.u32 $0xF7A, s1;
	s8 =	simm.s32 @!p0 $0x1BF5;
	p2 =	por !p2, p0  }
0x20: {  	[sflag:s8] =	ssyncset.s32 @!p0 $0xFFFFF086;
	s6 =	sadd.s32 @!p0 s3, s7;
	s7 =	simm.s32 @!p0 $0x108  }
0x21: {  	s3 =	sadd.s32 s3, s9;
	s6 =	sadd.s32 @!p0 $0x88, s6;
	s7 =	simm.s32 @p2 $0x1082  }
0x22: {  	[simem:s7], [sflag:s8] =	dma.local @!p0 [hbm:s6], $0xF7A  }
0x23: {  	s9 =	sor.u32 $0xD0000000, s2;
	s6 =	simm.s32 $0x108;
	_ =	swait.ge @!p0 [sflag:s8], $0x0  }
0x24: {  	s3 =	sadd.s32 $0x88, s3;
	s6 =	simm.s32 @!p1 $0x1082;
	[sflag:s4] =	ssyncset.s32 $0xFFFFF086  }
0x25: {  	[simem:s6], [sflag:s4] =	dma.local [hbm:s3], $0xF7A  }
0x26: {  	[smem:$0x3F92] =	sst s1;
	(tag) =	ssettag s2;
	_ =	strace s9  }
0x27: {  	s1 =	sld [smem:$0x3FA2]  }
0x28: {  	s2 =	sld [smem:$0x3FA3]  }
0x29: {  	s4 =	sld [smem:$0x3FA5]  }
0x2a: {  	p0 =	seq.s32 s5, $0x0;
	s5 =	sld [smem:$0x3FA6]  }
0x2b: {  	s6 =	sld [smem:$0x3FA7]  }
0x2c: {  	s7 =	sld [smem:$0x3FA8]  }
0x2d: {  	s3 =	simm.s32 $0x108;
	s8 =	sld [smem:$0x3FA9]  }
0x2e: {  	s3 =	simm.s32 @!p0 $0x1082;
	s9 =	sld [smem:$0x3FAA]  }
0x2f: {  	lr =	sadd.s32 s0, s3;
	s0 =	sld [smem:$0x3FA1]  }
0x30: {  	s3 =	sld [smem:$0x3FA4]  }
0x31: {  	[smem:$0x3FAD] =	sst s10  }
0x32: {  	s10 =	sld [smem:$0x3FAB];
	_ =	sdelay $0x3  }
0x33: {  	p0 =	seq.s32 s10, $0x1;
	s10 =	sld [smem:$0x3FAD];
	_ =	sdelay $0x3  }
0x34: {  	[smem:$0x3FAD] =	sst s10  }
0x35: {  	s10 =	sld [smem:$0x3FAC];
	_ =	sdelay $0x3  }
0x36: {  	p1 =	seq.s32 s10, $0x1;
	s10 =	sld [smem:$0x3FAD];
	_ =	sdelay $0x3  }
0x37: {  	[smem:$0x3FAD] =	sst s10  }
0x38: {  	s10 =	sld [smem:$0x3FAE]  }
0x39: {  	_ = 	snop;
	(pc) =	sbr.ind lr, $3  }
0x3a: {  	_ = 	snop  }
0x3b: {  	_ = 	snop  }
0x3c: {  	p2 =	seq.s32 s10, $0x1;
	s10 =	sld [smem:$0x3FAD]  }
0x3d: {  	_ =	shalt  }
0x3e: {  	_ =	shalt  }
0x3f: {  	_ =	shalt  }
0x40: {  	_ =	shalt  }
0x41: {  	_ =	shalt  }
0x42: {  	_ =	shalt  }
0x43: {  	_ =	shalt  }
0x44: {  	_ =	shalt  }
0x45: {  	_ =	shalt  }
0x46: {  	_ =	shalt  }
0x47: {  	_ =	shalt  }
0x48: {  	_ =	shalt  }
0x49: {  	_ =	shalt  }
0x4a: {  	_ =	shalt  }
0x4b: {  	_ =	shalt  }
0x4c: {  	_ =	shalt  }
0x4d: {  	_ =	shalt  }
0x4e: {  	_ =	shalt  }
0x4f: {  	_ =	shalt  }
0x50: {  	_ =	shalt  }
0x51: {  	_ =	shalt  }
0x52: {  	_ =	shalt  }
0x53: {  	_ =	shalt  }
0x54: {  	_ =	shalt  }
0x55: {  	_ =	shalt  }
0x56: {  	_ =	shalt  }
0x57: {  	_ =	shalt  }
0x58: {  	_ =	shalt  }
0x59: {  	_ =	shalt  }
0x5a: {  	_ =	shalt  }
0x5b: {  	_ =	shalt  }
0x5c: {  	_ =	shalt  }
0x5d: {  	_ =	shalt  }
0x5e: {  	_ =	shalt  }
0x5f: {  	_ =	shalt  }
0x60: {  	_ =	shalt  }
0x61: {  	_ =	shalt  }
0x62: {  	_ =	shalt  }
0x63: {  	_ =	shalt  }
0x64: {  	_ =	shalt  }
0x65: {  	_ =	shalt  }
0x66: {  	_ =	shalt  }
0x67: {  	_ =	shalt  }
0x68: {  	_ =	shalt  }
0x69: {  	_ =	shalt  }
0x6a: {  	_ =	shalt  }
0x6b: {  	_ =	shalt  }
0x6c: {  	_ =	shalt  }
0x6d: {  	_ =	shalt  }
0x6e: {  	_ =	shalt  }
0x6f: {  	_ =	shalt  }
0x70: {  	_ =	shalt  }
0x71: {  	_ =	shalt  }
0x72: {  	_ =	shalt  }
0x73: {  	_ =	shalt  }
0x74: {  	_ =	shalt  }
0x75: {  	_ =	shalt  }
0x76: {  	_ =	shalt  }
0x77: {  	_ =	shalt  }
0x78: {  	_ =	shalt  }
0x79: {  	_ =	shalt  }
0x7a: {  	_ =	shalt  }
0x7b: {  	_ =	shalt  }
0x7c: {  	_ =	shalt  }
0x7d: {  	_ =	shalt  }
0x7e: {  	_ =	shalt  }
0x7f: {  	_ =	shalt  }
0x80: {  	_ =	shalt  }
0x81: {  	_ =	shalt  }
0x82: {  	_ =	shalt  }
0x83: {  	_ =	shalt  }
0x84: {  	_ =	shalt  }
0x85: {  	_ =	shalt  }
0x86: {  	_ =	shalt  }
0x87: {  	_ =	shalt  }
.Lfunc_end0:
.L_simem_size_0:
called_computation_lowered:
.L_overlay_start_0:
0x88: {  	s2 =	sld [smem:$0x3FD9]  }
0x89: {  	s3 =	sld [smem:$0x3FFE];
	_ =	sdelay $0x1  }
0x8a: {  	s1 =	srdreg.scid  }
0x8b: {  	s0 =	sand.u32 $0x1, s1  }
0x8c: {  	s15 =	sshll.u32 s0, $0xA;
	s2 =	sadd.s32 s3, s2  }
0x8d: {  	s2 =	sadd.s32 s2, s15  }
0x8e: {  	[smem:$0x3FB9] =	sst s2  }
0x8f: {  	_ = 	snop  }
0x90: {  	s2 =	sld [smem:$0x3FD0];
	_ =	sdelay $0x1  }
0x91: {  	s16 =	sld [smem:$0x3FC8]  }
0x92: {  	s5 =	simm.s32 $0xA;
	s6 =	simm.s32 $0x10;
	s4 =	sld [smem:$0x3FC5]  }
0x93: {  	[smem:s6], [sflag:s5] =	dma.local [hbm:s2], $0x1  }
0x94: {  	_ =	swait.eq [sflag:s5], $0x1  }
0x95: {  	[sflag:s5] =	ssyncset.done $0x0  }
0x96: {  	[sflag:s5] =	ssyncadd.s32 $0xFFFFFFFF  }
0x97: {  	s17 =	sld [smem:$0x13];
	(tm) =	ssettm $0x1  }
0x98: {  	s18 =	sld [smem:$0x3FFB];
	_ =	sdelay $0x3  }
0x99: {  	_ =	strace s18  }
0x9a: {  	s5 =	sld [smem:$0x3FFC];
	_ =	sdelay $0x3  }
0x9b: {  	_ =	strace s5  }
0x9c: {  	s5 =	sld [smem:$0x3FFD];
	_ =	sdelay $0x3  }
0x9d: {  	_ =	strace s5  }
0x9e: {  	_ =	strace $0x8FFFFFFF  }
0x9f: {  	s19 =	sld [smem:$0x3FDB];
	_ =	sdelay $0x1  }
0xa0: {  	s20 =	simm.s32 $_scs_section_size  }
0xa1: {  	s7 =	simm.s32 $_size__tile_overlayer_lowered;
	s8 =	simm.s32 $_tile_overlayer_lowered  }
0xa2: {  	s23 =	simm.s32 $0x1BFF;
	s22 =	sshll.u32 s8, $0x1;
	s5 =	sadd.s32 s20, s19  }
0xa3: {  	s9 =	simm.s32 $0x0;
	s21 =	sshll.u32 s7, $0x1;
	s7 =	sadd.s32 s22, s5  }
0xa4: {  	[timem:s9], [sflag:s23] =	dma.local [hbm:s7], s21  }
0xa5: {  	_ =	swait.ge [sflag:s23], s21  }
0xa6: {  	s6 =	ssub.s32 $0x0, s21;
	[sflag:s23] =	ssyncset.done $0x0  }
0xa7: {  	[sflag:s23] =	ssyncadd.s32 s6;
	_ =	sdelay $0x1  }
0xa8: {  	s24 =	simm.s32 $0x1B8B  }
0xa9: {  	_ =	swait.ge [sflag:s24], $0x1  }
0xaa: {  	[sflag:s24] =	ssyncset.done $0x0  }
0xab: {  	s25 =	simm.s32 $0x1B8E;
	[sflag:s24] =	ssyncadd.s32 $0xFFFFFFFF  }
0xac: {  	s26 =	simm.s32 $execute0_lowered;
	[smem:$0x3FD2] =	sst s25  }
0xad: {  	s6 =	sshll.u32 s26, $0x1;
	_ =	strace $0x80000046;
	[dreg:$0x1] =	wrdreg $0xFFFFFFFF  }
0xae: {  	s28 =	simm.s32 $_size_execute0_lowered;
	s5 =	sadd.s32 s5, s6;
	[dreg:$0x0] =	wrdreg $0x0  }
0xaf: {  	s6 =	sshll.u32 s28, $0x1;
	[dreg:$0x2] =	wrdreg s5  }
0xb0: {  	[dreg:$0x3] =	wrdreg s6  }
0xb1: {  	[dreg:$0x4] =	wrdreg $0xC0  }
0xb2: {  	_ =	task [dreg:s9], $0x5FFFF  }
0xb3: {  	[dreg:$0x1] =	wrdreg $0xFFFFFFFF  }
0xb4: {  	[dreg:$0x0] =	wrdreg $0x60  }
0xb5: {  	[dreg:$0x2] =	wrdreg s16  }
0xb6: {  	[dreg:$0x3] =	wrdreg s4  }
0xb7: {  	[dreg:$0x4] =	wrdreg s17  }
0xb8: {  	[dreg:$0x5] =	wrdreg $0x9  }
0xb9: {  	_ =	task.clear_ibuf [dreg:s9], $0x6FFFF;
	_ =	strace $0x90000046  }
0xba: {  	s29 =	simm.s32 $0x9;
	_ =	strace $0x80000048  }
0xbb: {  	_ =	swait.ge [sflag:s29], $0x1  }
0xbc: {  	[sflag:s29] =	ssyncadd.s32 $0xFFFFFFFF  }
0xbd: {  	_ =	strace $0x90000048  }
0xbe: {  	_ =	sfence  }
0xbf: {  	s30 =	sld [smem:$0x0];
	_ =	sdelay $0x2  }
0xc0: {  	s31 =	sshll.u32 s1, $0xD;
	s1 =	sshrl.u32 s1, $0x2  }
0xc1: {  	s3 =	sand.u32 $0x4000, s31;
	s1 =	sadd.s32 s1, s30  }
0xc2: {  	s0 =	sor.u32 s3, s0;
	s1 =	sshll.u32 s1, $0x11  }
0xc3: {  	s0 =	sor.u32 s1, s0  }
0xc4: {  	s0 =	sadd.s32 $0x8F2B, s0  }
0xc5: {  	[sflag:s0] =	ssyncadd.remote.s32 $0x1  }
0xc6: {  	_ =	sfence.sel $0xFFFF  }
0xc7: {  	[dreg:$0x0] =	wrdreg $0xFFFFFFFF;
	(pc) =	sbr.abs _section_cstart, $3  }
0xc8: {  	[dreg:$0x1] =	wrdreg $0xFFFFFFFF  }
0xc9: {  	_ =	task.clear_ibuf [dreg:s9], $0x2FFFF;
	_ =	strace $0x9FFFFFFF  }
0xca: {  	(tm) =	ssettm $0x7FFFFFFF  }
0xcb: {  	_ =	shalt  }
tec
execute0_lowered:
.L_overlay_start_1:
0x0: {  	(tag) =	ssettag $0x1  }
0x1: {  	s0 =	rddreg [dreg:$0x0]  }
0x2: {  	s1 =	rddreg [dreg:$0x1]  }
0x3: {  	s2 =	rddreg [dreg:$0x2];
	s3 =	simm.s32 $0x0  }
0x4: {  	s4 =	srdreg.scid;
	s6 =	stileid.u32;
	s8 =	simm.s32 $0x400  }
0x5: {  	s9 =	simm.s32 $0x7A1400;
	s10 =	simm.s32 $0x200;
	s11 =	simm.s32 $0x1200  }
0x6: {  	s12 =	simm.s32 $0x2200;
	s13 =	simm.s32 $0x3200;
	s14 =	simm.s32 $0x4200  }
0x7: {  	s15 =	simm.s32 $0x5200;
	s16 =	simm.s32 $0x6200;
	s17 =	simm.s32 $0x7200  }
0x8: {  	s18 =	simm.s32 $0x1;
	s19 =	simm.s32 $0x2;
	s20 =	simm.s32 $0x3  }
0x9: {  	s21 =	simm.s32 $0x4;
	s22 =	simm.s32 $0x5;
	s23 =	simm.s32 $0x6  }
0xa: {  	vm0 =	vmmov $0x1;
	vm2 =	vcmask $0x70C;
	v0 =	vlaneseq.u32;
	s24 =	simm.s32 $0x7;
	s25 =	simm.s32 $0x8;
	s4 =	sand.u32 $0x1, s4  }
0xb: {  	vm3 =	vcmask $0xB10;
	vm4 =	vcmask $0xF14;
	vm5 =	vcmask $0x1318;
	s28 =	simm.s32 $0x0;
	[smem:$0x7FF] =	sst s3;
	s5 =	ssub.s32 $0x2, s4  }
0xc: {  	vm6 =	vcmask $0x171C;
	vm7 =	vcmask $0x1B20;
	vm8 =	vcmask $0x1F24;
	s6 =	sshll.u32 s6, $0xA;
	s4 =	sshll.u32 s4, $0x9;
	s7 =	sshrl.u32 s5, $0x1  }
0xd: {  	vm9 =	vcmask $0x2328;
	vm10 =	vcmask $0x272C;
	v1 =	vmul.u32 $0x80, v0;
	_ =	strace $0x80000047;
	s4 =	sor.u32 s4, s6;
	s29 =	ssub.s32 s5, s7  }
0xe: {  	vm11 =	vcmask $0x2B30;
	vm12 =	vcmask $0x2F34;
	vm13 =	vcmask $0x3338;
	s30 =	sshrl.u32 s4, $0x3;
	s31 =	sshll.u32 s4, $0x4;
	s7 =	simm.s32 $0x9  }
0xf: {  	vm14 =	vcmask $0x373C;
	vm15 =	vmmov $0x7fff;
	v2 =	vor.u32 $0x800, v1;
	s4 =	sadd.s32 s0, s30;
	s5 =	sadd.s32 s2, s31;
	s6 =	smax.u32 s29, $0x1  }
.LBB2_1:
0x10: {  	[tilespmem:s3], [sflag:$0x9] =	stream.linear.gather [hbm4b:s4+s3], $0x200, $0x38;
	[tilespmem:$0x18200] =	vst v63  }
0x11: {  	_ =	swait.ge [sflag:s7], $0x200  }
0x12: {  	[sflag:s7] =	ssyncset.done $0x0  }
0x13: {  	[sflag:s7] =	ssyncadd.s32 $0xFFFFFE00  }
0x14: {  	v3 =	vld [tilespmem:$0x0];
	_ =	sdelay $0x4  }
0x15: {  	v3 =	vnsel vm0, $0x0, v3  }
0x16: {  	v3 =	vxor.u32 $0x80000000, v3  }
0x17: {  	(xrf0) =	vmax.scan.msk.u32 $0xffff, v3;
	_ =	sdelay $0x5  }
0x18: {  	v3, _, _ =	vpop (xrf0)  }
0x19: {  	(v2sf) =	vpush v3, $0xF;
	_ =	sdelay $0xe  }
0x1a: {  	s0 =	spop (v2sf)  }
0x1b: {  	s0 =	sand.u32 $0x1FFFFF80, s0  }
0x1c: {  	s0 =	sadd.s32 s1, s0  }
0x1d: {  	[tilespmem:s10], [sflag:$0x1] =	stream.strided.gather [hbm4b:s0+s8], $0x1000, s9, s8, $0x38;
	[tilespmem:$0x18200] =	vst v63  }
0x1e: {  	v3 =	vld [tilespmem:$0x0];
	_ =	sdelay $0x3  }
0x1f: {  	vm1 =	vcmask $0x308  }
0x20: {  	v3 =	vsel vm1, $0x0, v3  }
0x21: {  	v3 =	vxor.u32 $0x80000000, v3  }
0x22: {  	(xrf0) =	vmax.scan.msk.u32 $0xffff, v3;
	_ =	sdelay $0x5  }
0x23: {  	v3, _, _ =	vpop (xrf0)  }
0x24: {  	(v2sf) =	vpush v3, $0xF;
	_ =	sdelay $0xe  }
0x25: {  	s26 =	spop (v2sf)  }
0x26: {  	s0 =	sand.u32 $0x1FFFFF80, s26  }
0x27: {  	s0 =	sadd.s32 s1, s0  }
0x28: {  	[tilespmem:s11], [sflag:$0x2] =	stream.strided.gather [hbm4b:s0+s8], $0x1000, s9, s8, $0x38;
	[tilespmem:$0x18200] =	vst v63  }
0x29: {  	v3 =	vld [tilespmem:$0x0];
	_ =	sdelay $0x4  }
0x2a: {  	v3 =	vsel vm2, $0x0, v3  }
0x2b: {  	v3 =	vxor.u32 $0x80000000, v3  }
0x2c: {  	(xrf0) =	vmax.scan.msk.u32 $0xffff, v3;
	_ =	sdelay $0x5  }
0x2d: {  	v3, _, _ =	vpop (xrf0)  }
0x2e: {  	(v2sf) =	vpush v3, $0xF;
	_ =	sdelay $0xe  }
0x2f: {  	s2 =	spop (v2sf)  }
0x30: {  	s0 =	sand.u32 $0x1FFFFF80, s2  }
0x31: {  	s0 =	sadd.s32 s1, s0  }
0x32: {  	[tilespmem:s12], [sflag:$0x3] =	stream.strided.gather [hbm4b:s0+s8], $0x1000, s9, s8, $0x38;
	[tilespmem:$0x18200] =	vst v63  }
0x33: {  	v3 =	vld [tilespmem:$0x0];
	_ =	sdelay $0x4  }
0x34: {  	v3 =	vsel vm3, $0x0, v3  }
0x35: {  	v3 =	vxor.u32 $0x80000000, v3  }
0x36: {  	(xrf0) =	vmax.scan.msk.u32 $0xffff, v3;
	_ =	sdelay $0x5  }
0x37: {  	v3, _, _ =	vpop (xrf0)  }
0x38: {  	(v2sf) =	vpush v3, $0xF;
	_ =	sdelay $0xe  }
0x39: {  	s26 =	spop (v2sf)  }
0x3a: {  	s0 =	sand.u32 $0x1FFFFF80, s26  }
0x3b: {  	s0 =	sadd.s32 s1, s0  }
0x3c: {  	[tilespmem:s13], [sflag:$0x4] =	stream.strided.gather [hbm4b:s0+s8], $0x1000, s9, s8, $0x38;
	[tilespmem:$0x18200] =	vst v63  }
0x3d: {  	v3 =	vld [tilespmem:$0x0];
	_ =	sdelay $0x4  }
0x3e: {  	v3 =	vsel vm4, $0x0, v3  }
0x3f: {  	v3 =	vxor.u32 $0x80000000, v3  }
0x40: {  	(xrf0) =	vmax.scan.msk.u32 $0xffff, v3;
	_ =	sdelay $0x5  }
0x41: {  	v3, _, _ =	vpop (xrf0)  }
0x42: {  	(v2sf) =	vpush v3, $0xF;
	_ =	sdelay $0xe  }
0x43: {  	s2 =	spop (v2sf)  }
0x44: {  	s0 =	sand.u32 $0x1FFFFF80, s2  }
0x45: {  	s0 =	sadd.s32 s1, s0  }
0x46: {  	[tilespmem:s14], [sflag:$0x5] =	stream.strided.gather [hbm4b:s0+s8], $0x1000, s9, s8, $0x38;
	[tilespmem:$0x18200] =	vst v63  }
0x47: {  	v3 =	vld [tilespmem:$0x0];
	_ =	sdelay $0x4  }
0x48: {  	v3 =	vsel vm5, $0x0, v3  }
0x49: {  	v3 =	vxor.u32 $0x80000000, v3  }
0x4a: {  	(xrf0) =	vmax.scan.msk.u32 $0xffff, v3;
	_ =	sdelay $0x5  }
0x4b: {  	v3, _, _ =	vpop (xrf0)  }
0x4c: {  	(v2sf) =	vpush v3, $0xF;
	_ =	sdelay $0xe  }
0x4d: {  	s26 =	spop (v2sf)  }
0x4e: {  	s0 =	sand.u32 $0x1FFFFF80, s26  }
0x4f: {  	s0 =	sadd.s32 s1, s0  }
0x50: {  	[tilespmem:s15], [sflag:$0x6] =	stream.strided.gather [hbm4b:s0+s8], $0x1000, s9, s8, $0x38;
	[tilespmem:$0x18200] =	vst v63  }
0x51: {  	v3 =	vld [tilespmem:$0x0];
	_ =	sdelay $0x4  }
0x52: {  	v3 =	vsel vm6, $0x0, v3  }
0x53: {  	v3 =	vxor.u32 $0x80000000, v3  }
0x54: {  	(xrf0) =	vmax.scan.msk.u32 $0xffff, v3;
	_ =	sdelay $0x5  }
0x55: {  	v3, _, _ =	vpop (xrf0)  }
0x56: {  	(v2sf) =	vpush v3, $0xF;
	_ =	sdelay $0xe  }
0x57: {  	s2 =	spop (v2sf)  }
0x58: {  	s0 =	sand.u32 $0x1FFFFF80, s2  }
0x59: {  	s0 =	sadd.s32 s1, s0  }
0x5a: {  	[tilespmem:s16], [sflag:$0x7] =	stream.strided.gather [hbm4b:s0+s8], $0x1000, s9, s8, $0x38;
	[tilespmem:$0x18200] =	vst v63  }
0x5b: {  	v3 =	vld [tilespmem:$0x0];
	_ =	sdelay $0x4  }
0x5c: {  	v3 =	vsel vm7, $0x0, v3  }
0x5d: {  	v3 =	vxor.u32 $0x80000000, v3  }
0x5e: {  	(xrf0) =	vmax.scan.msk.u32 $0xffff, v3;
	_ =	sdelay $0x5  }
0x5f: {  	v3, _, _ =	vpop (xrf0)  }
0x60: {  	(v2sf) =	vpush v3, $0xF;
	_ =	sdelay $0xe  }
0x61: {  	s26 =	spop (v2sf)  }
0x62: {  	s29 =	simm.s32 $0x3C;
	s0 =	sand.u32 $0x1FFFFF80, s26  }
0x63: {  	s30 =	simm.s32 $0x8400;
	s31 =	simm.s32 $0x0;
	s0 =	sadd.s32 s1, s0  }
0x64: {  	[tilespmem:s17], [sflag:$0x8] =	stream.strided.gather [hbm4b:s0+s8], $0x1000, s9, s8, $0x38;
	[tilespmem:$0x18200] =	vst v63  }
.LBB2_2:
0x65: {  	_ =	swait.ge [sflag:s18], $0x1000;
	s0 =	sadd.s32 $0xFFFFFFC4, s29  }
0x66: {  	[sflag:s18] =	ssyncset.done $0x0;
	s0 =	sand.u32 $0x7C0, s0  }
0x67: {  	[sflag:s18] =	ssyncadd.s32 $0xFFFFF000;
	s2 =	sshrl.u32 s0, $0x2  }
0x68: {  	v3 =	vld [tilespmem:s2+$0x0];
	_ =	sdelay $0x2  }
0x69: {  	s26 =	sand.u32 $0x8, s31  }
0x6a: {  	v4 =	vmov s26  }
0x6b: {  	vm1 =	veq.s32 v4, v0;
	v3 =	vxor.u32 $0x80000000, v3  }
0x6c: {  	v3 =	vnsel vm1, $0x80000000, v3  }
0x6d: {  	(xrf0) =	vmax.scan.msk.u32 $0xffff, v3;
	_ =	sdelay $0x5  }
0x6e: {  	v3, _, _ =	vpop (xrf0)  }
0x6f: {  	(v2sf) =	vpush v3, $0xF;
	_ =	sdelay $0xe  }
0x70: {  	s26 =	spop (v2sf)  }
0x71: {  	s0 =	sand.u32 $0x7F, s26  }
0x72: {  	v3 =	vor.u32 s0, v1;
	_ =	sdelay $0x4  }
0x73: {  	v3 =	vld.idx.msk [tilespmem:v3+s10+$0x0], $0xffff  }
0x74: {  	v41 =	vor.u32 s0, v2;
	_ =	sdelay $0x3  }
0x75: {  	[tilespmem:s30+$0xFFFFFE00] =	vst v3  }
0x76: {  	v3 =	vld.idx.msk [tilespmem:v41+s10+$0x0], $0xffff;
	_ =	sdelay $0x2  }
0x77: {  	s26 =	sadd.s32 $0xFFFFFFE4, s29  }
0x78: {  	s0 =	sand.u32 $0xFC0, s26  }
0x79: {  	s0 =	sshrl.u32 s0, $0x2;
	[tilespmem:s30+$0xFFFFFE10] =	vst v3  }
0x7a: {  	v3 =	vld [tilespmem:s0+$0x0];
	_ =	sdelay $0x1  }
0x7b: {  	s0 =	sadd.s32 $0x8, s31  }
0x7c: {  	s26 =	sand.u32 $0x8, s0  }
0x7d: {  	v42 =	vmov s26  }
0x7e: {  	vm1 =	veq.s32 v42, v0;
	v3 =	vxor.u32 $0x80000000, v3  }
0x7f: {  	v3 =	vnsel vm1, $0x80000000, v3  }
0x80: {  	(xrf0) =	vmax.scan.msk.u32 $0xffff, v3;
	_ =	sdelay $0x5  }
0x81: {  	v3, _, _ =	vpop (xrf0)  }
0x82: {  	(v2sf) =	vpush v3, $0xF;
	_ =	sdelay $0xe  }
0x83: {  	s26 =	spop (v2sf)  }
0x84: {  	s26 =	sand.u32 $0x1FFFFF80, s26  }
0x85: {  	s26 =	sadd.s32 s1, s26  }
0x86: {  	[tilespmem:s10], [sflag:$0x1] =	stream.strided.gather [hbm4b:s26+s8], $0x1000, s9, s8, $0x38;
	[tilespmem:$0x18200] =	vst v63  }
0x87: {  	_ =	swait.ge [sflag:s19], $0x1000  }
0x88: {  	[sflag:s19] =	ssyncset.done $0x0  }
0x89: {  	[sflag:s19] =	ssyncadd.s32 $0xFFFFF000  }
0x8a: {  	v3 =	vld [tilespmem:s2+$0x0];
	_ =	sdelay $0x1  }
0x8b: {  	s26 =	sadd.s32 $0x1, s31  }
0x8c: {  	s26 =	sand.u32 $0x9, s26  }
0x8d: {  	v43 =	vmov s26  }
0x8e: {  	vm1 =	veq.s32 v43, v0;
	v3 =	vxor.u32 $0x80000000, v3  }
0x8f: {  	v3 =	vnsel vm1, $0x80000000, v3  }
0x90: {  	(xrf0) =	vmax.scan.msk.u32 $0xffff, v3;
	_ =	sdelay $0x5  }
0x91: {  	v3, _, _ =	vpop (xrf0)  }
0x92: {  	(v2sf) =	vpush v3, $0xF;
	_ =	sdelay $0xe  }
0x93: {  	s26 =	spop (v2sf)  }
0x94: {  	s26 =	sand.u32 $0x7F, s26  }
0x95: {  	v3 =	vor.u32 s26, v1;
	_ =	sdelay $0x4  }
0x96: {  	v3 =	vld.idx.msk [tilespmem:v3+s11+$0x0], $0xffff  }
0x97: {  	v44 =	vor.u32 s26, v2;
	_ =	sdelay $0x3  }
0x98: {  	[tilespmem:s30+$0xFFFFFE80] =	vst v3  }
0x99: {  	v3 =	vld.idx.msk [tilespmem:v44+s11+$0x0], $0xffff;
	_ =	sdelay $0x2  }
0x9a: {  	s26 =	sadd.s32 $0xFFFFFFE8, s29  }
0x9b: {  	s26 =	sand.u32 $0xFC0, s26  }
0x9c: {  	s26 =	sshrl.u32 s26, $0x2;
	[tilespmem:s30+$0xFFFFFE90] =	vst v3  }
0x9d: {  	v3 =	vld [tilespmem:s26+$0x0];
	_ =	sdelay $0x1  }
0x9e: {  	s26 =	sadd.s32 $0x9, s31  }
0x9f: {  	s26 =	sand.u32 $0x9, s26  }
0xa0: {  	v45 =	vmov s26  }
0xa1: {  	vm1 =	veq.s32 v45, v0;
	v3 =	vxor.u32 $0x80000000, v3  }
0xa2: {  	v3 =	vnsel vm1, $0x80000000, v3  }
0xa3: {  	(xrf0) =	vmax.scan.msk.u32 $0xffff, v3;
	_ =	sdelay $0x5  }
0xa4: {  	v3, _, _ =	vpop (xrf0)  }
0xa5: {  	(v2sf) =	vpush v3, $0xF;
	_ =	sdelay $0xe  }
0xa6: {  	s26 =	spop (v2sf)  }
0xa7: {  	s26 =	sand.u32 $0x1FFFFF80, s26  }
0xa8: {  	s26 =	sadd.s32 s1, s26  }
0xa9: {  	[tilespmem:s11], [sflag:$0x2] =	stream.strided.gather [hbm4b:s26+s8], $0x1000, s9, s8, $0x38;
	[tilespmem:$0x18200] =	vst v63  }
0xaa: {  	_ =	swait.ge [sflag:s20], $0x1000  }
0xab: {  	[sflag:s20] =	ssyncset.done $0x0  }
0xac: {  	[sflag:s20] =	ssyncadd.s32 $0xFFFFF000  }
0xad: {  	v3 =	vld [tilespmem:s2+$0x0];
	_ =	sdelay $0x1  }
0xae: {  	s26 =	sadd.s32 $0x2, s31  }
0xaf: {  	s26 =	sand.u32 $0xA, s26  }
0xb0: {  	v46 =	vmov s26  }
0xb1: {  	vm1 =	veq.s32 v46, v0;
	v3 =	vxor.u32 $0x80000000, v3  }
0xb2: {  	v3 =	vnsel vm1, $0x80000000, v3  }
0xb3: {  	(xrf0) =	vmax.scan.msk.u32 $0xffff, v3;
	_ =	sdelay $0x5  }
0xb4: {  	v3, _, _ =	vpop (xrf0)  }
0xb5: {  	(v2sf) =	vpush v3, $0xF;
	_ =	sdelay $0xe  }
0xb6: {  	s26 =	spop (v2sf)  }
0xb7: {  	s26 =	sand.u32 $0x7F, s26  }
0xb8: {  	v3 =	vor.u32 s26, v1;
	_ =	sdelay $0x4  }
0xb9: {  	v3 =	vld.idx.msk [tilespmem:v3+s12+$0x0], $0xffff  }
0xba: {  	v47 =	vor.u32 s26, v2;
	_ =	sdelay $0x3  }
0xbb: {  	[tilespmem:s30+$0xFFFFFF00] =	vst v3  }
0xbc: {  	v3 =	vld.idx.msk [tilespmem:v47+s12+$0x0], $0xffff;
	_ =	sdelay $0x2  }
0xbd: {  	s26 =	sadd.s32 $0xFFFFFFEC, s29  }
0xbe: {  	s26 =	sand.u32 $0xFC0, s26  }
0xbf: {  	s26 =	sshrl.u32 s26, $0x2;
	[tilespmem:s30+$0xFFFFFF10] =	vst v3  }
0xc0: {  	v3 =	vld [tilespmem:s26+$0x0];
	_ =	sdelay $0x1  }
0xc1: {  	s26 =	sadd.s32 $0xA, s31  }
0xc2: {  	s26 =	sand.u32 $0xA, s26  }
0xc3: {  	v48 =	vmov s26  }
0xc4: {  	vm1 =	veq.s32 v48, v0;
	v3 =	vxor.u32 $0x80000000, v3  }
0xc5: {  	v3 =	vnsel vm1, $0x80000000, v3  }
0xc6: {  	(xrf0) =	vmax.scan.msk.u32 $0xffff, v3;
	_ =	sdelay $0x5  }
0xc7: {  	v3, _, _ =	vpop (xrf0)  }
0xc8: {  	(v2sf) =	vpush v3, $0xF;
	_ =	sdelay $0xe  }
0xc9: {  	s26 =	spop (v2sf)  }
0xca: {  	s26 =	sand.u32 $0x1FFFFF80, s26  }
0xcb: {  	s26 =	sadd.s32 s1, s26  }
0xcc: {  	[tilespmem:s12], [sflag:$0x3] =	stream.strided.gather [hbm4b:s26+s8], $0x1000, s9, s8, $0x38;
	[tilespmem:$0x18200] =	vst v63  }
0xcd: {  	_ =	swait.ge [sflag:s21], $0x1000  }
0xce: {  	[sflag:s21] =	ssyncset.done $0x0  }
0xcf: {  	[sflag:s21] =	ssyncadd.s32 $0xFFFFF000  }
0xd0: {  	v3 =	vld [tilespmem:s2+$0x0];
	_ =	sdelay $0x1  }
0xd1: {  	s26 =	sadd.s32 $0x3, s31  }
0xd2: {  	s26 =	sand.u32 $0xB, s26  }
0xd3: {  	v49 =	vmov s26  }
0xd4: {  	vm1 =	veq.s32 v49, v0;
	v3 =	vxor.u32 $0x80000000, v3  }
0xd5: {  	v3 =	vnsel vm1, $0x80000000, v3  }
0xd6: {  	(xrf0) =	vmax.scan.msk.u32 $0xffff, v3;
	_ =	sdelay $0x5  }
0xd7: {  	v3, _, _ =	vpop (xrf0)  }
0xd8: {  	(v2sf) =	vpush v3, $0xF;
	_ =	sdelay $0xe  }
0xd9: {  	s26 =	spop (v2sf)  }
0xda: {  	s26 =	sand.u32 $0x7F, s26  }
0xdb: {  	v3 =	vor.u32 s26, v1;
	_ =	sdelay $0x4  }
0xdc: {  	v3 =	vld.idx.msk [tilespmem:v3+s13+$0x0], $0xffff  }
0xdd: {  	v50 =	vor.u32 s26, v2;
	_ =	sdelay $0x3  }
0xde: {  	[tilespmem:s30+$0xFFFFFF80] =	vst v3  }
0xdf: {  	v3 =	vld.idx.msk [tilespmem:v50+s13+$0x0], $0xffff;
	_ =	sdelay $0x2  }
0xe0: {  	s26 =	sadd.s32 $0xFFFFFFF0, s29  }
0xe1: {  	s26 =	sand.u32 $0xFC0, s26  }
0xe2: {  	s26 =	sshrl.u32 s26, $0x2;
	[tilespmem:s30+$0xFFFFFF90] =	vst v3  }
0xe3: {  	v3 =	vld [tilespmem:s26+$0x0];
	_ =	sdelay $0x1  }
0xe4: {  	s26 =	sadd.s32 $0xB, s31  }
0xe5: {  	s26 =	sand.u32 $0xB, s26  }
0xe6: {  	v51 =	vmov s26  }
0xe7: {  	vm1 =	veq.s32 v51, v0;
	v3 =	vxor.u32 $0x80000000, v3  }
0xe8: {  	v3 =	vnsel vm1, $0x80000000, v3  }
0xe9: {  	(xrf0) =	vmax.scan.msk.u32 $0xffff, v3;
	_ =	sdelay $0x5  }
0xea: {  	v3, _, _ =	vpop (xrf0)  }
0xeb: {  	(v2sf) =	vpush v3, $0xF;
	_ =	sdelay $0xe  }
0xec: {  	s26 =	spop (v2sf)  }
0xed: {  	s26 =	sand.u32 $0x1FFFFF80, s26  }
0xee: {  	s26 =	sadd.s32 s1, s26  }
0xef: {  	[tilespmem:s13], [sflag:$0x4] =	stream.strided.gather [hbm4b:s26+s8], $0x1000, s9, s8, $0x38;
	[tilespmem:$0x18200] =	vst v63  }
0xf0: {  	_ =	swait.ge [sflag:s22], $0x1000  }
0xf1: {  	[sflag:s22] =	ssyncset.done $0x0  }
0xf2: {  	[sflag:s22] =	ssyncadd.s32 $0xFFFFF000  }
0xf3: {  	v3 =	vld [tilespmem:s2+$0x0];
	_ =	sdelay $0x1  }
0xf4: {  	s26 =	sadd.s32 $0x4, s31  }
0xf5: {  	s26 =	sand.u32 $0xC, s26  }
0xf6: {  	v52 =	vmov s26  }
0xf7: {  	vm1 =	veq.s32 v52, v0;
	v3 =	vxor.u32 $0x80000000, v3  }
0xf8: {  	v3 =	vnsel vm1, $0x80000000, v3  }
0xf9: {  	(xrf0) =	vmax.scan.msk.u32 $0xffff, v3;
	_ =	sdelay $0x5  }
0xfa: {  	v3, _, _ =	vpop (xrf0)  }
0xfb: {  	(v2sf) =	vpush v3, $0xF;
	_ =	sdelay $0xe  }
0xfc: {  	s26 =	spop (v2sf)  }
0xfd: {  	s26 =	sand.u32 $0x7F, s26  }
0xfe: {  	v3 =	vor.u32 s26, v1;
	_ =	sdelay $0x4  }
0xff: {  	v3 =	vld.idx.msk [tilespmem:v3+s14+$0x0], $0xffff  }
0x100: {  	v53 =	vor.u32 s26, v2;
	_ =	sdelay $0x3  }
0x101: {  	[tilespmem:s30+$0x0] =	vst v3  }
0x102: {  	v3 =	vld.idx.msk [tilespmem:v53+s14+$0x0], $0xffff;
	_ =	sdelay $0x2  }
0x103: {  	s26 =	sadd.s32 $0xFFFFFFF4, s29  }
0x104: {  	s26 =	sand.u32 $0xFC0, s26  }
0x105: {  	s26 =	sshrl.u32 s26, $0x2;
	[tilespmem:s30+$0x10] =	vst v3  }
0x106: {  	v3 =	vld [tilespmem:s26+$0x0];
	_ =	sdelay $0x1  }
0x107: {  	s26 =	sadd.s32 $0xC, s31  }
0x108: {  	s26 =	sand.u32 $0xC, s26  }
0x109: {  	v54 =	vmov s26  }
0x10a: {  	vm1 =	veq.s32 v54, v0;
	v3 =	vxor.u32 $0x80000000, v3  }
0x10b: {  	v3 =	vnsel vm1, $0x80000000, v3  }
0x10c: {  	(xrf0) =	vmax.scan.msk.u32 $0xffff, v3;
	_ =	sdelay $0x5  }
0x10d: {  	v3, _, _ =	vpop (xrf0)  }
0x10e: {  	(v2sf) =	vpush v3, $0xF;
	_ =	sdelay $0xe  }
0x10f: {  	s26 =	spop (v2sf)  }
0x110: {  	s26 =	sand.u32 $0x1FFFFF80, s26  }
0x111: {  	s26 =	sadd.s32 s1, s26  }
0x112: {  	[tilespmem:s14], [sflag:$0x5] =	stream.strided.gather [hbm4b:s26+s8], $0x1000, s9, s8, $0x38;
	[tilespmem:$0x18200] =	vst v63  }
0x113: {  	_ =	swait.ge [sflag:s23], $0x1000  }
0x114: {  	[sflag:s23] =	ssyncset.done $0x0  }
0x115: {  	[sflag:s23] =	ssyncadd.s32 $0xFFFFF000  }
0x116: {  	v3 =	vld [tilespmem:s2+$0x0];
	_ =	sdelay $0x1  }
0x117: {  	s26 =	sadd.s32 $0x5, s31  }
0x118: {  	s26 =	sand.u32 $0xD, s26  }
0x119: {  	v55 =	vmov s26  }
0x11a: {  	vm1 =	veq.s32 v55, v0;
	v3 =	vxor.u32 $0x80000000, v3  }
0x11b: {  	v3 =	vnsel vm1, $0x80000000, v3  }
0x11c: {  	(xrf0) =	vmax.scan.msk.u32 $0xffff, v3;
	_ =	sdelay $0x5  }
0x11d: {  	v3, _, _ =	vpop (xrf0)  }
0x11e: {  	(v2sf) =	vpush v3, $0xF;
	_ =	sdelay $0xe  }
0x11f: {  	s26 =	spop (v2sf)  }
0x120: {  	s26 =	sand.u32 $0x7F, s26  }
0x121: {  	v3 =	vor.u32 s26, v1;
	_ =	sdelay $0x4  }
0x122: {  	v3 =	vld.idx.msk [tilespmem:v3+s15+$0x0], $0xffff  }
0x123: {  	v56 =	vor.u32 s26, v2;
	_ =	sdelay $0x3  }
0x124: {  	[tilespmem:s30+$0x80] =	vst v3  }
0x125: {  	v3 =	vld.idx.msk [tilespmem:v56+s15+$0x0], $0xffff;
	_ =	sdelay $0x2  }
0x126: {  	s26 =	sadd.s32 $0xFFFFFFF8, s29  }
0x127: {  	s26 =	sand.u32 $0xFC0, s26  }
0x128: {  	s26 =	sshrl.u32 s26, $0x2;
	[tilespmem:s30+$0x90] =	vst v3  }
0x129: {  	v3 =	vld [tilespmem:s26+$0x0];
	_ =	sdelay $0x1  }
0x12a: {  	s26 =	sadd.s32 $0xD, s31  }
0x12b: {  	s26 =	sand.u32 $0xD, s26  }
0x12c: {  	v57 =	vmov s26  }
0x12d: {  	vm1 =	veq.s32 v57, v0;
	v3 =	vxor.u32 $0x80000000, v3  }
0x12e: {  	v3 =	vnsel vm1, $0x80000000, v3  }
0x12f: {  	(xrf0) =	vmax.scan.msk.u32 $0xffff, v3;
	_ =	sdelay $0x5  }
0x130: {  	v3, _, _ =	vpop (xrf0)  }
0x131: {  	(v2sf) =	vpush v3, $0xF;
	_ =	sdelay $0xe  }
0x132: {  	s26 =	spop (v2sf)  }
0x133: {  	s26 =	sand.u32 $0x1FFFFF80, s26  }
0x134: {  	s26 =	sadd.s32 s1, s26  }
0x135: {  	[tilespmem:s15], [sflag:$0x6] =	stream.strided.gather [hbm4b:s26+s8], $0x1000, s9, s8, $0x38;
	[tilespmem:$0x18200] =	vst v63  }
0x136: {  	_ =	swait.ge [sflag:s24], $0x1000  }
0x137: {  	[sflag:s24] =	ssyncset.done $0x0  }
0x138: {  	[sflag:s24] =	ssyncadd.s32 $0xFFFFF000  }
0x139: {  	v3 =	vld [tilespmem:s2+$0x0];
	_ =	sdelay $0x1  }
0x13a: {  	s26 =	sadd.s32 $0x6, s31  }
0x13b: {  	s26 =	sand.u32 $0xE, s26  }
0x13c: {  	v58 =	vmov s26  }
0x13d: {  	vm1 =	veq.s32 v58, v0;
	v3 =	vxor.u32 $0x80000000, v3  }
0x13e: {  	v3 =	vnsel vm1, $0x80000000, v3  }
0x13f: {  	(xrf0) =	vmax.scan.msk.u32 $0xffff, v3;
	_ =	sdelay $0x5  }
0x140: {  	v3, _, _ =	vpop (xrf0)  }
0x141: {  	(v2sf) =	vpush v3, $0xF;
	_ =	sdelay $0xe  }
0x142: {  	s26 =	spop (v2sf)  }
0x143: {  	s26 =	sand.u32 $0x7F, s26  }
0x144: {  	v3 =	vor.u32 s26, v1;
	_ =	sdelay $0x4  }
0x145: {  	v3 =	vld.idx.msk [tilespmem:v3+s16+$0x0], $0xffff  }
0x146: {  	v59 =	vor.u32 s26, v2;
	_ =	sdelay $0x3  }
0x147: {  	[tilespmem:s30+$0x100] =	vst v3  }
0x148: {  	v3 =	vld.idx.msk [tilespmem:v59+s16+$0x0], $0xffff;
	_ =	sdelay $0x2  }
0x149: {  	s26 =	sadd.s32 $0xFFFFFFFC, s29  }
0x14a: {  	s26 =	sand.u32 $0xFC0, s26  }
0x14b: {  	s26 =	sshrl.u32 s26, $0x2;
	[tilespmem:s30+$0x110] =	vst v3  }
0x14c: {  	v3 =	vld [tilespmem:s26+$0x0];
	_ =	sdelay $0x1  }
0x14d: {  	s26 =	sadd.s32 $0xE, s31  }
0x14e: {  	s26 =	sand.u32 $0xE, s26  }
0x14f: {  	v60 =	vmov s26  }
0x150: {  	vm1 =	veq.s32 v60, v0;
	v3 =	vxor.u32 $0x80000000, v3  }
0x151: {  	v3 =	vnsel vm1, $0x80000000, v3  }
0x152: {  	(xrf0) =	vmax.scan.msk.u32 $0xffff, v3;
	_ =	sdelay $0x5  }
0x153: {  	v3, _, _ =	vpop (xrf0)  }
0x154: {  	(v2sf) =	vpush v3, $0xF;
	_ =	sdelay $0xe  }
0x155: {  	s26 =	spop (v2sf)  }
0x156: {  	s26 =	sand.u32 $0x1FFFFF80, s26  }
0x157: {  	s26 =	sadd.s32 s1, s26  }
0x158: {  	[tilespmem:s16], [sflag:$0x7] =	stream.strided.gather [hbm4b:s26+s8], $0x1000, s9, s8, $0x38;
	[tilespmem:$0x18200] =	vst v63  }
0x159: {  	_ =	swait.ge [sflag:s25], $0x1000  }
0x15a: {  	[sflag:s25] =	ssyncset.done $0x0  }
0x15b: {  	[sflag:s25] =	ssyncadd.s32 $0xFFFFF000  }
0x15c: {  	v3 =	vld [tilespmem:s2+$0x0];
	_ =	sdelay $0x1  }
0x15d: {  	s26 =	sadd.s32 $0x7, s31  }
0x15e: {  	s2 =	sand.u32 $0xF, s26  }
0x15f: {  	v61 =	vmov s2  }
0x160: {  	vm1 =	veq.s32 v61, v0;
	v3 =	vxor.u32 $0x80000000, v3  }
0x161: {  	v3 =	vnsel vm1, $0x80000000, v3  }
0x162: {  	(xrf0) =	vmax.scan.msk.u32 $0xffff, v3;
	_ =	sdelay $0x5  }
0x163: {  	v3, _, _ =	vpop (xrf0)  }
0x164: {  	(v2sf) =	vpush v3, $0xF;
	_ =	sdelay $0xe  }
0x165: {  	s26 =	spop (v2sf)  }
0x166: {  	s2 =	sand.u32 $0x7F, s26  }
0x167: {  	v3 =	vor.u32 s2, v1;
	_ =	sdelay $0x4  }
0x168: {  	v3 =	vld.idx.msk [tilespmem:v3+s17+$0x0], $0xffff  }
0x169: {  	v62 =	vor.u32 s2, v2;
	_ =	sdelay $0x3  }
0x16a: {  	[tilespmem:s30+$0x180] =	vst v3  }
0x16b: {  	v3 =	vld.idx.msk [tilespmem:v62+s17+$0x0], $0xffff;
	_ =	sdelay $0x3  }
0x16c: {  	s26 =	sand.u32 $0xFC0, s29  }
0x16d: {  	s2 =	sshrl.u32 s26, $0x2;
	[tilespmem:s30+$0x190] =	vst v3  }
0x16e: {  	v3 =	vld [tilespmem:s2+$0x0];
	_ =	sdelay $0x1  }
0x16f: {  	s26 =	sadd.s32 $0xFFFFFFFF, s31  }
0x170: {  	s2 =	sand.u32 $0xF, s26  }
0x171: {  	v63 =	vmov s2  }
0x172: {  	vm1 =	veq.s32 v63, v0;
	v3 =	vxor.u32 $0x80000000, v3  }
0x173: {  	v3 =	vnsel vm1, $0x80000000, v3  }
0x174: {  	(xrf0) =	vmax.scan.msk.u32 $0xffff, v3;
	_ =	sdelay $0x5  }
0x175: {  	v3, _, _ =	vpop (xrf0)  }
0x176: {  	(v2sf) =	vpush v3, $0xF;
	_ =	sdelay $0xc  }
0x177: {  	p0 =	sne.s32 s31, $0x1F0  }
.Ltmp0:
0x178: {  	_ = 	snop;
	(pc) =	sbr.rel @p0 .LBB2_2-.Ltmp0, $4  }
0x179: {  	s26 =	spop (v2sf)  }
0x17a: {  	s29 =	sadd.s32 $0x20, s29;
	s2 =	sand.u32 $0x1FFFFF80, s26  }
0x17b: {  	s31 =	smov.u32 s0;
	s30 =	sadd.s32 $0x400, s30;
	s2 =	sadd.s32 s1, s2  }
0x17c: {  	[tilespmem:s17], [sflag:$0x8] =	stream.strided.gather [hbm4b:s2+s8], $0x1000, s9, s8, $0x38;
	[tilespmem:$0x18200] =	vst v63  }
0x17d: {  	_ =	swait.ge [sflag:s18], $0x1000  }
0x17e: {  	[sflag:s18] =	ssyncset.done $0x0  }
0x17f: {  	[sflag:s18] =	ssyncadd.s32 $0xFFFFF000  }
0x180: {  	v3 =	vld [tilespmem:$0x1F0];
	_ =	sdelay $0x4  }
0x181: {  	v3 =	vsel vm8, $0x0, v3  }
0x182: {  	v3 =	vxor.u32 $0x80000000, v3  }
0x183: {  	(xrf0) =	vmax.scan.msk.u32 $0xffff, v3;
	_ =	sdelay $0x5  }
0x184: {  	v3, _, _ =	vpop (xrf0)  }
0x185: {  	(v2sf) =	vpush v3, $0xF;
	_ =	sdelay $0xe  }
0x186: {  	s0 =	spop (v2sf)  }
0x187: {  	s0 =	sand.u32 $0x7F, s0  }
0x188: {  	v3 =	vor.u32 s0, v1;
	_ =	sdelay $0x4  }
0x189: {  	v3 =	vld.idx.msk [tilespmem:v3+s10+$0x0], $0xffff  }
0x18a: {  	v4 =	vor.u32 s0, v2;
	_ =	sdelay $0x3  }
0x18b: {  	[tilespmem:$0x17E00] =	vst v3  }
0x18c: {  	v3 =	vld.idx.msk [tilespmem:v4+s10+$0x0], $0xffff;
	_ =	sdelay $0x4  }
0x18d: {  	[tilespmem:$0x17E10] =	vst v3  }
0x18e: {  	_ =	swait.ge [sflag:s19], $0x1000  }
0x18f: {  	[sflag:s19] =	ssyncset.done $0x0  }
0x190: {  	[sflag:s19] =	ssyncadd.s32 $0xFFFFF000  }
0x191: {  	v3 =	vld [tilespmem:$0x1F0];
	_ =	sdelay $0x4  }
0x192: {  	v3 =	vsel vm9, $0x0, v3  }
0x193: {  	v3 =	vxor.u32 $0x80000000, v3  }
0x194: {  	(xrf0) =	vmax.scan.msk.u32 $0xffff, v3;
	_ =	sdelay $0x5  }
0x195: {  	v3, _, _ =	vpop (xrf0)  }
0x196: {  	(v2sf) =	vpush v3, $0xF;
	_ =	sdelay $0xe  }
0x197: {  	s29 =	spop (v2sf)  }
0x198: {  	s0 =	sand.u32 $0x7F, s29  }
0x199: {  	v3 =	vor.u32 s0, v1;
	_ =	sdelay $0x4  }
0x19a: {  	v3 =	vld.idx.msk [tilespmem:v3+s11+$0x0], $0xffff  }
0x19b: {  	v57 =	vor.u32 s0, v2;
	_ =	sdelay $0x3  }
0x19c: {  	[tilespmem:$0x17E80] =	vst v3  }
0x19d: {  	v3 =	vld.idx.msk [tilespmem:v57+s11+$0x0], $0xffff;
	_ =	sdelay $0x4  }
0x19e: {  	[tilespmem:$0x17E90] =	vst v3  }
0x19f: {  	_ =	swait.ge [sflag:s20], $0x1000  }
0x1a0: {  	[sflag:s20] =	ssyncset.done $0x0  }
0x1a1: {  	[sflag:s20] =	ssyncadd.s32 $0xFFFFF000  }
0x1a2: {  	v3 =	vld [tilespmem:$0x1F0];
	_ =	sdelay $0x4  }
0x1a3: {  	v3 =	vsel vm10, $0x0, v3  }
0x1a4: {  	v3 =	vxor.u32 $0x80000000, v3  }
0x1a5: {  	(xrf0) =	vmax.scan.msk.u32 $0xffff, v3;
	_ =	sdelay $0x5  }
0x1a6: {  	v3, _, _ =	vpop (xrf0)  }
0x1a7: {  	(v2sf) =	vpush v3, $0xF;
	_ =	sdelay $0xe  }
0x1a8: {  	s30 =	spop (v2sf)  }
0x1a9: {  	s0 =	sand.u32 $0x7F, s30  }
0x1aa: {  	v3 =	vor.u32 s0, v1;
	_ =	sdelay $0x4  }
0x1ab: {  	v3 =	vld.idx.msk [tilespmem:v3+s12+$0x0], $0xffff  }
0x1ac: {  	v58 =	vor.u32 s0, v2;
	_ =	sdelay $0x3  }
0x1ad: {  	[tilespmem:$0x17F00] =	vst v3  }
0x1ae: {  	v3 =	vld.idx.msk [tilespmem:v58+s12+$0x0], $0xffff;
	_ =	sdelay $0x4  }
0x1af: {  	[tilespmem:$0x17F10] =	vst v3  }
0x1b0: {  	_ =	swait.ge [sflag:s21], $0x1000  }
0x1b1: {  	[sflag:s21] =	ssyncset.done $0x0  }
0x1b2: {  	[sflag:s21] =	ssyncadd.s32 $0xFFFFF000  }
0x1b3: {  	v3 =	vld [tilespmem:$0x1F0];
	_ =	sdelay $0x4  }
0x1b4: {  	v3 =	vsel vm11, $0x0, v3  }
0x1b5: {  	v3 =	vxor.u32 $0x80000000, v3  }
0x1b6: {  	(xrf0) =	vmax.scan.msk.u32 $0xffff, v3;
	_ =	sdelay $0x5  }
0x1b7: {  	v3, _, _ =	vpop (xrf0)  }
0x1b8: {  	(v2sf) =	vpush v3, $0xF;
	_ =	sdelay $0xe  }
0x1b9: {  	s31 =	spop (v2sf)  }
0x1ba: {  	s0 =	sand.u32 $0x7F, s31  }
0x1bb: {  	v3 =	vor.u32 s0, v1;
	_ =	sdelay $0x4  }
0x1bc: {  	v3 =	vld.idx.msk [tilespmem:v3+s13+$0x0], $0xffff  }
0x1bd: {  	v59 =	vor.u32 s0, v2;
	_ =	sdelay $0x3  }
0x1be: {  	[tilespmem:$0x17F80] =	vst v3  }
0x1bf: {  	v3 =	vld.idx.msk [tilespmem:v59+s13+$0x0], $0xffff;
	_ =	sdelay $0x4  }
0x1c0: {  	[tilespmem:$0x17F90] =	vst v3  }
0x1c1: {  	_ =	swait.ge [sflag:s22], $0x1000  }
0x1c2: {  	[sflag:s22] =	ssyncset.done $0x0  }
0x1c3: {  	[sflag:s22] =	ssyncadd.s32 $0xFFFFF000  }
0x1c4: {  	v3 =	vld [tilespmem:$0x1F0];
	_ =	sdelay $0x4  }
0x1c5: {  	v3 =	vsel vm12, $0x0, v3  }
0x1c6: {  	v3 =	vxor.u32 $0x80000000, v3  }
0x1c7: {  	(xrf0) =	vmax.scan.msk.u32 $0xffff, v3;
	_ =	sdelay $0x5  }
0x1c8: {  	v3, _, _ =	vpop (xrf0)  }
0x1c9: {  	(v2sf) =	vpush v3, $0xF;
	_ =	sdelay $0xe  }
0x1ca: {  	s2 =	spop (v2sf)  }
0x1cb: {  	s0 =	sand.u32 $0x7F, s2  }
0x1cc: {  	v3 =	vor.u32 s0, v1;
	_ =	sdelay $0x4  }
0x1cd: {  	v3 =	vld.idx.msk [tilespmem:v3+s14+$0x0], $0xffff  }
0x1ce: {  	v60 =	vor.u32 s0, v2;
	_ =	sdelay $0x3  }
0x1cf: {  	[tilespmem:$0x18000] =	vst v3  }
0x1d0: {  	v3 =	vld.idx.msk [tilespmem:v60+s14+$0x0], $0xffff;
	_ =	sdelay $0x4  }
0x1d1: {  	[tilespmem:$0x18010] =	vst v3  }
0x1d2: {  	_ =	swait.ge [sflag:s23], $0x1000  }
0x1d3: {  	[sflag:s23] =	ssyncset.done $0x0  }
0x1d4: {  	[sflag:s23] =	ssyncadd.s32 $0xFFFFF000  }
0x1d5: {  	v3 =	vld [tilespmem:$0x1F0];
	_ =	sdelay $0x4  }
0x1d6: {  	v3 =	vsel vm13, $0x0, v3  }
0x1d7: {  	v3 =	vxor.u32 $0x80000000, v3  }
0x1d8: {  	(xrf0) =	vmax.scan.msk.u32 $0xffff, v3;
	_ =	sdelay $0x5  }
0x1d9: {  	v3, _, _ =	vpop (xrf0)  }
0x1da: {  	(v2sf) =	vpush v3, $0xF;
	_ =	sdelay $0xe  }
0x1db: {  	s26 =	spop (v2sf)  }
0x1dc: {  	s0 =	sand.u32 $0x7F, s26  }
0x1dd: {  	v3 =	vor.u32 s0, v1;
	_ =	sdelay $0x4  }
0x1de: {  	v3 =	vld.idx.msk [tilespmem:v3+s15+$0x0], $0xffff  }
0x1df: {  	v61 =	vor.u32 s0, v2;
	_ =	sdelay $0x3  }
0x1e0: {  	[tilespmem:$0x18080] =	vst v3  }
0x1e1: {  	v3 =	vld.idx.msk [tilespmem:v61+s15+$0x0], $0xffff;
	_ =	sdelay $0x4  }
0x1e2: {  	[tilespmem:$0x18090] =	vst v3  }
0x1e3: {  	_ =	swait.ge [sflag:s24], $0x1000  }
0x1e4: {  	[sflag:s24] =	ssyncset.done $0x0  }
0x1e5: {  	[sflag:s24] =	ssyncadd.s32 $0xFFFFF000  }
0x1e6: {  	v3 =	vld [tilespmem:$0x1F0];
	_ =	sdelay $0x4  }
0x1e7: {  	v3 =	vsel vm14, $0x0, v3  }
0x1e8: {  	v3 =	vxor.u32 $0x80000000, v3  }
0x1e9: {  	(xrf0) =	vmax.scan.msk.u32 $0xffff, v3;
	_ =	sdelay $0x5  }
0x1ea: {  	v3, _, _ =	vpop (xrf0)  }
0x1eb: {  	(v2sf) =	vpush v3, $0xF;
	_ =	sdelay $0xe  }
0x1ec: {  	s29 =	spop (v2sf)  }
0x1ed: {  	s0 =	sand.u32 $0x7F, s29  }
0x1ee: {  	v3 =	vor.u32 s0, v1;
	_ =	sdelay $0x4  }
0x1ef: {  	v3 =	vld.idx.msk [tilespmem:v3+s16+$0x0], $0xffff  }
0x1f0: {  	v62 =	vor.u32 s0, v2;
	_ =	sdelay $0x3  }
0x1f1: {  	[tilespmem:$0x18100] =	vst v3  }
0x1f2: {  	v3 =	vld.idx.msk [tilespmem:v62+s16+$0x0], $0xffff;
	_ =	sdelay $0x4  }
0x1f3: {  	[tilespmem:$0x18110] =	vst v3  }
0x1f4: {  	_ =	swait.ge [sflag:s25], $0x1000  }
0x1f5: {  	[sflag:s25] =	ssyncset.done $0x0  }
0x1f6: {  	[sflag:s25] =	ssyncadd.s32 $0xFFFFF000  }
0x1f7: {  	v3 =	vld [tilespmem:$0x1F0];
	_ =	sdelay $0x4  }
0x1f8: {  	v3 =	vsel vm15, $0x0, v3  }
0x1f9: {  	v3 =	vxor.u32 $0x80000000, v3  }
0x1fa: {  	(xrf0) =	vmax.scan.msk.u32 $0xffff, v3;
	_ =	sdelay $0x5  }
0x1fb: {  	v3, _, _ =	vpop (xrf0)  }
0x1fc: {  	(v2sf) =	vpush v3, $0xF;
	_ =	sdelay $0xe  }
0x1fd: {  	s30 =	spop (v2sf)  }
0x1fe: {  	s0 =	sand.u32 $0x7F, s30  }
0x1ff: {  	v3 =	vor.u32 s0, v1;
	_ =	sdelay $0x4  }
0x200: {  	v3 =	vld.idx.msk [tilespmem:v3+s17+$0x0], $0xffff  }
0x201: {  	v63 =	vor.u32 s0, v2;
	_ =	sdelay $0x3  }
0x202: {  	[tilespmem:$0x18180] =	vst v3  }
0x203: {  	v3 =	vld.idx.msk [tilespmem:v63+s17+$0x0], $0xffff;
	_ =	sdelay $0x2  }
0x204: {  	s28 =	sadd.s32 $0x1, s28  }
0x205: {  	p0 =	sne.s32 s28, s6  }
.Ltmp1:
0x206: {  	s31 =	simm.s32 $0x8200;
	[tilespmem:$0x18190] =	vst v3;
	(pc) =	sbr.rel @p0 .LBB2_1-.Ltmp1, $4  }
0x207: {  	[hbm4b:s5+s3] =	stream.linear.scatter [tilespmem:s31], [sflag:$0x9], $0x10000, $0x38;
	[tilespmem:$0x18200] =	vst v63  }
0x208: {  	_ =	swait.ge [sflag:s7], $0x10000  }
0x209: {  	[sflag:s7] =	ssyncset.done $0x0  }
0x20a: {  	[sflag:s7] =	ssyncadd.s32 $0xFFFF0000  }
0x20b: {  	_ =	sfence.sel $0x180000  }
0x20c: {  	[bflag:$0x0] =	sbarrier.arrive $0xFFFF  }
0x20d: {  	_ =	strace $0x90000047  }
0x20e: {  	s0 =	stileid.u32;
	[bflag:$0x2] =	sbarrier.arrive $0xFFFF  }
0x20f: {  	p0 =	sne.s32 s0, $0x0;
	s0 =	rddreg [dreg:$0x3]  }
0x210: {  	s0 =	sadd.s32 @!p0 $0x100000, s0  }
0x211: {  	[sflag:s0] =	ssyncadd.tile.s32 @!p0 $0x1;
	_ =	shalt  }
.Lfunc_end2:
_tile_overlayer_lowered:
.L_overlay_start_2:
0x212: {  	(tag) =	ssettag $0x2  }
0x213: {  	s0 =	rddreg [dreg:$0x0];
	s2 =	stileid.u32  }
0x214: {  	s1 =	rddreg [dreg:$0x1];
	p0 =	sne.s32 s2, $0x0  }
0x215: {  	s3 =	rddreg [dreg:$0x2];
	[bflag:$0x3] =	sbarrier.arrive $0xFFFF;
	s2 =	simm.s32 @!p0 $0x1C09  }
0x216: {  	[timem:s3], [sflag:s2] =	dma.local @!p0 [hbm:s0], s1  }
0x217: {  	s0 =	simm.s32 @!p0 $0x9  }
0x218: {  	_ =	swait.ge @!p0 [sflag:s0], s1  }
0x219: {  	s1 =	ssub.s32 @!p0 $0x0, s1;
	[sflag:s0] =	ssyncset.done @!p0 $0x0  }
0x21a: {  	[sflag:s0] =	ssyncadd.s32 @!p0 s1  }
0x21b: {  	[bflag:$0x3] =	sbarrier.arrive $0xFFFF  }
0x21c: {  	_ =	shalt  }

// kernel: kernel.9.cloned.1.call-start
scs
__scs_entry_jumppad:
0x0: {  	(pc) =	sbr.rel $0x88, $3  }
0x1: {  	(tag) =	ssettag $0x0;
	lr =	simm.s32 $0x1  }
0x2: {  	[smem:$0x3F92] =	sst lr;
	_ =	strace $0xD0000000  }
0x3: {  	_ = 	snop  }
0x4: {  	_ = 	snop  }
0x5: {  	_ = 	snop  }
0x6: {  	_ = 	snop  }
0x7: {  	_ = 	snop  }
__scs_overlays_trampoline_lowered:
0x8: {  	[smem:$0x3FA1] =	sst s0  }
0x9: {  	[smem:$0x3FA2] =	sst s1  }
0xa: {  	[smem:$0x3FA3] =	sst s2  }
0xb: {  	[smem:$0x3FA4] =	sst s3  }
0xc: {  	[smem:$0x3FA5] =	sst s4  }
0xd: {  	[smem:$0x3FA6] =	sst s5  }
0xe: {  	[smem:$0x3FA7] =	sst s6  }
0xf: {  	[smem:$0x3FA8] =	sst s7  }
0x10: {  	[smem:$0x3FA9] =	sst s8  }
0x11: {  	[smem:$0x3FAA] =	sst s9;
	s0 =	simm.s32 @!p0 $0x0  }
0x12: {  	s1 =	sld [smem:$0x3F90];
	s0 =	simm.s32 @p0 $0x1  }
0x13: {  	[smem:$0x3FAB] =	sst s0;
	s0 =	simm.s32 @!p1 $0x0  }
0x14: {  	s2 =	sld [smem:$0x3F8F];
	s0 =	simm.s32 @p1 $0x1  }
0x15: {  	[smem:$0x3FAC] =	sst s0;
	s0 =	simm.s32 @!p2 $0x0  }
0x16: {  	s3 =	sld [smem:$0x3FDB];
	s0 =	simm.s32 @p2 $0x1  }
0x17: {  	s4 =	simm.s32 $0x1BF5;
	[smem:$0x3FAE] =	sst s0  }
0x18: {  	s0 =	sld [smem:$0x3F91];
	_ =	swait.ge [sflag:s4], $0x0  }
0x19: {  	s7 =	sld [smem:$0x3F92]  }
0x1a: {  	s8 =	sadd.s32 $0xFFFFE003, lr  }
0x1b: {  	s9 =	sadd.s32 $0xFFFFFEF7, lr;
	s5 =	simm.s32 $0xFFFFFFFF;
	p2 =	slt.u32 s8, $0xFFFFF086  }
0x1c: {  	p1 =	slt.u32 s9, $0xF7A;
	s5 =	simm.s32 @!p2 $0x0  }
0x1d: {  	s5 =	simm.s32 @p1 $0x1;
	p0 =	seq.s32 s7, s2  }
0x1e: {  	s7 =	smul.u32 @!p0 $0xF7A, s2;
	p2 =	seq.s32 @!p0 s5, $0x0  }
0x1f: {  	s9 =	smul.u32 $0xF7A, s1;
	s8 =	simm.s32 @!p0 $0x1BF5;
	p2 =	por !p2, p0  }
0x20: {  	[sflag:s8] =	ssyncset.s32 @!p0 $0xFFFFF086;
	s6 =	sadd.s32 @!p0 s3, s7;
	s7 =	simm.s32 @!p0 $0x108  }
0x21: {  	s3 =	sadd.s32 s3, s9;
	s6 =	sadd.s32 @!p0 $0x88, s6;
	s7 =	simm.s32 @p2 $0x1082  }
0x22: {  	[simem:s7], [sflag:s8] =	dma.local @!p0 [hbm:s6], $0xF7A  }
0x23: {  	s9 =	sor.u32 $0xD0000000, s2;
	s6 =	simm.s32 $0x108;
	_ =	swait.ge @!p0 [sflag:s8], $0x0  }
0x24: {  	s3 =	sadd.s32 $0x88, s3;
	s6 =	simm.s32 @!p1 $0x1082;
	[sflag:s4] =	ssyncset.s32 $0xFFFFF086  }
0x25: {  	[simem:s6], [sflag:s4] =	dma.local [hbm:s3], $0xF7A  }
0x26: {  	[smem:$0x3F92] =	sst s1;
	(tag) =	ssettag s2;
	_ =	strace s9  }
0x27: {  	s1 =	sld [smem:$0x3FA2]  }
0x28: {  	s2 =	sld [smem:$0x3FA3]  }
0x29: {  	s4 =	sld [smem:$0x3FA5]  }
0x2a: {  	p0 =	seq.s32 s5, $0x0;
	s5 =	sld [smem:$0x3FA6]  }
0x2b: {  	s6 =	sld [smem:$0x3FA7]  }
0x2c: {  	s7 =	sld [smem:$0x3FA8]  }
0x2d: {  	s3 =	simm.s32 $0x108;
	s8 =	sld [smem:$0x3FA9]  }
0x2e: {  	s3 =	simm.s32 @!p0 $0x1082;
	s9 =	sld [smem:$0x3FAA]  }
0x2f: {  	lr =	sadd.s32 s0, s3;
	s0 =	sld [smem:$0x3FA1]  }
0x30: {  	s3 =	sld [smem:$0x3FA4]  }
0x31: {  	[smem:$0x3FAD] =	sst s10  }
0x32: {  	s10 =	sld [smem:$0x3FAB];
	_ =	sdelay $0x3  }
0x33: {  	p0 =	seq.s32 s10, $0x1;
	s10 =	sld [smem:$0x3FAD];
	_ =	sdelay $0x3  }
0x34: {  	[smem:$0x3FAD] =	sst s10  }
0x35: {  	s10 =	sld [smem:$0x3FAC];
	_ =	sdelay $0x3  }
0x36: {  	p1 =	seq.s32 s10, $0x1;
	s10 =	sld [smem:$0x3FAD];
	_ =	sdelay $0x3  }
0x37: {  	[smem:$0x3FAD] =	sst s10  }
0x38: {  	s10 =	sld [smem:$0x3FAE]  }
0x39: {  	_ = 	snop;
	(pc) =	sbr.ind lr, $3  }
0x3a: {  	_ = 	snop  }
0x3b: {  	_ = 	snop  }
0x3c: {  	p2 =	seq.s32 s10, $0x1;
	s10 =	sld [smem:$0x3FAD]  }
0x3d: {  	_ =	shalt  }
0x3e: {  	_ =	shalt  }
0x3f: {  	_ =	shalt  }
0x40: {  	_ =	shalt  }
0x41: {  	_ =	shalt  }
0x42: {  	_ =	shalt  }
0x43: {  	_ =	shalt  }
0x44: {  	_ =	shalt  }
0x45: {  	_ =	shalt  }
0x46: {  	_ =	shalt  }
0x47: {  	_ =	shalt  }
0x48: {  	_ =	shalt  }
0x49: {  	_ =	shalt  }
0x4a: {  	_ =	shalt  }
0x4b: {  	_ =	shalt  }
0x4c: {  	_ =	shalt  }
0x4d: {  	_ =	shalt  }
0x4e: {  	_ =	shalt  }
0x4f: {  	_ =	shalt  }
0x50: {  	_ =	shalt  }
0x51: {  	_ =	shalt  }
0x52: {  	_ =	shalt  }
0x53: {  	_ =	shalt  }
0x54: {  	_ =	shalt  }
0x55: {  	_ =	shalt  }
0x56: {  	_ =	shalt  }
0x57: {  	_ =	shalt  }
0x58: {  	_ =	shalt  }
0x59: {  	_ =	shalt  }
0x5a: {  	_ =	shalt  }
0x5b: {  	_ =	shalt  }
0x5c: {  	_ =	shalt  }
0x5d: {  	_ =	shalt  }
0x5e: {  	_ =	shalt  }
0x5f: {  	_ =	shalt  }
0x60: {  	_ =	shalt  }
0x61: {  	_ =	shalt  }
0x62: {  	_ =	shalt  }
0x63: {  	_ =	shalt  }
0x64: {  	_ =	shalt  }
0x65: {  	_ =	shalt  }
0x66: {  	_ =	shalt  }
0x67: {  	_ =	shalt  }
0x68: {  	_ =	shalt  }
0x69: {  	_ =	shalt  }
0x6a: {  	_ =	shalt  }
0x6b: {  	_ =	shalt  }
0x6c: {  	_ =	shalt  }
0x6d: {  	_ =	shalt  }
0x6e: {  	_ =	shalt  }
0x6f: {  	_ =	shalt  }
0x70: {  	_ =	shalt  }
0x71: {  	_ =	shalt  }
0x72: {  	_ =	shalt  }
0x73: {  	_ =	shalt  }
0x74: {  	_ =	shalt  }
0x75: {  	_ =	shalt  }
0x76: {  	_ =	shalt  }
0x77: {  	_ =	shalt  }
0x78: {  	_ =	shalt  }
0x79: {  	_ =	shalt  }
0x7a: {  	_ =	shalt  }
0x7b: {  	_ =	shalt  }
0x7c: {  	_ =	shalt  }
0x7d: {  	_ =	shalt  }
0x7e: {  	_ =	shalt  }
0x7f: {  	_ =	shalt  }
0x80: {  	_ =	shalt  }
0x81: {  	_ =	shalt  }
0x82: {  	_ =	shalt  }
0x83: {  	_ =	shalt  }
0x84: {  	_ =	shalt  }
0x85: {  	_ =	shalt  }
0x86: {  	_ =	shalt  }
0x87: {  	_ =	shalt  }
.Lfunc_end0:
.L_simem_size_0:
called_computation.1_lowered:
.L_overlay_start_0:
0x88: {  	s2 =	sld [smem:$0x3FD9]  }
0x89: {  	s3 =	sld [smem:$0x3FFE];
	_ =	sdelay $0x1  }
0x8a: {  	s1 =	srdreg.scid  }
0x8b: {  	s0 =	sand.u32 $0x1, s1  }
0x8c: {  	s14 =	sshll.u32 s0, $0xA;
	s2 =	sadd.s32 s3, s2  }
0x8d: {  	s2 =	sadd.s32 s2, s14  }
0x8e: {  	[smem:$0x3FB9] =	sst s2  }
0x8f: {  	_ = 	snop  }
0x90: {  	s2 =	sld [smem:$0x3FD0];
	_ =	sdelay $0x1  }
0x91: {  	s15 =	sld [smem:$0x3FC7]  }
0x92: {  	s5 =	simm.s32 $0xA;
	s6 =	simm.s32 $0x10;
	s4 =	sld [smem:$0x3FC6]  }
0x93: {  	[smem:s6], [sflag:s5] =	dma.local [hbm:s2], $0x1  }
0x94: {  	_ =	swait.eq [sflag:s5], $0x1  }
0x95: {  	[sflag:s5] =	ssyncset.done $0x0  }
0x96: {  	s16 =	sld [smem:$0x11];
	[sflag:s5] =	ssyncadd.s32 $0xFFFFFFFF  }
0x97: {  	s17 =	sld [smem:$0x12];
	(tm) =	ssettm $0x1  }
0x98: {  	s18 =	sld [smem:$0x3FFB];
	_ =	sdelay $0x3  }
0x99: {  	_ =	strace s18  }
0x9a: {  	s6 =	sld [smem:$0x3FFC];
	_ =	sdelay $0x3  }
0x9b: {  	_ =	strace s6  }
0x9c: {  	s6 =	sld [smem:$0x3FFD];
	_ =	sdelay $0x3  }
0x9d: {  	_ =	strace s6  }
0x9e: {  	_ =	strace $0x8FFFFFFF  }
0x9f: {  	s19 =	sld [smem:$0x3FDB];
	_ =	sdelay $0x1  }
0xa0: {  	s7 =	simm.s32 $_scs_section_size  }
0xa1: {  	s8 =	simm.s32 $_size__tile_overlayer_lowered;
	s9 =	simm.s32 $_tile_overlayer_lowered  }
0xa2: {  	s22 =	simm.s32 $0x1BFF;
	s21 =	sshll.u32 s9, $0x1;
	s6 =	sadd.s32 s7, s19  }
0xa3: {  	s10 =	simm.s32 $0x0;
	s20 =	sshll.u32 s8, $0x1;
	s8 =	sadd.s32 s21, s6  }
0xa4: {  	[timem:s10], [sflag:s22] =	dma.local [hbm:s8], s20  }
0xa5: {  	_ =	swait.ge [sflag:s22], s20  }
0xa6: {  	s7 =	ssub.s32 $0x0, s20;
	[sflag:s22] =	ssyncset.done $0x0  }
0xa7: {  	[sflag:s22] =	ssyncadd.s32 s7;
	_ =	sdelay $0x1  }
0xa8: {  	s23 =	simm.s32 $0x1B8B  }
0xa9: {  	_ =	swait.ge [sflag:s23], $0x1  }
0xaa: {  	[sflag:s23] =	ssyncset.done $0x0  }
0xab: {  	s25 =	simm.s32 $0x1B8E;
	s24 =	sld [smem:$0x3FFE];
	[sflag:s23] =	ssyncadd.s32 $0xFFFFFFFF  }
0xac: {  	s26 =	simm.s32 $execute0_lowered;
	[smem:$0x3FD2] =	sst s25  }
0xad: {  	s8 =	sshll.u32 s26, $0x1;
	_ =	strace $0x80000049;
	[dreg:$0x1] =	wrdreg $0xFFFFFFFF  }
0xae: {  	s28 =	simm.s32 $_size_execute0_lowered;
	s6 =	sadd.s32 s6, s8;
	[dreg:$0x0] =	wrdreg $0x0  }
0xaf: {  	s8 =	sshll.u32 s28, $0x1;
	[dreg:$0x2] =	wrdreg s6  }
0xb0: {  	[dreg:$0x3] =	wrdreg s8  }
0xb1: {  	[dreg:$0x4] =	wrdreg $0xC0  }
0xb2: {  	_ =	task [dreg:s10], $0x5FFFF  }
0xb3: {  	[dreg:$0x1] =	wrdreg $0xFFFFFFFF  }
0xb4: {  	[dreg:$0x0] =	wrdreg $0x60  }
0xb5: {  	[dreg:$0x2] =	wrdreg s15  }
0xb6: {  	[dreg:$0x3] =	wrdreg s4  }
0xb7: {  	[dreg:$0x4] =	wrdreg s24  }
0xb8: {  	[dreg:$0x5] =	wrdreg s17  }
0xb9: {  	[dreg:$0x6] =	wrdreg s16  }
0xba: {  	[dreg:$0x7] =	wrdreg $0x9  }
0xbb: {  	_ =	task.clear_ibuf [dreg:s10], $0x8FFFF;
	_ =	strace $0x90000049  }
0xbc: {  	s29 =	simm.s32 $0x9;
	_ =	strace $0x8000004B  }
0xbd: {  	_ =	swait.ge [sflag:s29], $0x1  }
0xbe: {  	[sflag:s29] =	ssyncadd.s32 $0xFFFFFFFF  }
0xbf: {  	_ =	strace $0x9000004B  }
0xc0: {  	_ =	sfence  }
0xc1: {  	s30 =	sld [smem:$0x0];
	_ =	sdelay $0x2  }
0xc2: {  	s31 =	sshll.u32 s1, $0xD;
	s1 =	sshrl.u32 s1, $0x2  }
0xc3: {  	s3 =	sand.u32 $0x4000, s31;
	s1 =	sadd.s32 s1, s30  }
0xc4: {  	s0 =	sor.u32 s3, s0;
	s1 =	sshll.u32 s1, $0x11  }
0xc5: {  	s0 =	sor.u32 s1, s0  }
0xc6: {  	s0 =	sadd.s32 $0x8F2B, s0  }
0xc7: {  	[sflag:s0] =	ssyncadd.remote.s32 $0x1  }
0xc8: {  	_ =	sfence.sel $0xFFFF  }
0xc9: {  	[dreg:$0x0] =	wrdreg $0xFFFFFFFF;
	(pc) =	sbr.abs _section_cstart, $3  }
0xca: {  	[dreg:$0x1] =	wrdreg $0xFFFFFFFF  }
0xcb: {  	_ =	task.clear_ibuf [dreg:s10], $0x2FFFF;
	_ =	strace $0x9FFFFFFF  }
0xcc: {  	(tm) =	ssettm $0x7FFFFFFF  }
0xcd: {  	_ =	shalt  }
tec
execute0_lowered:
.L_overlay_start_1:
0x0: {  	(tag) =	ssettag $0x1  }
0x1: {  	s3 =	rddreg [dreg:$0x0]  }
0x2: {  	s5 =	rddreg [dreg:$0x1]  }
0x3: {  	s15 =	rddreg [dreg:$0x2];
	s1 =	srdreg.scid  }
0x4: {  	s24 =	rddreg [dreg:$0x3];
	s0 =	stileid.u32;
	s26 =	sand.u32 $0x1, s1  }
0x5: {  	s25 =	rddreg [dreg:$0x4];
	s4 =	sshll.u32 s0, $0xA;
	s6 =	sshll.u32 s26, $0x9  }
0x6: {  	s2 =	simm.s32 $0x0;
	s1 =	rddreg [dreg:$0x5];
	s28 =	sor.u32 s6, s4  }
0x7: {  	[smem:$0x7FF] =	sst s2;
	s6 =	sshrl.u32 s28, $0x3  }
0x8: {  	_ =	strace $0x8000004A;
	s4 =	sadd.s32 s3, s6;
	s3 =	simm.s32 $0x2  }
0x9: {  	[tilespmem:s2], [sflag:$0x2] =	stream.linear.gather [hbm4b:s4+s2], $0x200, $0x38;
	[tilespmem:$0x8400] =	vst v63  }
0xa: {  	_ =	swait.ge [sflag:s3], $0x200  }
0xb: {  	[sflag:s3] =	ssyncset.done $0x0  }
0xc: {  	s5 =	sadd.s32 s5, s6;
	s6 =	simm.s32 $0x200;
	[sflag:s3] =	ssyncadd.s32 $0xFFFFFE00  }
0xd: {  	[tilespmem:s6], [sflag:$0x2] =	stream.linear.gather [hbm4b:s5+s2], $0x200, $0x38;
	[tilespmem:$0x8400] =	vst v63  }
0xe: {  	_ =	swait.ge [sflag:s3], $0x200  }
0xf: {  	s8 =	simm.s32 $0x80;
	[sflag:s3] =	ssyncset.done $0x0  }
0x10: {  	s9 =	simm.s32 $0x400;
	s7 =	sadd.s32 $0x1EC800, s15;
	[sflag:s3] =	ssyncadd.s32 $0xFFFFFE00  }
0x11: {  	[tilespmem:s9], [sflag:$0x1] =	stream.indirect.gather [hbm4b:s7+s8], $0x20, s2, s8, $0xb8;
	[tilespmem:$0x8400] =	vst v63  }
0x12: {  	s10 =	simm.s32 $0x1400  }
0x13: {  	[tilespmem:s10], [sflag:$0x1] =	stream.indirect.gather [hbm4b:s7+s8], $0x20, s8, s8, $0xb8;
	[tilespmem:$0x8400] =	vst v63  }
0x14: {  	s11 =	simm.s32 $0x100;
	s12 =	simm.s32 $0x2400  }
0x15: {  	[tilespmem:s12], [sflag:$0x1] =	stream.indirect.gather [hbm4b:s7+s8], $0x20, s11, s8, $0xb8;
	[tilespmem:$0x8400] =	vst v63  }
0x16: {  	s13 =	simm.s32 $0x180;
	s14 =	simm.s32 $0x3400  }
0x17: {  	[tilespmem:s14], [sflag:$0x1] =	stream.indirect.gather [hbm4b:s7+s8], $0x20, s13, s8, $0xb8;
	[tilespmem:$0x8400] =	vst v63  }
0x18: {  	s16 =	simm.s32 $0x4400;
	s15 =	sadd.s32 $0x18AC00, s15  }
0x19: {  	[tilespmem:s16], [sflag:$0x1] =	stream.indirect.gather [hbm4b:s15+s8], $0x20, s6, s8, $0xb8;
	[tilespmem:$0x8400] =	vst v63  }
0x1a: {  	s17 =	simm.s32 $0x280;
	s18 =	simm.s32 $0x5400  }
0x1b: {  	[tilespmem:s18], [sflag:$0x1] =	stream.indirect.gather [hbm4b:s15+s8], $0x20, s17, s8, $0xb8;
	[tilespmem:$0x8400] =	vst v63  }
0x1c: {  	s19 =	simm.s32 $0x300;
	s20 =	simm.s32 $0x6400  }
0x1d: {  	[tilespmem:s20], [sflag:$0x1] =	stream.indirect.gather [hbm4b:s15+s8], $0x20, s19, s8, $0xb8;
	[tilespmem:$0x8400] =	vst v63  }
0x1e: {  	s21 =	simm.s32 $0x380;
	s22 =	simm.s32 $0x7400;
	s23 =	simm.s32 $0x1  }
0x1f: {  	[tilespmem:s22], [sflag:$0x1] =	stream.indirect.gather [hbm4b:s15+s8], $0x20, s21, s8, $0xb8;
	[tilespmem:$0x8400] =	vst v63  }
0x20: {  	_ =	swait.ge [sflag:s23], $0x1000  }
0x21: {  	[sflag:s23] =	ssyncset.done $0x0  }
0x22: {  	[sflag:s23] =	ssyncadd.s32 $0xFFFFF000  }
0x23: {  	_ =	swait.ge [sflag:s23], $0x1000  }
0x24: {  	[sflag:s23] =	ssyncset.done $0x0  }
0x25: {  	[sflag:s23] =	ssyncadd.s32 $0xFFFFF000  }
0x26: {  	_ =	swait.ge [sflag:s23], $0x1000  }
0x27: {  	[sflag:s23] =	ssyncset.done $0x0  }
0x28: {  	[sflag:s23] =	ssyncadd.s32 $0xFFFFF000  }
0x29: {  	_ =	swait.ge [sflag:s23], $0x1000  }
0x2a: {  	[sflag:s23] =	ssyncset.done $0x0  }
0x2b: {  	[sflag:s23] =	ssyncadd.s32 $0xFFFFF000  }
0x2c: {  	_ =	swait.ge [sflag:s23], $0x1000  }
0x2d: {  	[sflag:s23] =	ssyncset.done $0x0  }
0x2e: {  	[sflag:s23] =	ssyncadd.s32 $0xFFFFF000  }
0x2f: {  	_ =	swait.ge [sflag:s23], $0x1000  }
0x30: {  	[sflag:s23] =	ssyncset.done $0x0  }
0x31: {  	[sflag:s23] =	ssyncadd.s32 $0xFFFFF000  }
0x32: {  	_ =	swait.ge [sflag:s23], $0x1000  }
0x33: {  	[sflag:s23] =	ssyncset.done $0x0  }
0x34: {  	s26 =	ssub.s32 $0x2, s26;
	[sflag:s23] =	ssyncadd.s32 $0xFFFFF000  }
0x35: {  	s29 =	sshrl.u32 s26, $0x1;
	_ =	swait.ge [sflag:s23], $0x1000  }
0x36: {  	s28 =	sshll.u32 s28, $0x2;
	s26 =	ssub.s32 s26, s29;
	[sflag:s23] =	ssyncset.done $0x0  }
0x37: {  	s24 =	sadd.s32 s24, s28;
	s26 =	smax.u32 s26, $0x1;
	[sflag:s23] =	ssyncadd.s32 $0xFFFFF000  }
0x38: {  	[hbm4b:s24+s2] =	stream.linear.scatter [tilespmem:s9], [sflag:$0x2], $0x4000, $0x38;
	[tilespmem:$0x8400] =	vst v63  }
0x39: {  	p0 =	sne.s32 s26, $0x1;
	_ =	swait.ge [sflag:s3], $0x4000  }
.Ltmp0:
0x3a: {  	[sflag:s3] =	ssyncset.done $0x0;
	(pc) =	sbr.rel @!p0 .LBB2_2-.Ltmp0, $4  }
0x3b: {  	s25 =	sadd.s32 s25, s28;
	[sflag:s3] =	ssyncadd.s32 $0xFFFFC000  }
0x3c: {  	[hbm4b:s25+s2] =	stream.linear.scatter [tilespmem:s16], [sflag:$0x2], $0x4000, $0x38;
	[tilespmem:$0x8400] =	vst v63  }
0x3d: {  	_ =	swait.ge [sflag:s3], $0x4000  }
0x3e: {  	s26 =	sadd.s32 $0xFFFFFFFF, s26;
	[sflag:s3] =	ssyncset.done $0x0  }
.LBB2_1:
0x3f: {  	p0 =	sne.s32 s26, $0x1;
	s26 =	sadd.s32 $0xFFFFFFFF, s26;
	[sflag:s3] =	ssyncadd.s32 $0xFFFFC000  }
0x40: {  	[tilespmem:s2], [sflag:$0x2] =	stream.linear.gather [hbm4b:s4+s2], $0x200, $0x38;
	[tilespmem:$0x8400] =	vst v63  }
0x41: {  	_ =	swait.ge [sflag:s3], $0x200  }
0x42: {  	[sflag:s3] =	ssyncset.done $0x0  }
0x43: {  	[sflag:s3] =	ssyncadd.s32 $0xFFFFFE00  }
0x44: {  	[tilespmem:s6], [sflag:$0x2] =	stream.linear.gather [hbm4b:s5+s2], $0x200, $0x38;
	[tilespmem:$0x8400] =	vst v63  }
0x45: {  	_ =	swait.ge [sflag:s3], $0x200  }
0x46: {  	[sflag:s3] =	ssyncset.done $0x0  }
0x47: {  	[sflag:s3] =	ssyncadd.s32 $0xFFFFFE00  }
0x48: {  	[tilespmem:s9], [sflag:$0x1] =	stream.indirect.gather [hbm4b:s7+s8], $0x20, s2, s8, $0xb8;
	[tilespmem:$0x8400] =	vst v63  }
0x49: {  	_ = 	snop  }
0x4a: {  	[tilespmem:s10], [sflag:$0x1] =	stream.indirect.gather [hbm4b:s7+s8], $0x20, s8, s8, $0xb8;
	[tilespmem:$0x8400] =	vst v63  }
0x4b: {  	_ = 	snop  }
0x4c: {  	[tilespmem:s12], [sflag:$0x1] =	stream.indirect.gather [hbm4b:s7+s8], $0x20, s11, s8, $0xb8;
	[tilespmem:$0x8400] =	vst v63  }
0x4d: {  	_ = 	snop  }
0x4e: {  	[tilespmem:s14], [sflag:$0x1] =	stream.indirect.gather [hbm4b:s7+s8], $0x20, s13, s8, $0xb8;
	[tilespmem:$0x8400] =	vst v63  }
0x4f: {  	_ = 	snop  }
0x50: {  	[tilespmem:s16], [sflag:$0x1] =	stream.indirect.gather [hbm4b:s15+s8], $0x20, s6, s8, $0xb8;
	[tilespmem:$0x8400] =	vst v63  }
0x51: {  	_ = 	snop  }
0x52: {  	[tilespmem:s18], [sflag:$0x1] =	stream.indirect.gather [hbm4b:s15+s8], $0x20, s17, s8, $0xb8;
	[tilespmem:$0x8400] =	vst v63  }
0x53: {  	_ = 	snop  }
0x54: {  	[tilespmem:s20], [sflag:$0x1] =	stream.indirect.gather [hbm4b:s15+s8], $0x20, s19, s8, $0xb8;
	[tilespmem:$0x8400] =	vst v63  }
0x55: {  	_ = 	snop  }
0x56: {  	[tilespmem:s22], [sflag:$0x1] =	stream.indirect.gather [hbm4b:s15+s8], $0x20, s21, s8, $0xb8;
	[tilespmem:$0x8400] =	vst v63  }
0x57: {  	_ =	swait.ge [sflag:s23], $0x1000  }
0x58: {  	[sflag:s23] =	ssyncset.done $0x0  }
0x59: {  	[sflag:s23] =	ssyncadd.s32 $0xFFFFF000  }
0x5a: {  	_ =	swait.ge [sflag:s23], $0x1000  }
0x5b: {  	[sflag:s23] =	ssyncset.done $0x0  }
0x5c: {  	[sflag:s23] =	ssyncadd.s32 $0xFFFFF000  }
0x5d: {  	_ =	swait.ge [sflag:s23], $0x1000  }
0x5e: {  	[sflag:s23] =	ssyncset.done $0x0  }
0x5f: {  	[sflag:s23] =	ssyncadd.s32 $0xFFFFF000  }
0x60: {  	_ =	swait.ge [sflag:s23], $0x1000  }
0x61: {  	[sflag:s23] =	ssyncset.done $0x0  }
0x62: {  	[sflag:s23] =	ssyncadd.s32 $0xFFFFF000  }
0x63: {  	_ =	swait.ge [sflag:s23], $0x1000  }
0x64: {  	[sflag:s23] =	ssyncset.done $0x0  }
0x65: {  	[sflag:s23] =	ssyncadd.s32 $0xFFFFF000  }
0x66: {  	_ =	swait.ge [sflag:s23], $0x1000  }
0x67: {  	[sflag:s23] =	ssyncset.done $0x0  }
0x68: {  	[sflag:s23] =	ssyncadd.s32 $0xFFFFF000  }
0x69: {  	_ =	swait.ge [sflag:s23], $0x1000  }
0x6a: {  	[sflag:s23] =	ssyncset.done $0x0  }
0x6b: {  	[sflag:s23] =	ssyncadd.s32 $0xFFFFF000  }
0x6c: {  	_ =	swait.ge [sflag:s23], $0x1000  }
0x6d: {  	[sflag:s23] =	ssyncset.done $0x0  }
0x6e: {  	[sflag:s23] =	ssyncadd.s32 $0xFFFFF000  }
0x6f: {  	[hbm4b:s24+s2] =	stream.linear.scatter [tilespmem:s9], [sflag:$0x2], $0x4000, $0x38;
	[tilespmem:$0x8400] =	vst v63  }
0x70: {  	_ =	swait.ge [sflag:s3], $0x4000  }
.Ltmp1:
0x71: {  	[sflag:s3] =	ssyncset.done $0x0;
	(pc) =	sbr.rel @p0 .LBB2_1-.Ltmp1, $4  }
0x72: {  	[sflag:s3] =	ssyncadd.s32 $0xFFFFC000  }
0x73: {  	[hbm4b:s25+s2] =	stream.linear.scatter [tilespmem:s16], [sflag:$0x2], $0x4000, $0x38;
	[tilespmem:$0x8400] =	vst v63  }
0x74: {  	_ =	swait.ge [sflag:s3], $0x4000  }
0x75: {  	[sflag:s3] =	ssyncset.done $0x0  }
.LBB2_2:
0x76: {  	[sflag:s3] =	ssyncadd.s32 $0xFFFFC000  }
0x77: {  	_ =	sfence.sel $0x180000  }
0x78: {  	[bflag:$0x0] =	sbarrier.arrive $0xFFFF  }
0x79: {  	p0 =	sne.s32 s0, $0x0;
	_ =	strace $0x9000004A  }
0x7a: {  	s0 =	sadd.s32 @!p0 $0x100000, s1;
	[bflag:$0x2] =	sbarrier.arrive $0xFFFF  }
0x7b: {  	[sflag:s0] =	ssyncadd.tile.s32 @!p0 $0x1;
	_ =	shalt  }
.Lfunc_end2:
_tile_overlayer_lowered:
.L_overlay_start_2:
0x7c: {  	(tag) =	ssettag $0x2  }
0x7d: {  	s0 =	rddreg [dreg:$0x0];
	s2 =	stileid.u32  }
0x7e: {  	s1 =	rddreg [dreg:$0x1];
	p0 =	sne.s32 s2, $0x0  }
0x7f: {  	s3 =	rddreg [dreg:$0x2];
	[bflag:$0x3] =	sbarrier.arrive $0xFFFF;
	s2 =	simm.s32 @!p0 $0x1C02  }
0x80: {  	[timem:s3], [sflag:s2] =	dma.local @!p0 [hbm:s0], s1  }
0x81: {  	s0 =	simm.s32 @!p0 $0x2  }
0x82: {  	_ =	swait.ge @!p0 [sflag:s0], s1  }
0x83: {  	s1 =	ssub.s32 @!p0 $0x0, s1;
	[sflag:s0] =	ssyncset.done @!p0 $0x0  }
0x84: {  	[sflag:s0] =	ssyncadd.s32 @!p0 s1  }
0x85: {  	[bflag:$0x3] =	sbarrier.arrive $0xFFFF  }
0x86: {  	_ =	shalt  }

</sc_bundles>
